<compile_context>
chip_gen: v7x
topology: tpu7x:2x2x1
jax: 0.10.2.dev20260603
libtpu: 0.0.44.dev20260713+nightly
codegen_flags: <defaults>
</compile_context>

<pallas_src>
import functools

import jax
import jax.numpy as jnp
from jax import lax
from jax.experimental import pallas as pl
from jax.experimental.pallas import tpu as pltpu
from jax.experimental.pallas import tpu_sc as plsc

N = 10000
G = 64
NP = 10240
RPS = NP // 16
B = 128
E = 320000
EP = 327680
NCH = EP // (16 * B)
DCH = EP // (32 * B)
D = 128
BLK = 256
NBLK = NP // BLK

_mesh = plsc.VectorSubcoreMesh(core_axis_name="c", subcore_axis_name="s")



def _sc_degree(dstd):

    @functools.partial(
        pl.kernel,
        mesh=_mesh,
        out_type=jax.ShapeDtypeStruct((2, NP, 16), jnp.float32),
        scratch_types=[
            pltpu.VMEM((DCH, B), jnp.int32),
            pltpu.VMEM((B, 16), jnp.float32),
            pltpu.VMEM_SHARED((NP, 16), jnp.float32),
        ],
        compiler_params=pltpu.CompilerParams(use_tc_tiling_on_sc=False),
    )
    def k(dstd_hbm, out_hbm, idx_v, ones_v, acc):
        c = lax.axis_index("c")
        s = lax.axis_index("s")
        r0 = s * RPS
        zero16 = jnp.zeros((16,), jnp.float32)

        @pl.loop(0, B)
        def _(i):
            ones_v[i] = zero16

        @pl.loop(0, RPS // B)
        def _(kk):
            pltpu.sync_copy(ones_v, acc.at[pl.ds(r0 + kk * B, B)])

        one16 = jnp.ones((16,), jnp.float32)

        @pl.loop(0, B)
        def _(i):
            ones_v[i] = one16

        pltpu.sync_copy(dstd_hbm.at[pl.ds((c * 16 + s) * DCH, DCH)], idx_v)
        plsc.subcore_barrier()

        @pl.loop(0, DCH)
        def _(j):
            pltpu.sync_copy(ones_v, acc.at[idx_v.at[j]], add=True)

        plsc.subcore_barrier()
        pltpu.sync_copy(acc.at[pl.ds(r0, RPS)], out_hbm.at[c, pl.ds(r0, RPS)])

    return k(dstd)


IB = 16


def _agg_loop(table_hbm, acc, src_hbm, dst_hbm, slab0, nch,
              srcb, dstb, row0, row1, sem0, sem1, isem):
    pltpu.sync_copy(src_hbm.at[pl.ds(slab0, IB)], srcb.at[0])
    pltpu.sync_copy(dst_hbm.at[pl.ds(slab0, IB)], dstb.at[0])
    pltpu.async_copy(table_hbm.at[srcb.at[0].at[0]], row0, sem0)

    @pl.loop(0, nch, step=2)
    def _(t):
        g = t // IB
        r = t - g * IB
        gb = g % 2
        nb = (g + 1) % 2

        @pl.when((r == 0) & (t + IB < nch))
        def _():
            pltpu.async_copy(src_hbm.at[pl.ds(slab0 + (g + 1) * IB, IB)],
                             srcb.at[nb], isem)
            pltpu.async_copy(dst_hbm.at[pl.ds(slab0 + (g + 1) * IB, IB)],
                             dstb.at[nb], isem)

        pltpu.async_copy(table_hbm.at[srcb.at[gb].at[r + 1]], row1, sem1)
        pltpu.make_async_copy(table_hbm.at[srcb.at[gb].at[r]], row0,
                              sem0).wait()
        pltpu.sync_copy(row0, acc.at[dstb.at[gb].at[r]], add=True)

        @pl.when(r == IB - 2)
        def _():
            @pl.when(t + 2 < nch)
            def _():
                pltpu.make_async_copy(
                    src_hbm.at[pl.ds(slab0 + (g + 1) * IB, IB)],
                    srcb.at[nb], isem).wait()
                pltpu.make_async_copy(
                    dst_hbm.at[pl.ds(slab0 + (g + 1) * IB, IB)],
                    dstb.at[nb], isem).wait()
                pltpu.async_copy(table_hbm.at[srcb.at[nb].at[0]], row0, sem0)

        @pl.when(r != IB - 2)
        def _():
            pltpu.async_copy(table_hbm.at[srcb.at[gb].at[r + 2]], row0, sem0)

        pltpu.make_async_copy(table_hbm.at[srcb.at[gb].at[r + 1]], row1,
                              sem1).wait()
        pltpu.sync_copy(row1, acc.at[dstb.at[gb].at[r + 1]], add=True)


def _sc_agg_cols(table, src2, dst2):

    @functools.partial(
        pl.kernel,
        mesh=_mesh,
        out_type=jax.ShapeDtypeStruct((2 * NP, D), jnp.float32),
        scratch_types=[
            pltpu.VMEM((2, IB, B), jnp.int32),
            pltpu.VMEM((2, IB, B), jnp.int32),
            pltpu.VMEM((B, D), jnp.float32),
            pltpu.VMEM((B, D), jnp.float32),
            pltpu.VMEM_SHARED((NP, D), jnp.float32),
            pltpu.SemaphoreType.DMA,
            pltpu.SemaphoreType.DMA,
            pltpu.SemaphoreType.DMA,
        ],
        compiler_params=pltpu.CompilerParams(use_tc_tiling_on_sc=False),
    )
    def k(table_hbm, src_hbm, dst_hbm, out_hbm,
          srcb, dstb, row0, row1, acc, sem0, sem1, isem):
        c = lax.axis_index("c")
        s = lax.axis_index("s")
        r0 = s * RPS
        base = c * NP
        pltpu.sync_copy(table_hbm.at[pl.ds(base + r0, RPS)],
                        acc.at[pl.ds(r0, RPS)])
        plsc.subcore_barrier()
        _agg_loop(table_hbm, acc,
                  src_hbm.at[pl.ds((c * 16 + s) * NCH, NCH)],
                  dst_hbm.at[pl.ds(s * NCH, NCH)],
                  0, NCH, srcb, dstb, row0, row1, sem0, sem1, isem)
        plsc.subcore_barrier()
        pltpu.sync_copy(acc.at[pl.ds(r0, RPS)],
                        out_hbm.at[pl.ds(base + r0, RPS)])

    return k(table, src2, dst2)


def _sc_agg_edges(table, srcd, dstd):

    @functools.partial(
        pl.kernel,
        mesh=_mesh,
        out_type=jax.ShapeDtypeStruct((2, NP, D), jnp.float32),
        scratch_types=[
            pltpu.VMEM((2, IB, B), jnp.int32),
            pltpu.VMEM((2, IB, B), jnp.int32),
            pltpu.VMEM((B, D), jnp.float32),
            pltpu.VMEM((B, D), jnp.float32),
            pltpu.VMEM_SHARED((NP, D), jnp.float32),
            pltpu.SemaphoreType.DMA,
            pltpu.SemaphoreType.DMA,
            pltpu.SemaphoreType.DMA,
        ],
        compiler_params=pltpu.CompilerParams(use_tc_tiling_on_sc=False),
    )
    def k(table_hbm, src_hbm, dst_hbm, out_hbm,
          srcb, dstb, row0, row1, acc, sem0, sem1, isem):
        c = lax.axis_index("c")
        s = lax.axis_index("s")
        r0 = s * RPS

        @pl.when(c == 0)
        def _():
            pltpu.sync_copy(table_hbm.at[pl.ds(r0, RPS)],
                            acc.at[pl.ds(r0, RPS)])

        @pl.when(c == 1)
        def _():
            zero16 = jnp.zeros((16,), jnp.float32)

            @pl.loop(0, B)
            def _(i):
                @pl.loop(0, D // 16)
                def _(kk):
                    row0[i, pl.ds(kk * 16, 16)] = zero16

            @pl.loop(0, RPS // B)
            def _(kk):
                pltpu.sync_copy(row0, acc.at[pl.ds(r0 + kk * B, B)])

        plsc.subcore_barrier()
        _agg_loop(table_hbm, acc,
                  src_hbm.at[pl.ds((c * 16 + s) * DCH, DCH)],
                  dst_hbm.at[pl.ds((c * 16 + s) * DCH, DCH)],
                  0, DCH, srcb, dstb, row0, row1, sem0, sem1, isem)
        plsc.subcore_barrier()
        pltpu.sync_copy(acc.at[pl.ds(r0, RPS)],
                        out_hbm.at[c, pl.ds(r0, RPS)])

    return k(table, srcd, dstd)



def _dis_block(deg_ref, i):
    deg = deg_ref[0, :, 0:1] + deg_ref[1, :, 0:1] + 1.0
    dis = lax.rsqrt(deg)
    rows = i * BLK + lax.broadcasted_iota(jnp.int32, (BLK, 1), 0)
    return jnp.where(rows < N, dis, 0.0)


def _tc_prep(degp, x_pad):

    def body(deg_ref, x_ref, o_ref):
        dis = _dis_block(deg_ref, pl.program_id(0))
        o_ref[...] = dis * x_ref[...]

    return pl.pallas_call(
        body,
        grid=(NBLK,),
        in_specs=[pl.BlockSpec((2, BLK, 16), lambda i: (0, i, 0)),
                  pl.BlockSpec((BLK, 128), lambda i: (i, 0))],
        out_specs=pl.BlockSpec((BLK, 128), lambda i: (i, 0)),
        out_shape=jax.ShapeDtypeStruct((NP, 128), jnp.float32),
    )(degp, x_pad)


def _matmul(a, w_ref, b_ref):
    y = lax.dot_general(a, w_ref[...], (((1,), (0,)), ((), ())),
                        preferred_element_type=jnp.float32,
                        precision=lax.Precision.HIGHEST)
    return y + b_ref[...]


def _combine(agg_ref, mode):
    if mode == "sum":
        return agg_ref[0] + agg_ref[1]
    return jnp.concatenate([agg_ref[0], agg_ref[1]], axis=1)


def _tc_layer(agg, degp, W, b, mode):

    def body(agg_ref, deg_ref, w_ref, b_ref, o_ref):
        dis = _dis_block(deg_ref, pl.program_id(0))
        t = jnp.maximum(
            _matmul(dis * _combine(agg_ref, mode), w_ref, b_ref), 0.0)
        o_ref[0] = dis * t[:, :128]
        o_ref[1] = dis * t[:, 128:]

    return pl.pallas_call(
        body,
        grid=(NBLK,),
        in_specs=[pl.BlockSpec((2, BLK, D), lambda i: (0, i, 0)),
                  pl.BlockSpec((2, BLK, 16), lambda i: (0, i, 0)),
                  pl.BlockSpec(W.shape, lambda i: (0, 0)),
                  pl.BlockSpec((1, 256), lambda i: (0, 0))],
        out_specs=pl.BlockSpec((2, BLK, 128), lambda i: (0, i, 0)),
        out_shape=jax.ShapeDtypeStruct((2, NP, 128), jnp.float32),
    )(agg, degp, W, b.reshape(1, -1))


def _tc_final(agg, degp, W3, b3, batch3, lin_W, lin_b):

    def body(agg_ref, deg_ref, w_ref, b_ref, bat_ref, lw_ref, lb_ref,
             o_ref, sums, counts):
        i = pl.program_id(0)
        dis = _dis_block(deg_ref, i)
        h3 = jnp.maximum(
            _matmul(dis * _combine(agg_ref, "concat"), w_ref, b_ref), 0.0)
        bat = bat_ref[0, 0, :]
        gids = lax.broadcasted_iota(jnp.int32, (G, BLK), 0)
        onehot_t = (gids == bat[None, :]).astype(jnp.float32)
        ps = lax.dot_general(onehot_t, h3, (((1,), (0,)), ((), ())),
                             preferred_element_type=jnp.float32,
                             precision=lax.Precision.HIGHEST)
        pc = jnp.broadcast_to(jnp.sum(onehot_t, axis=1, keepdims=True),
                              (G, 128))

        @pl.when(i == 0)
        def _():
            sums[...] = ps
            counts[...] = pc

        @pl.when(i > 0)
        def _():
            sums[...] += ps
            counts[...] += pc

        @pl.when(i == NBLK - 1)
        def _():
            pooled = sums[...] / jnp.maximum(counts[:, 0:1], 1.0)
            o_ref[...] = lax.dot_general(
                pooled, lw_ref[...], (((1,), (0,)), ((), ())),
                preferred_element_type=jnp.float32,
                precision=lax.Precision.HIGHEST) + lb_ref[...]

    return pl.pallas_call(
        body,
        grid=(NBLK,),
        in_specs=[pl.BlockSpec((2, BLK, D), lambda i: (0, i, 0)),
                  pl.BlockSpec((2, BLK, 16), lambda i: (0, i, 0)),
                  pl.BlockSpec(W3.shape, lambda i: (0, 0)),
                  pl.BlockSpec((1, 256), lambda i: (0, 0)),
                  pl.BlockSpec((1, 1, BLK), lambda i: (i, 0, 0)),
                  pl.BlockSpec(lin_W.shape, lambda i: (0, 0)),
                  pl.BlockSpec((1, 16), lambda i: (0, 0))],
        out_specs=pl.BlockSpec((G, 16), lambda i: (0, 0)),
        out_shape=jax.ShapeDtypeStruct((G, 16), jnp.float32),
        scratch_shapes=[pltpu.VMEM((G, 256), jnp.float32),
                        pltpu.VMEM((G, 128), jnp.float32)],
    )(agg, degp, W3, b3.reshape(1, -1), batch3, lin_W, lin_b.reshape(1, -1))



def kernel(x, edge_index, batch, W1, b1, W2, b2, W3, b3, lin_W, lin_b):
    src = edge_index[0]
    dst = edge_index[1]
    pad = EP - E
    src_p = jnp.concatenate([src, jnp.full((pad,), N, jnp.int32)])
    dst_p = jnp.concatenate([dst, jnp.full((pad,), N, jnp.int32)])
    src2 = (src_p.reshape(1, 16 * NCH, B)
            + jnp.array([0, NP], jnp.int32)[:, None, None]).reshape(-1, B)
    dst2 = dst_p.reshape(16 * NCH, B)
    srcd = src_p.reshape(32 * DCH, B)
    dstd = dst_p.reshape(32 * DCH, B)
    x_pad = jnp.concatenate([x, jnp.zeros((NP - N, 128), jnp.float32)])
    batch3 = jnp.concatenate(
        [batch, jnp.full((NP - N,), G, jnp.int32)]).reshape(NBLK, 1, BLK)

    degp = _sc_degree(dstd)
    table1 = _tc_prep(degp, x_pad)
    agg1 = _sc_agg_edges(table1, srcd, dstd)
    table2 = _tc_layer(agg1, degp, W1, b1, "sum")
    agg2 = _sc_agg_cols(table2.reshape(2 * NP, D), src2, dst2)
    table3 = _tc_layer(agg2.reshape(2, NP, D), degp, W2, b2, "concat")
    agg3 = _sc_agg_cols(table3.reshape(2 * NP, D), src2, dst2)
    return _tc_final(agg3.reshape(2, NP, D), degp, W3, b3,
                     batch3, lin_W, lin_b)

# --- scband reference (transcript-rebuilt; emitter-appended) ---
"""Pipeline reference for scband-gcn-37237366456902 (READ-ONLY COPY).

The authoritative reference and input builder live on the scoring server;
editing this copy changes nothing except your own understanding.
"""

import jax, jax.numpy as jnp
import numpy as np

N = 10000
E = 320000
G = 64
D_IN = 128
D_HID = 256
D_OUT = 16


def setup_inputs(seed: int = 0) -> dict:
    key = jax.random.key(seed)
    ks = jax.random.split(key, 12)
    x = jax.random.normal(ks[0], (N, D_IN), dtype=jnp.float32)
    edge_index = jax.random.randint(ks[1], (2, E), 0, N, dtype=jnp.int32)
    batch = jnp.sort(jax.random.randint(ks[2], (N,), 0, G, dtype=jnp.int32))
    def glorot(k, fan_in, fan_out):
        s = jnp.sqrt(2.0 / (fan_in + fan_out))
        return jax.random.normal(k, (fan_in, fan_out), dtype=jnp.float32) * s
    W1 = glorot(ks[3], D_IN, D_HID)
    b1 = jnp.zeros((D_HID,), dtype=jnp.float32)
    W2 = glorot(ks[4], D_HID, D_HID)
    b2 = jnp.zeros((D_HID,), dtype=jnp.float32)
    W3 = glorot(ks[5], D_HID, D_HID)
    b3 = jnp.zeros((D_HID,), dtype=jnp.float32)
    lin_W = glorot(ks[6], D_HID, D_OUT)
    lin_b = jnp.zeros((D_OUT,), dtype=jnp.float32)
    return {"x": x, "edge_index": edge_index, "batch": batch,
            "W1": W1, "b1": b1, "W2": W2, "b2": b2, "W3": W3, "b3": b3,
            "lin_W": lin_W, "lin_b": lin_b}


def reference(x, edge_index, batch, W1, b1, W2, b2, W3, b3, lin_W, lin_b):
    n = x.shape[0]
    loop = jnp.arange(n, dtype=edge_index.dtype)
    ei = jnp.concatenate([edge_index, jnp.stack([loop, loop])], axis=1)
    src, dst = ei[0], ei[1]
    # symmetric normalization D^{-1/2}(A+I)D^{-1/2}, computed once (same for all layers)
    deg = jax.ops.segment_sum(jnp.ones(src.shape[0], dtype=x.dtype), dst, num_segments=n)
    dis = jnp.where(deg > 0, 1.0 / jnp.sqrt(deg), 0.0)
    norm = dis[src] * dis[dst]

    def gcn_conv(h, W, b):
        h = h @ W
        msg = norm[:, None] * h[src]
        out = jax.ops.segment_sum(msg, dst, num_segments=n) + b
        return out

    h = x
    for W, b in ((W1, b1), (W2, b2), (W3, b3)):
        h = jax.nn.relu(gcn_conv(h, W, b))
        # dropout p=0.5 is identity in eval mode
    # global mean pool over graphs
    sums = jax.ops.segment_sum(h, batch, num_segments=G)
    counts = jax.ops.segment_sum(jnp.ones(n, dtype=h.dtype), batch, num_segments=G)
    pooled = sums / jnp.clip(counts, 1.0)[:, None]
    logits = pooled @ lin_W + lin_b
    return logits

if __name__ == "__main__":
    import jax
    _d = setup_inputs()
    print(jax.jit(kernel)(*tuple(_d.values())))

</pallas_src>

<mosaic_0001>
#map = affine_map<(d0, d1) -> (0, 0)>
#map1 = affine_map<(d0, d1) -> (0, 0, 0)>
module attributes {stable_mosaic.version = 14 : i64} {
  func.func @k(%arg0: i32, %arg1: i32, %arg2: memref<2560x128xi32, #tpu.memory_space<hbm>>, %arg3: memref<2x10240x16xf32, #tpu.memory_space<hbm>>, %arg4: memref<80x128xi32, #tpu.memory_space<vmem>>, %arg5: memref<128x16xf32, #tpu.memory_space<vmem>>, %arg6: memref<10240x16xf32, #tpu.memory_space<vmem_shared>>) attributes {dimension_semantics = [#tpu.dimension_semantics<core_parallel>, #tpu.dimension_semantics<subcore_parallel>], iteration_bounds = array<i64: 2, 16>, scalar_prefetch = 0 : i64, scratch_operands = 3 : i64, tpu.core_type = #tpu.core_type<sc_vector_subcore>, window_params = [{transform_indices = #map}, {transform_indices = #map1}]} {
    %mul3A = arith.constant 640 : i32
    %mul3A_0 = arith.muli %arg1, %mul3A : i32
    %broadcast_in_dim3A = arith.constant 0.000000e+00 : f32
    %broadcast_in_dim3A_1 = vector.broadcast %broadcast_in_dim3A : f32 to vector<16xf32>
    %scan3A = arith.constant 0 : i32
    %scan3A_2 = arith.constant 128 : i32
    %scan3A_3 = arith.addi %scan3A, %scan3A_2 : i32
    %scan3A_4 = arith.constant 1 : i32
    scf.for %scan3A_28 = %scan3A to %scan3A_3 step %scan3A_4  : i32 {
      %mul3A_29 = arith.constant 1 : i32
      %mul3A_30 = arith.muli %scan3A_28, %mul3A_29 : i32
      %add3A_31 = arith.constant 0 : i32
      %add3A_32 = arith.addi %add3A_31, %mul3A_30 : i32
      %swap3A = arith.index_cast %add3A_32 : i32 to index
      %swap3A_33 = arith.constant 0 : index
      %swap3A_34 = tpu.vector_load %arg5[%swap3A, %swap3A_33] {strides = array<i32>} : memref<128x16xf32, #tpu.memory_space<vmem>>, vector<1x16xf32>,
      %swap3A_35 = vector.shape_cast %swap3A_34 : vector<1x16xf32> to vector<16xf32>
      %swap3A_36 = vector.shape_cast %broadcast_in_dim3A_1 : vector<16xf32> to vector<1x16xf32>
      tpu.vector_store %arg5[%swap3A, %swap3A_33], %swap3A_36 {strides = array<i32>} : memref<128x16xf32, #tpu.memory_space<vmem>>, vector<1x16xf32>,
    }
    %scan3A_5 = arith.constant 128 : i32
    %scan3A_6 = arith.constant 0 : i32
    %scan3A_7 = arith.constant 5 : i32
    %scan3A_8 = arith.addi %scan3A_6, %scan3A_7 : i32
    %scan3A_9 = arith.constant 1 : i32
    scf.for %scan3A_28 = %scan3A_6 to %scan3A_8 step %scan3A_9  : i32 {
      %mul3A_29 = arith.constant 1 : i32
      %mul3A_30 = arith.muli %scan3A_28, %mul3A_29 : i32
      %add3A_31 = arith.constant 0 : i32
      %add3A_32 = arith.addi %add3A_31, %mul3A_30 : i32
      %mul3A_33 = arith.constant 128 : i32
      %mul3A_34 = arith.muli %add3A_32, %mul3A_33 : i32
      %add3A_35 = arith.addi %mul3A_0, %mul3A_34 : i32
      "tpu.region"() ({
        %run_scoped3A = tpu.sem_alloc : memref<!tpu.dma_semaphore, #tpu.memory_space<semaphore_mem>>
        %dma_start3A = arith.constant 0 : i32
        %dma_start3A_36 = tpu.memref_slice %arg6[%add3A_35, %dma_start3A] : memref<10240x16xf32, #tpu.memory_space<vmem_shared>> -> memref<128x16xf32, #tpu.memory_space<vmem_shared>>
        %dma_start3A_37 = arith.constant 0 : i32
        %dma_start3A_38 = tpu.memref_slice %arg6[%add3A_35, %dma_start3A_37] : memref<10240x16xf32, #tpu.memory_space<vmem_shared>> -> memref<128x16xf32, #tpu.memory_space<vmem_shared>>
        tpu.enqueue_dma source(%arg5 : memref<128x16xf32, #tpu.memory_space<vmem>>) target(%dma_start3A_38 : memref<128x16xf32, #tpu.memory_space<vmem_shared>>) target_semaphore(%run_scoped3A : memref<!tpu.dma_semaphore, #tpu.memory_space<semaphore_mem>>)
        %dma_wait3A = arith.constant 0 : i32
        %dma_wait3A_39 = tpu.memref_slice %arg6[%add3A_35, %dma_wait3A] : memref<10240x16xf32, #tpu.memory_space<vmem_shared>> -> memref<128x16xf32, #tpu.memory_space<vmem_shared>>
        %dma_wait3A_40 = arith.constant 0 : i32
        %dma_wait3A_41 = tpu.memref_slice %arg6[%add3A_35, %dma_wait3A_40] : memref<10240x16xf32, #tpu.memory_space<vmem_shared>> -> memref<128x16xf32, #tpu.memory_space<vmem_shared>>
        tpu.wait_dma2 semaphore(%run_scoped3A : memref<!tpu.dma_semaphore, #tpu.memory_space<semaphore_mem>>) src(%arg5 : memref<128x16xf32, #tpu.memory_space<vmem>>) dst(%dma_wait3A_41 : memref<128x16xf32, #tpu.memory_space<vmem_shared>>)
        tpu.yield
      }) : () -> ()
    }
    %scan3A_10 = arith.constant 5 : i32
    %broadcast_in_dim3A_11 = arith.constant 1.000000e+00 : f32
    %broadcast_in_dim3A_12 = vector.broadcast %broadcast_in_dim3A_11 : f32 to vector<16xf32>
    %scan3A_13 = arith.constant 0 : i32
    %scan3A_14 = arith.constant 128 : i32
    %scan3A_15 = arith.addi %scan3A_13, %scan3A_14 : i32
    %scan3A_16 = arith.constant 1 : i32
    scf.for %scan3A_28 = %scan3A_13 to %scan3A_15 step %scan3A_16  : i32 {
      %mul3A_29 = arith.constant 1 : i32
      %mul3A_30 = arith.muli %scan3A_28, %mul3A_29 : i32
      %add3A_31 = arith.constant 0 : i32
      %add3A_32 = arith.addi %add3A_31, %mul3A_30 : i32
      %swap3A = arith.index_cast %add3A_32 : i32 to index
      %swap3A_33 = arith.constant 0 : index
      %swap3A_34 = tpu.vector_load %arg5[%swap3A, %swap3A_33] {strides = array<i32>} : memref<128x16xf32, #tpu.memory_space<vmem>>, vector<1x16xf32>,
      %swap3A_35 = vector.shape_cast %swap3A_34 : vector<1x16xf32> to vector<16xf32>
      %swap3A_36 = vector.shape_cast %broadcast_in_dim3A_12 : vector<16xf32> to vector<1x16xf32>
      tpu.vector_store %arg5[%swap3A, %swap3A_33], %swap3A_36 {strides = array<i32>} : memref<128x16xf32, #tpu.memory_space<vmem>>, vector<1x16xf32>,
    }
    %scan3A_17 = arith.constant 128 : i32
    %mul3A_18 = arith.constant 16 : i32
    %mul3A_19 = arith.muli %arg0, %mul3A_18 : i32
    %add3A = arith.addi %mul3A_19, %arg1 : i32
    %mul3A_20 = arith.constant 80 : i32
    %mul3A_21 = arith.muli %add3A, %mul3A_20 : i32
    "tpu.region"() ({
      %run_scoped3A = tpu.sem_alloc : memref<!tpu.dma_semaphore, #tpu.memory_space<semaphore_mem>>
      %dma_start3A = arith.constant 0 : i32
      %dma_start3A_28 = tpu.memref_slice %arg2[%mul3A_21, %dma_start3A] : memref<2560x128xi32, #tpu.memory_space<hbm>> -> memref<80x128xi32, #tpu.memory_space<hbm>>
      %dma_start3A_29 = arith.constant 0 : i32
      %dma_start3A_30 = tpu.memref_slice %arg2[%mul3A_21, %dma_start3A_29] : memref<2560x128xi32, #tpu.memory_space<hbm>> -> memref<80x128xi32, #tpu.memory_space<hbm>>
      tpu.enqueue_dma source(%dma_start3A_30 : memref<80x128xi32, #tpu.memory_space<hbm>>) target(%arg4 : memref<80x128xi32, #tpu.memory_space<vmem>>) target_semaphore(%run_scoped3A : memref<!tpu.dma_semaphore, #tpu.memory_space<semaphore_mem>>)
      %dma_wait3A = arith.constant 0 : i32
      %dma_wait3A_31 = tpu.memref_slice %arg2[%mul3A_21, %dma_wait3A] : memref<2560x128xi32, #tpu.memory_space<hbm>> -> memref<80x128xi32, #tpu.memory_space<hbm>>
      %dma_wait3A_32 = arith.constant 0 : i32
      %dma_wait3A_33 = tpu.memref_slice %arg2[%mul3A_21, %dma_wait3A_32] : memref<2560x128xi32, #tpu.memory_space<hbm>> -> memref<80x128xi32, #tpu.memory_space<hbm>>
      tpu.wait_dma2 semaphore(%run_scoped3A : memref<!tpu.dma_semaphore, #tpu.memory_space<semaphore_mem>>) src(%dma_wait3A_33 : memref<80x128xi32, #tpu.memory_space<hbm>>) dst(%arg4 : memref<80x128xi32, #tpu.memory_space<vmem>>)
      tpu.yield
    }) : () -> ()
    %barrier3A = arith.constant 0 : index
    tpu.barrier barrier_id(%barrier3A)
    %scan3A_22 = arith.constant 0 : i32
    %scan3A_23 = arith.constant 80 : i32
    %scan3A_24 = arith.addi %scan3A_22, %scan3A_23 : i32
    %scan3A_25 = arith.constant 1 : i32
    scf.for %scan3A_28 = %scan3A_22 to %scan3A_24 step %scan3A_25  : i32 {
      %mul3A_29 = arith.constant 1 : i32
      %mul3A_30 = arith.muli %scan3A_28, %mul3A_29 : i32
      %add3A_31 = arith.constant 0 : i32
      %add3A_32 = arith.addi %add3A_31, %mul3A_30 : i32
      "tpu.region"() ({
        %run_scoped3A = tpu.sem_alloc : memref<!tpu.dma_semaphore, #tpu.memory_space<semaphore_mem>>
        %dma_start3A = arith.constant 0 : i32
        %dma_start3A_33 = tpu.memref_slice %arg4[%add3A_32, %dma_start3A] : memref<80x128xi32, #tpu.memory_space<vmem>> -> memref<1x128xi32, #tpu.memory_space<vmem>>
        %dma_start3A_34 = tpu.memref_squeeze %dma_start3A_33 : memref<1x128xi32, #tpu.memory_space<vmem>> -> memref<128xi32, #tpu.memory_space<vmem>>
        %dma_start3A_35 = arith.constant 0 : i32
        %dma_start3A_36 = arith.constant 0 : i32
        %dma_start3A_37 = tpu.memref_slice %arg6[%dma_start3A_35, %dma_start3A_36] : memref<10240x16xf32, #tpu.memory_space<vmem_shared>> -> memref<10240x16xf32, #tpu.memory_space<vmem_shared>>
        tpu.enqueue_indirect_dma source(%arg5 : memref<128x16xf32, #tpu.memory_space<vmem>>) target(%dma_start3A_37 : memref<10240x16xf32, #tpu.memory_space<vmem_shared>>) offsets(%dma_start3A_34 : memref<128xi32, #tpu.memory_space<vmem>>) semaphore(%run_scoped3A : memref<!tpu.dma_semaphore, #tpu.memory_space<semaphore_mem>>) {add = true}
        %dma_wait3A = arith.constant 0 : i32
        %dma_wait3A_38 = tpu.memref_slice %arg4[%add3A_32, %dma_wait3A] : memref<80x128xi32, #tpu.memory_space<vmem>> -> memref<1x128xi32, #tpu.memory_space<vmem>>
        %dma_wait3A_39 = tpu.memref_squeeze %dma_wait3A_38 : memref<1x128xi32, #tpu.memory_space<vmem>> -> memref<128xi32, #tpu.memory_space<vmem>>
        %dma_wait3A_40 = arith.constant 0 : i32
        %dma_wait3A_41 = arith.constant 0 : i32
        %dma_wait3A_42 = tpu.memref_slice %arg6[%dma_wait3A_40, %dma_wait3A_41] : memref<10240x16xf32, #tpu.memory_space<vmem_shared>> -> memref<10240x16xf32, #tpu.memory_space<vmem_shared>>
        tpu.wait_indirect_dma semaphore(%run_scoped3A : memref<!tpu.dma_semaphore, #tpu.memory_space<semaphore_mem>>) src(%arg5 : memref<128x16xf32, #tpu.memory_space<vmem>>) dst(%dma_wait3A_42 : memref<10240x16xf32, #tpu.memory_space<vmem_shared>>)
        tpu.yield
      }) : () -> ()
    }
    %scan3A_26 = arith.constant 80 : i32
    %barrier3A_27 = arith.constant 0 : index
    tpu.barrier barrier_id(%barrier3A_27)
    "tpu.region"() ({
      %run_scoped3A = tpu.sem_alloc : memref<!tpu.dma_semaphore, #tpu.memory_space<semaphore_mem>>
      %dma_start3A = arith.constant 0 : i32
      %dma_start3A_28 = tpu.memref_slice %arg3[%arg0, %mul3A_0, %dma_start3A] : memref<2x10240x16xf32, #tpu.memory_space<hbm>> -> memref<1x640x16xf32, #tpu.memory_space<hbm>>
      %dma_start3A_29 = tpu.memref_squeeze %dma_start3A_28 : memref<1x640x16xf32, #tpu.memory_space<hbm>> -> memref<640x16xf32, #tpu.memory_space<hbm>>
      %dma_start3A_30 = arith.constant 0 : i32
      %dma_start3A_31 = tpu.memref_slice %arg6[%mul3A_0, %dma_start3A_30] : memref<10240x16xf32, #tpu.memory_space<vmem_shared>> -> memref<640x16xf32, #tpu.memory_space<vmem_shared>>
      tpu.enqueue_dma source(%dma_start3A_31 : memref<640x16xf32, #tpu.memory_space<vmem_shared>>) target(%dma_start3A_29 : memref<640x16xf32, #tpu.memory_space<hbm>>) target_semaphore(%run_scoped3A : memref<!tpu.dma_semaphore, #tpu.memory_space<semaphore_mem>>)
      %dma_wait3A = arith.constant 0 : i32
      %dma_wait3A_32 = tpu.memref_slice %arg3[%arg0, %mul3A_0, %dma_wait3A] : memref<2x10240x16xf32, #tpu.memory_space<hbm>> -> memref<1x640x16xf32, #tpu.memory_space<hbm>>
      %dma_wait3A_33 = tpu.memref_squeeze %dma_wait3A_32 : memref<1x640x16xf32, #tpu.memory_space<hbm>> -> memref<640x16xf32, #tpu.memory_space<hbm>>
      %dma_wait3A_34 = arith.constant 0 : i32
      %dma_wait3A_35 = tpu.memref_slice %arg6[%mul3A_0, %dma_wait3A_34] : memref<10240x16xf32, #tpu.memory_space<vmem_shared>> -> memref<640x16xf32, #tpu.memory_space<vmem_shared>>
      tpu.wait_dma2 semaphore(%run_scoped3A : memref<!tpu.dma_semaphore, #tpu.memory_space<semaphore_mem>>) src(%dma_wait3A_35 : memref<640x16xf32, #tpu.memory_space<vmem_shared>>) dst(%dma_wait3A_33 : memref<640x16xf32, #tpu.memory_space<hbm>>)
      tpu.yield
    }) : () -> ()
    return
  }
}

#map = affine_map<(d0, d1) -> (0, 0)>
#map1 = affine_map<(d0, d1) -> (0, 0, 0)>
module attributes {stable_mosaic.version = 14 : i64} {
  func.func @k(%arg0: i32, %arg1: i32, %arg2: memref<10240x128xf32, #tpu.memory_space<hbm>>, %arg3: memref<2560x128xi32, #tpu.memory_space<hbm>>, %arg4: memref<2560x128xi32, #tpu.memory_space<hbm>>, %arg5: memref<2x10240x128xf32, #tpu.memory_space<hbm>>, %arg6: memref<2x16x128xi32, #tpu.memory_space<vmem>>, %arg7: memref<2x16x128xi32, #tpu.memory_space<vmem>>, %arg8: memref<128x128xf32, #tpu.memory_space<vmem>>, %arg9: memref<128x128xf32, #tpu.memory_space<vmem>>, %arg10: memref<10240x128xf32, #tpu.memory_space<vmem_shared>>, %arg11: memref<!tpu.dma_semaphore, #tpu.memory_space<semaphore_mem>>, %arg12: memref<!tpu.dma_semaphore, #tpu.memory_space<semaphore_mem>>, %arg13: memref<!tpu.dma_semaphore, #tpu.memory_space<semaphore_mem>>) attributes {dimension_semantics = [#tpu.dimension_semantics<core_parallel>, #tpu.dimension_semantics<subcore_parallel>], iteration_bounds = array<i64: 2, 16>, scalar_prefetch = 0 : i64, scratch_operands = 8 : i64, tpu.core_type = #tpu.core_type<sc_vector_subcore>, window_params = [{transform_indices = #map}, {transform_indices = #map}, {transform_indices = #map}, {transform_indices = #map1}]} {
    %mul3A = arith.constant 640 : i32
    %mul3A_0 = arith.muli %arg1, %mul3A : i32
    %eq3A = arith.constant 0 : i32
    %eq3A_1 = arith.cmpi eq, %arg0, %eq3A : i32
    %convert_element_type3A = arith.extui %eq3A_1 : i1 to i32
    %cond3A = arith.constant 0 : i32
    %cond3A_2 = arith.cmpi ne, %convert_element_type3A, %cond3A : i32
    scf.if %cond3A_2 {
      "tpu.region"() ({
        %run_scoped3A_34 = tpu.sem_alloc : memref<!tpu.dma_semaphore, #tpu.memory_space<semaphore_mem>>
        %dma_start3A_35 = arith.constant 0 : i32
        %dma_start3A_36 = tpu.memref_slice %arg10[%mul3A_0, %dma_start3A_35] : memref<10240x128xf32, #tpu.memory_space<vmem_shared>> -> memref<640x128xf32, #tpu.memory_space<vmem_shared>>
        %dma_start3A_37 = arith.constant 0 : i32
        %dma_start3A_38 = tpu.memref_slice %arg2[%mul3A_0, %dma_start3A_37] : memref<10240x128xf32, #tpu.memory_space<hbm>> -> memref<640x128xf32, #tpu.memory_space<hbm>>
        tpu.enqueue_dma source(%dma_start3A_38 : memref<640x128xf32, #tpu.memory_space<hbm>>) target(%dma_start3A_36 : memref<640x128xf32, #tpu.memory_space<vmem_shared>>) target_semaphore(%run_scoped3A_34 : memref<!tpu.dma_semaphore, #tpu.memory_space<semaphore_mem>>)
        %dma_wait3A = arith.constant 0 : i32
        %dma_wait3A_39 = tpu.memref_slice %arg10[%mul3A_0, %dma_wait3A] : memref<10240x128xf32, #tpu.memory_space<vmem_shared>> -> memref<640x128xf32, #tpu.memory_space<vmem_shared>>
        %dma_wait3A_40 = arith.constant 0 : i32
        %dma_wait3A_41 = tpu.memref_slice %arg2[%mul3A_0, %dma_wait3A_40] : memref<10240x128xf32, #tpu.memory_space<hbm>> -> memref<640x128xf32, #tpu.memory_space<hbm>>
        tpu.wait_dma2 semaphore(%run_scoped3A_34 : memref<!tpu.dma_semaphore, #tpu.memory_space<semaphore_mem>>) src(%dma_wait3A_41 : memref<640x128xf32, #tpu.memory_space<hbm>>) dst(%dma_wait3A_39 : memref<640x128xf32, #tpu.memory_space<vmem_shared>>)
        tpu.yield
      }) : () -> ()
    } else {
    }
    %eq3A_3 = arith.constant 1 : i32
    %eq3A_4 = arith.cmpi eq, %arg0, %eq3A_3 : i32
    %convert_element_type3A_5 = arith.extui %eq3A_4 : i1 to i32
    %cond3A_6 = arith.constant 0 : i32
    %cond3A_7 = arith.cmpi ne, %convert_element_type3A_5, %cond3A_6 : i32
    scf.if %cond3A_7 {
      %broadcast_in_dim3A = arith.constant 0.000000e+00 : f32
      %broadcast_in_dim3A_34 = vector.broadcast %broadcast_in_dim3A : f32 to vector<16xf32>
      %scan3A_35 = arith.constant 0 : i32
      %scan3A_36 = arith.constant 128 : i32
      %scan3A_37 = arith.addi %scan3A_35, %scan3A_36 : i32
      %scan3A_38 = arith.constant 1 : i32
      scf.for %scan3A_45 = %scan3A_35 to %scan3A_37 step %scan3A_38  : i32 {
        %mul3A_46 = arith.constant 1 : i32
        %mul3A_47 = arith.muli %scan3A_45, %mul3A_46 : i32
        %add3A_48 = arith.constant 0 : i32
        %add3A_49 = arith.addi %add3A_48, %mul3A_47 : i32
        %scan3A_50 = arith.constant 0 : i32
        %scan3A_51 = arith.constant 8 : i32
        %scan3A_52 = arith.addi %scan3A_50, %scan3A_51 : i32
        %scan3A_53 = arith.constant 1 : i32
        scf.for %scan3A_55 = %scan3A_50 to %scan3A_52 step %scan3A_53  : i32 {
          %mul3A_56 = arith.constant 1 : i32
          %mul3A_57 = arith.muli %scan3A_55, %mul3A_56 : i32
          %add3A_58 = arith.constant 0 : i32
          %add3A_59 = arith.addi %add3A_58, %mul3A_57 : i32
          %mul3A_60 = arith.constant 16 : i32
          %mul3A_61 = arith.muli %add3A_59, %mul3A_60 : i32
          %swap3A = arith.index_cast %add3A_49 : i32 to index
          %swap3A_62 = arith.index_cast %mul3A_61 : i32 to index
          %swap3A_63 = tpu.vector_load %arg8[%swap3A, %swap3A_62] {strides = array<i32>} : memref<128x128xf32, #tpu.memory_space<vmem>>, vector<1x16xf32>,
          %swap3A_64 = vector.shape_cast %swap3A_63 : vector<1x16xf32> to vector<16xf32>
          %swap3A_65 = vector.shape_cast %broadcast_in_dim3A_34 : vector<16xf32> to vector<1x16xf32>
          tpu.vector_store %arg8[%swap3A, %swap3A_62], %swap3A_65 {strides = array<i32>} : memref<128x128xf32, #tpu.memory_space<vmem>>, vector<1x16xf32>,
        }
        %scan3A_54 = arith.constant 8 : i32
      }
      %scan3A_39 = arith.constant 128 : i32
      %scan3A_40 = arith.constant 0 : i32
      %scan3A_41 = arith.constant 5 : i32
      %scan3A_42 = arith.addi %scan3A_40, %scan3A_41 : i32
      %scan3A_43 = arith.constant 1 : i32
      scf.for %scan3A_45 = %scan3A_40 to %scan3A_42 step %scan3A_43  : i32 {
        %mul3A_46 = arith.constant 1 : i32
        %mul3A_47 = arith.muli %scan3A_45, %mul3A_46 : i32
        %add3A_48 = arith.constant 0 : i32
        %add3A_49 = arith.addi %add3A_48, %mul3A_47 : i32
        %mul3A_50 = arith.constant 128 : i32
        %mul3A_51 = arith.muli %add3A_49, %mul3A_50 : i32
        %add3A_52 = arith.addi %mul3A_0, %mul3A_51 : i32
        "tpu.region"() ({
          %run_scoped3A_53 = tpu.sem_alloc : memref<!tpu.dma_semaphore, #tpu.memory_space<semaphore_mem>>
          %dma_start3A_54 = arith.constant 0 : i32
          %dma_start3A_55 = tpu.memref_slice %arg10[%add3A_52, %dma_start3A_54] : memref<10240x128xf32, #tpu.memory_space<vmem_shared>> -> memref<128x128xf32, #tpu.memory_space<vmem_shared>>
          %dma_start3A_56 = arith.constant 0 : i32
          %dma_start3A_57 = tpu.memref_slice %arg10[%add3A_52, %dma_start3A_56] : memref<10240x128xf32, #tpu.memory_space<vmem_shared>> -> memref<128x128xf32, #tpu.memory_space<vmem_shared>>
          tpu.enqueue_dma source(%arg8 : memref<128x128xf32, #tpu.memory_space<vmem>>) target(%dma_start3A_57 : memref<128x128xf32, #tpu.memory_space<vmem_shared>>) target_semaphore(%run_scoped3A_53 : memref<!tpu.dma_semaphore, #tpu.memory_space<semaphore_mem>>)
          %dma_wait3A = arith.constant 0 : i32
          %dma_wait3A_58 = tpu.memref_slice %arg10[%add3A_52, %dma_wait3A] : memref<10240x128xf32, #tpu.memory_space<vmem_shared>> -> memref<128x128xf32, #tpu.memory_space<vmem_shared>>
          %dma_wait3A_59 = arith.constant 0 : i32
          %dma_wait3A_60 = tpu.memref_slice %arg10[%add3A_52, %dma_wait3A_59] : memref<10240x128xf32, #tpu.memory_space<vmem_shared>> -> memref<128x128xf32, #tpu.memory_space<vmem_shared>>
          tpu.wait_dma2 semaphore(%run_scoped3A_53 : memref<!tpu.dma_semaphore, #tpu.memory_space<semaphore_mem>>) src(%arg8 : memref<128x128xf32, #tpu.memory_space<vmem>>) dst(%dma_wait3A_60 : memref<128x128xf32, #tpu.memory_space<vmem_shared>>)
          tpu.yield
        }) : () -> ()
      }
      %scan3A_44 = arith.constant 5 : i32
    } else {
    }
    %barrier3A = arith.constant 0 : index
    tpu.barrier barrier_id(%barrier3A)
    %mul3A_8 = arith.constant 16 : i32
    %mul3A_9 = arith.muli %arg0, %mul3A_8 : i32
    %add3A = arith.addi %mul3A_9, %arg1 : i32
    %mul3A_10 = arith.constant 80 : i32
    %mul3A_11 = arith.muli %add3A, %mul3A_10 : i32
    %mul3A_12 = arith.constant 16 : i32
    %mul3A_13 = arith.muli %arg0, %mul3A_12 : i32
    %add3A_14 = arith.addi %mul3A_13, %arg1 : i32
    %mul3A_15 = arith.constant 80 : i32
    %mul3A_16 = arith.muli %add3A_14, %mul3A_15 : i32
    %run_scoped3A = arith.constant 0 : i32
    "tpu.region"() ({
      %run_scoped3A_34 = tpu.sem_alloc : memref<!tpu.dma_semaphore, #tpu.memory_space<semaphore_mem>>
      %dma_start3A_35 = arith.constant 0 : i32
      %dma_start3A_36 = arith.constant 0 : i32
      %dma_start3A_37 = tpu.memref_slice %arg6[%run_scoped3A, %dma_start3A_35, %dma_start3A_36] : memref<2x16x128xi32, #tpu.memory_space<vmem>> -> memref<1x16x128xi32, #tpu.memory_space<vmem>>
      %dma_start3A_38 = tpu.memref_squeeze %dma_start3A_37 : memref<1x16x128xi32, #tpu.memory_space<vmem>> -> memref<16x128xi32, #tpu.memory_space<vmem>>
      %dma_start3A_39 = arith.constant 0 : i32
      %dma_start3A_40 = tpu.memref_slice %arg3[%mul3A_11, %dma_start3A_39] : memref<2560x128xi32, #tpu.memory_space<hbm>> -> memref<80x128xi32, #tpu.memory_space<hbm>>
      %dma_start3A_41 = arith.constant 0 : i32
      %dma_start3A_42 = arith.constant 0 : i32
      %dma_start3A_43 = tpu.memref_slice %dma_start3A_40[%dma_start3A_41, %dma_start3A_42] : memref<80x128xi32, #tpu.memory_space<hbm>> -> memref<16x128xi32, #tpu.memory_space<hbm>>
      %dma_start3A_44 = arith.constant 0 : i32
      %dma_start3A_45 = arith.constant 0 : i32
      %dma_start3A_46 = tpu.memref_slice %arg6[%run_scoped3A, %dma_start3A_44, %dma_start3A_45] : memref<2x16x128xi32, #tpu.memory_space<vmem>> -> memref<1x16x128xi32, #tpu.memory_space<vmem>>
      %dma_start3A_47 = tpu.memref_squeeze %dma_start3A_46 : memref<1x16x128xi32, #tpu.memory_space<vmem>> -> memref<16x128xi32, #tpu.memory_space<vmem>>
      %dma_start3A_48 = arith.constant 0 : i32
      %dma_start3A_49 = tpu.memref_slice %arg3[%mul3A_11, %dma_start3A_48] : memref<2560x128xi32, #tpu.memory_space<hbm>> -> memref<80x128xi32, #tpu.memory_space<hbm>>
      %dma_start3A_50 = arith.constant 0 : i32
      %dma_start3A_51 = arith.constant 0 : i32
      %dma_start3A_52 = tpu.memref_slice %dma_start3A_49[%dma_start3A_50, %dma_start3A_51] : memref<80x128xi32, #tpu.memory_space<hbm>> -> memref<16x128xi32, #tpu.memory_space<hbm>>
      tpu.enqueue_dma source(%dma_start3A_52 : memref<16x128xi32, #tpu.memory_space<hbm>>) target(%dma_start3A_47 : memref<16x128xi32, #tpu.memory_space<vmem>>) target_semaphore(%run_scoped3A_34 : memref<!tpu.dma_semaphore, #tpu.memory_space<semaphore_mem>>)
      %dma_wait3A = arith.constant 0 : i32
      %dma_wait3A_53 = arith.constant 0 : i32
      %dma_wait3A_54 = tpu.memref_slice %arg6[%run_scoped3A, %dma_wait3A, %dma_wait3A_53] : memref<2x16x128xi32, #tpu.memory_space<vmem>> -> memref<1x16x128xi32, #tpu.memory_space<vmem>>
      %dma_wait3A_55 = tpu.memref_squeeze %dma_wait3A_54 : memref<1x16x128xi32, #tpu.memory_space<vmem>> -> memref<16x128xi32, #tpu.memory_space<vmem>>
      %dma_wait3A_56 = arith.constant 0 : i32
      %dma_wait3A_57 = tpu.memref_slice %arg3[%mul3A_11, %dma_wait3A_56] : memref<2560x128xi32, #tpu.memory_space<hbm>> -> memref<80x128xi32, #tpu.memory_space<hbm>>
      %dma_wait3A_58 = arith.constant 0 : i32
      %dma_wait3A_59 = arith.constant 0 : i32
      %dma_wait3A_60 = tpu.memref_slice %dma_wait3A_57[%dma_wait3A_58, %dma_wait3A_59] : memref<80x128xi32, #tpu.memory_space<hbm>> -> memref<16x128xi32, #tpu.memory_space<hbm>>
      %dma_wait3A_61 = arith.constant 0 : i32
      %dma_wait3A_62 = arith.constant 0 : i32
      %dma_wait3A_63 = tpu.memref_slice %arg6[%run_scoped3A, %dma_wait3A_61, %dma_wait3A_62] : memref<2x16x128xi32, #tpu.memory_space<vmem>> -> memref<1x16x128xi32, #tpu.memory_space<vmem>>
      %dma_wait3A_64 = tpu.memref_squeeze %dma_wait3A_63 : memref<1x16x128xi32, #tpu.memory_space<vmem>> -> memref<16x128xi32, #tpu.memory_space<vmem>>
      %dma_wait3A_65 = arith.constant 0 : i32
      %dma_wait3A_66 = tpu.memref_slice %arg3[%mul3A_11, %dma_wait3A_65] : memref<2560x128xi32, #tpu.memory_space<hbm>> -> memref<80x128xi32, #tpu.memory_space<hbm>>
      %dma_wait3A_67 = arith.constant 0 : i32
      %dma_wait3A_68 = arith.constant 0 : i32
      %dma_wait3A_69 = tpu.memref_slice %dma_wait3A_66[%dma_wait3A_67, %dma_wait3A_68] : memref<80x128xi32, #tpu.memory_space<hbm>> -> memref<16x128xi32, #tpu.memory_space<hbm>>
      tpu.wait_dma2 semaphore(%run_scoped3A_34 : memref<!tpu.dma_semaphore, #tpu.memory_space<semaphore_mem>>) src(%dma_wait3A_69 : memref<16x128xi32, #tpu.memory_space<hbm>>) dst(%dma_wait3A_64 : memref<16x128xi32, #tpu.memory_space<vmem>>)
      tpu.yield
    }) : () -> ()
    %run_scoped3A_17 = arith.constant 0 : i32
    "tpu.region"() ({
      %run_scoped3A_34 = tpu.sem_alloc : memref<!tpu.dma_semaphore, #tpu.memory_space<semaphore_mem>>
      %dma_start3A_35 = arith.constant 0 : i32
      %dma_start3A_36 = arith.constant 0 : i32
      %dma_start3A_37 = tpu.memref_slice %arg7[%run_scoped3A_17, %dma_start3A_35, %dma_start3A_36] : memref<2x16x128xi32, #tpu.memory_space<vmem>> -> memref<1x16x128xi32, #tpu.memory_space<vmem>>
      %dma_start3A_38 = tpu.memref_squeeze %dma_start3A_37 : memref<1x16x128xi32, #tpu.memory_space<vmem>> -> memref<16x128xi32, #tpu.memory_space<vmem>>
      %dma_start3A_39 = arith.constant 0 : i32
      %dma_start3A_40 = tpu.memref_slice %arg4[%mul3A_16, %dma_start3A_39] : memref<2560x128xi32, #tpu.memory_space<hbm>> -> memref<80x128xi32, #tpu.memory_space<hbm>>
      %dma_start3A_41 = arith.constant 0 : i32
      %dma_start3A_42 = arith.constant 0 : i32
      %dma_start3A_43 = tpu.memref_slice %dma_start3A_40[%dma_start3A_41, %dma_start3A_42] : memref<80x128xi32, #tpu.memory_space<hbm>> -> memref<16x128xi32, #tpu.memory_space<hbm>>
      %dma_start3A_44 = arith.constant 0 : i32
      %dma_start3A_45 = arith.constant 0 : i32
      %dma_start3A_46 = tpu.memref_slice %arg7[%run_scoped3A_17, %dma_start3A_44, %dma_start3A_45] : memref<2x16x128xi32, #tpu.memory_space<vmem>> -> memref<1x16x128xi32, #tpu.memory_space<vmem>>
      %dma_start3A_47 = tpu.memref_squeeze %dma_start3A_46 : memref<1x16x128xi32, #tpu.memory_space<vmem>> -> memref<16x128xi32, #tpu.memory_space<vmem>>
      %dma_start3A_48 = arith.constant 0 : i32
      %dma_start3A_49 = tpu.memref_slice %arg4[%mul3A_16, %dma_start3A_48] : memref<2560x128xi32, #tpu.memory_space<hbm>> -> memref<80x128xi32, #tpu.memory_space<hbm>>
      %dma_start3A_50 = arith.constant 0 : i32
      %dma_start3A_51 = arith.constant 0 : i32
      %dma_start3A_52 = tpu.memref_slice %dma_start3A_49[%dma_start3A_50, %dma_start3A_51] : memref<80x128xi32, #tpu.memory_space<hbm>> -> memref<16x128xi32, #tpu.memory_space<hbm>>
      tpu.enqueue_dma source(%dma_start3A_52 : memref<16x128xi32, #tpu.memory_space<hbm>>) target(%dma_start3A_47 : memref<16x128xi32, #tpu.memory_space<vmem>>) target_semaphore(%run_scoped3A_34 : memref<!tpu.dma_semaphore, #tpu.memory_space<semaphore_mem>>)
      %dma_wait3A = arith.constant 0 : i32
      %dma_wait3A_53 = arith.constant 0 : i32
      %dma_wait3A_54 = tpu.memref_slice %arg7[%run_scoped3A_17, %dma_wait3A, %dma_wait3A_53] : memref<2x16x128xi32, #tpu.memory_space<vmem>> -> memref<1x16x128xi32, #tpu.memory_space<vmem>>
      %dma_wait3A_55 = tpu.memref_squeeze %dma_wait3A_54 : memref<1x16x128xi32, #tpu.memory_space<vmem>> -> memref<16x128xi32, #tpu.memory_space<vmem>>
      %dma_wait3A_56 = arith.constant 0 : i32
      %dma_wait3A_57 = tpu.memref_slice %arg4[%mul3A_16, %dma_wait3A_56] : memref<2560x128xi32, #tpu.memory_space<hbm>> -> memref<80x128xi32, #tpu.memory_space<hbm>>
      %dma_wait3A_58 = arith.constant 0 : i32
      %dma_wait3A_59 = arith.constant 0 : i32
      %dma_wait3A_60 = tpu.memref_slice %dma_wait3A_57[%dma_wait3A_58, %dma_wait3A_59] : memref<80x128xi32, #tpu.memory_space<hbm>> -> memref<16x128xi32, #tpu.memory_space<hbm>>
      %dma_wait3A_61 = arith.constant 0 : i32
      %dma_wait3A_62 = arith.constant 0 : i32
      %dma_wait3A_63 = tpu.memref_slice %arg7[%run_scoped3A_17, %dma_wait3A_61, %dma_wait3A_62] : memref<2x16x128xi32, #tpu.memory_space<vmem>> -> memref<1x16x128xi32, #tpu.memory_space<vmem>>
      %dma_wait3A_64 = tpu.memref_squeeze %dma_wait3A_63 : memref<1x16x128xi32, #tpu.memory_space<vmem>> -> memref<16x128xi32, #tpu.memory_space<vmem>>
      %dma_wait3A_65 = arith.constant 0 : i32
      %dma_wait3A_66 = tpu.memref_slice %arg4[%mul3A_16, %dma_wait3A_65] : memref<2560x128xi32, #tpu.memory_space<hbm>> -> memref<80x128xi32, #tpu.memory_space<hbm>>
      %dma_wait3A_67 = arith.constant 0 : i32
      %dma_wait3A_68 = arith.constant 0 : i32
      %dma_wait3A_69 = tpu.memref_slice %dma_wait3A_66[%dma_wait3A_67, %dma_wait3A_68] : memref<80x128xi32, #tpu.memory_space<hbm>> -> memref<16x128xi32, #tpu.memory_space<hbm>>
      tpu.wait_dma2 semaphore(%run_scoped3A_34 : memref<!tpu.dma_semaphore, #tpu.memory_space<semaphore_mem>>) src(%dma_wait3A_69 : memref<16x128xi32, #tpu.memory_space<hbm>>) dst(%dma_wait3A_64 : memref<16x128xi32, #tpu.memory_space<vmem>>)
      tpu.yield
    }) : () -> ()
    %dma_start3A = arith.constant 0 : i32
    %dma_start3A_18 = arith.constant 0 : i32
    %dma_start3A_19 = arith.constant 0 : i32
    %dma_start3A_20 = arith.constant 0 : i32
    %dma_start3A_21 = tpu.memref_slice %arg6[%dma_start3A, %dma_start3A_19, %dma_start3A_20] : memref<2x16x128xi32, #tpu.memory_space<vmem>> -> memref<1x16x128xi32, #tpu.memory_space<vmem>>
    %dma_start3A_22 = tpu.memref_squeeze %dma_start3A_21 : memref<1x16x128xi32, #tpu.memory_space<vmem>> -> memref<16x128xi32, #tpu.memory_space<vmem>>
    %dma_start3A_23 = arith.constant 0 : i32
    %dma_start3A_24 = tpu.memref_slice %dma_start3A_22[%dma_start3A_18, %dma_start3A_23] : memref<16x128xi32, #tpu.memory_space<vmem>> -> memref<1x128xi32, #tpu.memory_space<vmem>>
    %dma_start3A_25 = tpu.memref_squeeze %dma_start3A_24 : memref<1x128xi32, #tpu.memory_space<vmem>> -> memref<128xi32, #tpu.memory_space<vmem>>
    %dma_start3A_26 = arith.constant 0 : i32
    %dma_start3A_27 = arith.constant 0 : i32
    %dma_start3A_28 = tpu.memref_slice %arg2[%dma_start3A_26, %dma_start3A_27] : memref<10240x128xf32, #tpu.memory_space<hbm>> -> memref<10240x128xf32, #tpu.memory_space<hbm>>
    tpu.enqueue_indirect_dma source(%dma_start3A_28 : memref<10240x128xf32, #tpu.memory_space<hbm>>) target(%arg8 : memref<128x128xf32, #tpu.memory_space<vmem>>) offsets(%dma_start3A_25 : memref<128xi32, #tpu.memory_space<vmem>>) semaphore(%arg11 : memref<!tpu.dma_semaphore, #tpu.memory_space<semaphore_mem>>)
    %scan3A = arith.constant 0 : i32
    %scan3A_29 = arith.constant 40 : i32
    %scan3A_30 = arith.addi %scan3A, %scan3A_29 : i32
    %scan3A_31 = arith.constant 1 : i32
    scf.for %scan3A_34 = %scan3A to %scan3A_30 step %scan3A_31  : i32 {
      %mul3A_35 = arith.constant 2 : i32
      %mul3A_36 = arith.muli %scan3A_34, %mul3A_35 : i32
      %add3A_37 = arith.constant 0 : i32
      %add3A_38 = arith.addi %add3A_37, %mul3A_36 : i32
      %jit3A = arith.constant 16 : i32
      %div3A = arith.divsi %add3A_38, %jit3A : i32
      %sign3A = arith.constant 0 : i32
      %sign3A_39 = arith.cmpi sgt, %add3A_38, %sign3A : i32
      %sign3A_40 = arith.extui %sign3A_39 : i1 to i32
      %sign3A_41 = arith.constant 0 : i32
      %sign3A_42 = arith.cmpi slt, %add3A_38, %sign3A_41 : i32
      %sign3A_43 = arith.extui %sign3A_42 : i1 to i32
      %sign3A_44 = arith.subi %sign3A_40, %sign3A_43 : i32
      %sign3A_45 = arith.constant 0 : i32
      %sign3A_46 = arith.cmpi sgt, %jit3A, %sign3A_45 : i32
      %sign3A_47 = arith.extui %sign3A_46 : i1 to i32
      %sign3A_48 = arith.constant 0 : i32
      %sign3A_49 = arith.cmpi slt, %jit3A, %sign3A_48 : i32
      %sign3A_50 = arith.extui %sign3A_49 : i1 to i32
      %sign3A_51 = arith.subi %sign3A_47, %sign3A_50 : i32
      %ne3A = arith.cmpi ne, %sign3A_44, %sign3A_51 : i32
      %rem3A = arith.remsi %add3A_38, %jit3A : i32
      %ne3A_52 = arith.constant 0 : i32
      %ne3A_53 = arith.cmpi ne, %rem3A, %ne3A_52 : i32
      %and3A = arith.andi %ne3A, %ne3A_53 : i1
      %sub3A = arith.constant 1 : i32
      %sub3A_54 = arith.subi %div3A, %sub3A : i32
      %select_n3A = arith.select %and3A, %sub3A_54, %div3A : i32
      %mul3A_55 = arith.constant 16 : i32
      %mul3A_56 = arith.muli %select_n3A, %mul3A_55 : i32
      %sub3A_57 = arith.subi %add3A_38, %mul3A_56 : i32
      %jit3A_58 = arith.constant 2 : i32
      %eq3A_59 = arith.constant 0 : i32
      %eq3A_60 = arith.cmpi eq, %jit3A_58, %eq3A_59 : i32
      %jit3A_61 = arith.constant 1 : i32
      %select_n3A_62 = arith.select %eq3A_60, %jit3A_61, %jit3A_58 : i32
      %rem3A_63 = arith.remsi %select_n3A, %select_n3A_62 : i32
      %ne3A_64 = arith.constant 0 : i32
      %ne3A_65 = arith.cmpi ne, %rem3A_63, %ne3A_64 : i32
      %lt3A = arith.constant 0 : i32
      %lt3A_66 = arith.cmpi slt, %rem3A_63, %lt3A : i32
      %lt3A_67 = arith.constant 0 : i32
      %lt3A_68 = arith.cmpi slt, %select_n3A_62, %lt3A_67 : i32
      %ne3A_69 = arith.xori %lt3A_66, %lt3A_68 : i1
      %and3A_70 = arith.andi %ne3A_69, %ne3A_65 : i1
      %add3A_71 = arith.addi %rem3A_63, %select_n3A_62 : i32
      %select_n3A_72 = arith.select %and3A_70, %add3A_71, %rem3A_63 : i32
      %add3A_73 = arith.constant 1 : i32
      %add3A_74 = arith.addi %select_n3A, %add3A_73 : i32
      %jit3A_75 = arith.constant 2 : i32
      %eq3A_76 = arith.constant 0 : i32
      %eq3A_77 = arith.cmpi eq, %jit3A_75, %eq3A_76 : i32
      %jit3A_78 = arith.constant 1 : i32
      %select_n3A_79 = arith.select %eq3A_77, %jit3A_78, %jit3A_75 : i32
      %rem3A_80 = arith.remsi %add3A_74, %select_n3A_79 : i32
      %ne3A_81 = arith.constant 0 : i32
      %ne3A_82 = arith.cmpi ne, %rem3A_80, %ne3A_81 : i32
      %lt3A_83 = arith.constant 0 : i32
      %lt3A_84 = arith.cmpi slt, %rem3A_80, %lt3A_83 : i32
      %lt3A_85 = arith.constant 0 : i32
      %lt3A_86 = arith.cmpi slt, %select_n3A_79, %lt3A_85 : i32
      %ne3A_87 = arith.xori %lt3A_84, %lt3A_86 : i1
      %and3A_88 = arith.andi %ne3A_87, %ne3A_82 : i1
      %add3A_89 = arith.addi %rem3A_80, %select_n3A_79 : i32
      %select_n3A_90 = arith.select %and3A_88, %add3A_89, %rem3A_80 : i32
      %eq3A_91 = arith.constant 0 : i32
      %eq3A_92 = arith.cmpi eq, %sub3A_57, %eq3A_91 : i32
      %add3A_93 = arith.constant 16 : i32
      %add3A_94 = arith.addi %add3A_38, %add3A_93 : i32
      %lt3A_95 = arith.constant 80 : i32
      %lt3A_96 = arith.cmpi slt, %add3A_94, %lt3A_95 : i32
      %and3A_97 = arith.andi %eq3A_92, %lt3A_96 : i1
      %convert_element_type3A_98 = arith.extui %and3A_97 : i1 to i32
      %cond3A_99 = arith.constant 0 : i32
      %cond3A_100 = arith.cmpi ne, %convert_element_type3A_98, %cond3A_99 : i32
      scf.if %cond3A_100 {
        %add3A_146 = arith.constant 1 : i32
        %add3A_147 = arith.addi %select_n3A, %add3A_146 : i32
        %mul3A_148 = arith.constant 16 : i32
        %mul3A_149 = arith.muli %add3A_147, %mul3A_148 : i32
        %add3A_150 = arith.constant 0 : i32
        %add3A_151 = arith.addi %add3A_150, %mul3A_149 : i32
        %dma_start3A_152 = arith.constant 0 : i32
        %dma_start3A_153 = arith.constant 0 : i32
        %dma_start3A_154 = tpu.memref_slice %arg6[%select_n3A_90, %dma_start3A_152, %dma_start3A_153] : memref<2x16x128xi32, #tpu.memory_space<vmem>> -> memref<1x16x128xi32, #tpu.memory_space<vmem>>
        %dma_start3A_155 = tpu.memref_squeeze %dma_start3A_154 : memref<1x16x128xi32, #tpu.memory_space<vmem>> -> memref<16x128xi32, #tpu.memory_space<vmem>>
        %dma_start3A_156 = arith.constant 0 : i32
        %dma_start3A_157 = tpu.memref_slice %arg3[%mul3A_11, %dma_start3A_156] : memref<2560x128xi32, #tpu.memory_space<hbm>> -> memref<80x128xi32, #tpu.memory_space<hbm>>
        %dma_start3A_158 = arith.constant 0 : i32
        %dma_start3A_159 = tpu.memref_slice %dma_start3A_157[%add3A_151, %dma_start3A_158] : memref<80x128xi32, #tpu.memory_space<hbm>> -> memref<16x128xi32, #tpu.memory_space<hbm>>
        %dma_start3A_160 = arith.constant 0 : i32
        %dma_start3A_161 = arith.constant 0 : i32
        %dma_start3A_162 = tpu.memref_slice %arg6[%select_n3A_90, %dma_start3A_160, %dma_start3A_161] : memref<2x16x128xi32, #tpu.memory_space<vmem>> -> memref<1x16x128xi32, #tpu.memory_space<vmem>>
        %dma_start3A_163 = tpu.memref_squeeze %dma_start3A_162 : memref<1x16x128xi32, #tpu.memory_space<vmem>> -> memref<16x128xi32, #tpu.memory_space<vmem>>
        %dma_start3A_164 = arith.constant 0 : i32
        %dma_start3A_165 = tpu.memref_slice %arg3[%mul3A_11, %dma_start3A_164] : memref<2560x128xi32, #tpu.memory_space<hbm>> -> memref<80x128xi32, #tpu.memory_space<hbm>>
        %dma_start3A_166 = arith.constant 0 : i32
        %dma_start3A_167 = tpu.memref_slice %dma_start3A_165[%add3A_151, %dma_start3A_166] : memref<80x128xi32, #tpu.memory_space<hbm>> -> memref<16x128xi32, #tpu.memory_space<hbm>>
        tpu.enqueue_dma source(%dma_start3A_167 : memref<16x128xi32, #tpu.memory_space<hbm>>) target(%dma_start3A_163 : memref<16x128xi32, #tpu.memory_space<vmem>>) target_semaphore(%arg13 : memref<!tpu.dma_semaphore, #tpu.memory_space<semaphore_mem>>)
        %add3A_168 = arith.constant 1 : i32
        %add3A_169 = arith.addi %select_n3A, %add3A_168 : i32
        %mul3A_170 = arith.constant 16 : i32
        %mul3A_171 = arith.muli %add3A_169, %mul3A_170 : i32
        %add3A_172 = arith.constant 0 : i32
        %add3A_173 = arith.addi %add3A_172, %mul3A_171 : i32
        %dma_start3A_174 = arith.constant 0 : i32
        %dma_start3A_175 = arith.constant 0 : i32
        %dma_start3A_176 = tpu.memref_slice %arg7[%select_n3A_90, %dma_start3A_174, %dma_start3A_175] : memref<2x16x128xi32, #tpu.memory_space<vmem>> -> memref<1x16x128xi32, #tpu.memory_space<vmem>>
        %dma_start3A_177 = tpu.memref_squeeze %dma_start3A_176 : memref<1x16x128xi32, #tpu.memory_space<vmem>> -> memref<16x128xi32, #tpu.memory_space<vmem>>
        %dma_start3A_178 = arith.constant 0 : i32
        %dma_start3A_179 = tpu.memref_slice %arg4[%mul3A_16, %dma_start3A_178] : memref<2560x128xi32, #tpu.memory_space<hbm>> -> memref<80x128xi32, #tpu.memory_space<hbm>>
        %dma_start3A_180 = arith.constant 0 : i32
        %dma_start3A_181 = tpu.memref_slice %dma_start3A_179[%add3A_173, %dma_start3A_180] : memref<80x128xi32, #tpu.memory_space<hbm>> -> memref<16x128xi32, #tpu.memory_space<hbm>>
        %dma_start3A_182 = arith.constant 0 : i32
        %dma_start3A_183 = arith.constant 0 : i32
        %dma_start3A_184 = tpu.memref_slice %arg7[%select_n3A_90, %dma_start3A_182, %dma_start3A_183] : memref<2x16x128xi32, #tpu.memory_space<vmem>> -> memref<1x16x128xi32, #tpu.memory_space<vmem>>
        %dma_start3A_185 = tpu.memref_squeeze %dma_start3A_184 : memref<1x16x128xi32, #tpu.memory_space<vmem>> -> memref<16x128xi32, #tpu.memory_space<vmem>>
        %dma_start3A_186 = arith.constant 0 : i32
        %dma_start3A_187 = tpu.memref_slice %arg4[%mul3A_16, %dma_start3A_186] : memref<2560x128xi32, #tpu.memory_space<hbm>> -> memref<80x128xi32, #tpu.memory_space<hbm>>
        %dma_start3A_188 = arith.constant 0 : i32
        %dma_start3A_189 = tpu.memref_slice %dma_start3A_187[%add3A_173, %dma_start3A_188] : memref<80x128xi32, #tpu.memory_space<hbm>> -> memref<16x128xi32, #tpu.memory_space<hbm>>
        tpu.enqueue_dma source(%dma_start3A_189 : memref<16x128xi32, #tpu.memory_space<hbm>>) target(%dma_start3A_185 : memref<16x128xi32, #tpu.memory_space<vmem>>) target_semaphore(%arg13 : memref<!tpu.dma_semaphore, #tpu.memory_space<semaphore_mem>>)
      } else {
      }
      %add3A_101 = arith.constant 1 : i32
      %add3A_102 = arith.addi %sub3A_57, %add3A_101 : i32
      %dma_start3A_103 = arith.constant 0 : i32
      %dma_start3A_104 = arith.constant 0 : i32
      %dma_start3A_105 = tpu.memref_slice %arg6[%select_n3A_72, %dma_start3A_103, %dma_start3A_104] : memref<2x16x128xi32, #tpu.memory_space<vmem>> -> memref<1x16x128xi32, #tpu.memory_space<vmem>>
      %dma_start3A_106 = tpu.memref_squeeze %dma_start3A_105 : memref<1x16x128xi32, #tpu.memory_space<vmem>> -> memref<16x128xi32, #tpu.memory_space<vmem>>
      %dma_start3A_107 = arith.constant 0 : i32
      %dma_start3A_108 = tpu.memref_slice %dma_start3A_106[%add3A_102, %dma_start3A_107] : memref<16x128xi32, #tpu.memory_space<vmem>> -> memref<1x128xi32, #tpu.memory_space<vmem>>
      %dma_start3A_109 = tpu.memref_squeeze %dma_start3A_108 : memref<1x128xi32, #tpu.memory_space<vmem>> -> memref<128xi32, #tpu.memory_space<vmem>>
      %dma_start3A_110 = arith.constant 0 : i32
      %dma_start3A_111 = arith.constant 0 : i32
      %dma_start3A_112 = tpu.memref_slice %arg2[%dma_start3A_110, %dma_start3A_111] : memref<10240x128xf32, #tpu.memory_space<hbm>> -> memref<10240x128xf32, #tpu.memory_space<hbm>>
      tpu.enqueue_indirect_dma source(%dma_start3A_112 : memref<10240x128xf32, #tpu.memory_space<hbm>>) target(%arg9 : memref<128x128xf32, #tpu.memory_space<vmem>>) offsets(%dma_start3A_109 : memref<128xi32, #tpu.memory_space<vmem>>) semaphore(%arg12 : memref<!tpu.dma_semaphore, #tpu.memory_space<semaphore_mem>>)
      %dma_wait3A = arith.constant 0 : i32
      %dma_wait3A_113 = arith.constant 0 : i32
      %dma_wait3A_114 = tpu.memref_slice %arg6[%select_n3A_72, %dma_wait3A, %dma_wait3A_113] : memref<2x16x128xi32, #tpu.memory_space<vmem>> -> memref<1x16x128xi32, #tpu.memory_space<vmem>>
      %dma_wait3A_115 = tpu.memref_squeeze %dma_wait3A_114 : memref<1x16x128xi32, #tpu.memory_space<vmem>> -> memref<16x128xi32, #tpu.memory_space<vmem>>
      %dma_wait3A_116 = arith.constant 0 : i32
      %dma_wait3A_117 = tpu.memref_slice %dma_wait3A_115[%sub3A_57, %dma_wait3A_116] : memref<16x128xi32, #tpu.memory_space<vmem>> -> memref<1x128xi32, #tpu.memory_space<vmem>>
      %dma_wait3A_118 = tpu.memref_squeeze %dma_wait3A_117 : memref<1x128xi32, #tpu.memory_space<vmem>> -> memref<128xi32, #tpu.memory_space<vmem>>
      %dma_wait3A_119 = arith.constant 0 : i32
      %dma_wait3A_120 = arith.constant 0 : i32
      %dma_wait3A_121 = tpu.memref_slice %arg2[%dma_wait3A_119, %dma_wait3A_120] : memref<10240x128xf32, #tpu.memory_space<hbm>> -> memref<10240x128xf32, #tpu.memory_space<hbm>>
      tpu.wait_indirect_dma semaphore(%arg11 : memref<!tpu.dma_semaphore, #tpu.memory_space<semaphore_mem>>) src(%dma_wait3A_121 : memref<10240x128xf32, #tpu.memory_space<hbm>>) dst(%arg8 : memref<128x128xf32, #tpu.memory_space<vmem>>)
      "tpu.region"() ({
        %run_scoped3A_146 = tpu.sem_alloc : memref<!tpu.dma_semaphore, #tpu.memory_space<semaphore_mem>>
        %dma_start3A_147 = arith.constant 0 : i32
        %dma_start3A_148 = arith.constant 0 : i32
        %dma_start3A_149 = tpu.memref_slice %arg7[%select_n3A_72, %dma_start3A_147, %dma_start3A_148] : memref<2x16x128xi32, #tpu.memory_space<vmem>> -> memref<1x16x128xi32, #tpu.memory_space<vmem>>
        %dma_start3A_150 = tpu.memref_squeeze %dma_start3A_149 : memref<1x16x128xi32, #tpu.memory_space<vmem>> -> memref<16x128xi32, #tpu.memory_space<vmem>>
        %dma_start3A_151 = arith.constant 0 : i32
        %dma_start3A_152 = tpu.memref_slice %dma_start3A_150[%sub3A_57, %dma_start3A_151] : memref<16x128xi32, #tpu.memory_space<vmem>> -> memref<1x128xi32, #tpu.memory_space<vmem>>
        %dma_start3A_153 = tpu.memref_squeeze %dma_start3A_152 : memref<1x128xi32, #tpu.memory_space<vmem>> -> memref<128xi32, #tpu.memory_space<vmem>>
        %dma_start3A_154 = arith.constant 0 : i32
        %dma_start3A_155 = arith.constant 0 : i32
        %dma_start3A_156 = tpu.memref_slice %arg10[%dma_start3A_154, %dma_start3A_155] : memref<10240x128xf32, #tpu.memory_space<vmem_shared>> -> memref<10240x128xf32, #tpu.memory_space<vmem_shared>>
        tpu.enqueue_indirect_dma source(%arg8 : memref<128x128xf32, #tpu.memory_space<vmem>>) target(%dma_start3A_156 : memref<10240x128xf32, #tpu.memory_space<vmem_shared>>) offsets(%dma_start3A_153 : memref<128xi32, #tpu.memory_space<vmem>>) semaphore(%run_scoped3A_146 : memref<!tpu.dma_semaphore, #tpu.memory_space<semaphore_mem>>) {add = true}
        %dma_wait3A_157 = arith.constant 0 : i32
        %dma_wait3A_158 = arith.constant 0 : i32
        %dma_wait3A_159 = tpu.memref_slice %arg7[%select_n3A_72, %dma_wait3A_157, %dma_wait3A_158] : memref<2x16x128xi32, #tpu.memory_space<vmem>> -> memref<1x16x128xi32, #tpu.memory_space<vmem>>
        %dma_wait3A_160 = tpu.memref_squeeze %dma_wait3A_159 : memref<1x16x128xi32, #tpu.memory_space<vmem>> -> memref<16x128xi32, #tpu.memory_space<vmem>>
        %dma_wait3A_161 = arith.constant 0 : i32
        %dma_wait3A_162 = tpu.memref_slice %dma_wait3A_160[%sub3A_57, %dma_wait3A_161] : memref<16x128xi32, #tpu.memory_space<vmem>> -> memref<1x128xi32, #tpu.memory_space<vmem>>
        %dma_wait3A_163 = tpu.memref_squeeze %dma_wait3A_162 : memref<1x128xi32, #tpu.memory_space<vmem>> -> memref<128xi32, #tpu.memory_space<vmem>>
        %dma_wait3A_164 = arith.constant 0 : i32
        %dma_wait3A_165 = arith.constant 0 : i32
        %dma_wait3A_166 = tpu.memref_slice %arg10[%dma_wait3A_164, %dma_wait3A_165] : memref<10240x128xf32, #tpu.memory_space<vmem_shared>> -> memref<10240x128xf32, #tpu.memory_space<vmem_shared>>
        tpu.wait_indirect_dma semaphore(%run_scoped3A_146 : memref<!tpu.dma_semaphore, #tpu.memory_space<semaphore_mem>>) src(%arg8 : memref<128x128xf32, #tpu.memory_space<vmem>>) dst(%dma_wait3A_166 : memref<10240x128xf32, #tpu.memory_space<vmem_shared>>)
        tpu.yield
      }) : () -> ()
      %eq3A_122 = arith.constant 14 : i32
      %eq3A_123 = arith.cmpi eq, %sub3A_57, %eq3A_122 : i32
      %convert_element_type3A_124 = arith.extui %eq3A_123 : i1 to i32
      %cond3A_125 = arith.constant 0 : i32
      %cond3A_126 = arith.cmpi ne, %convert_element_type3A_124, %cond3A_125 : i32
      scf.if %cond3A_126 {
        %add3A_146 = arith.constant 2 : i32
        %add3A_147 = arith.addi %add3A_38, %add3A_146 : i32
        %lt3A_148 = arith.constant 80 : i32
        %lt3A_149 = arith.cmpi slt, %add3A_147, %lt3A_148 : i32
        %convert_element_type3A_150 = arith.extui %lt3A_149 : i1 to i32
        %cond3A_151 = arith.constant 0 : i32
        %cond3A_152 = arith.cmpi ne, %convert_element_type3A_150, %cond3A_151 : i32
        scf.if %cond3A_152 {
          %add3A_153 = arith.constant 1 : i32
          %add3A_154 = arith.addi %select_n3A, %add3A_153 : i32
          %mul3A_155 = arith.constant 16 : i32
          %mul3A_156 = arith.muli %add3A_154, %mul3A_155 : i32
          %add3A_157 = arith.constant 0 : i32
          %add3A_158 = arith.addi %add3A_157, %mul3A_156 : i32
          %dma_wait3A_159 = arith.constant 0 : i32
          %dma_wait3A_160 = arith.constant 0 : i32
          %dma_wait3A_161 = tpu.memref_slice %arg6[%select_n3A_90, %dma_wait3A_159, %dma_wait3A_160] : memref<2x16x128xi32, #tpu.memory_space<vmem>> -> memref<1x16x128xi32, #tpu.memory_space<vmem>>
          %dma_wait3A_162 = tpu.memref_squeeze %dma_wait3A_161 : memref<1x16x128xi32, #tpu.memory_space<vmem>> -> memref<16x128xi32, #tpu.memory_space<vmem>>
          %dma_wait3A_163 = arith.constant 0 : i32
          %dma_wait3A_164 = tpu.memref_slice %arg3[%mul3A_11, %dma_wait3A_163] : memref<2560x128xi32, #tpu.memory_space<hbm>> -> memref<80x128xi32, #tpu.memory_space<hbm>>
          %dma_wait3A_165 = arith.constant 0 : i32
          %dma_wait3A_166 = tpu.memref_slice %dma_wait3A_164[%add3A_158, %dma_wait3A_165] : memref<80x128xi32, #tpu.memory_space<hbm>> -> memref<16x128xi32, #tpu.memory_space<hbm>>
          %dma_wait3A_167 = arith.constant 0 : i32
          %dma_wait3A_168 = arith.constant 0 : i32
          %dma_wait3A_169 = tpu.memref_slice %arg6[%select_n3A_90, %dma_wait3A_167, %dma_wait3A_168] : memref<2x16x128xi32, #tpu.memory_space<vmem>> -> memref<1x16x128xi32, #tpu.memory_space<vmem>>
          %dma_wait3A_170 = tpu.memref_squeeze %dma_wait3A_169 : memref<1x16x128xi32, #tpu.memory_space<vmem>> -> memref<16x128xi32, #tpu.memory_space<vmem>>
          %dma_wait3A_171 = arith.constant 0 : i32
          %dma_wait3A_172 = tpu.memref_slice %arg3[%mul3A_11, %dma_wait3A_171] : memref<2560x128xi32, #tpu.memory_space<hbm>> -> memref<80x128xi32, #tpu.memory_space<hbm>>
          %dma_wait3A_173 = arith.constant 0 : i32
          %dma_wait3A_174 = tpu.memref_slice %dma_wait3A_172[%add3A_158, %dma_wait3A_173] : memref<80x128xi32, #tpu.memory_space<hbm>> -> memref<16x128xi32, #tpu.memory_space<hbm>>
          tpu.wait_dma2 semaphore(%arg13 : memref<!tpu.dma_semaphore, #tpu.memory_space<semaphore_mem>>) src(%dma_wait3A_174 : memref<16x128xi32, #tpu.memory_space<hbm>>) dst(%dma_wait3A_170 : memref<16x128xi32, #tpu.memory_space<vmem>>)
          %add3A_175 = arith.constant 1 : i32
          %add3A_176 = arith.addi %select_n3A, %add3A_175 : i32
          %mul3A_177 = arith.constant 16 : i32
          %mul3A_178 = arith.muli %add3A_176, %mul3A_177 : i32
          %add3A_179 = arith.constant 0 : i32
          %add3A_180 = arith.addi %add3A_179, %mul3A_178 : i32
          %dma_wait3A_181 = arith.constant 0 : i32
          %dma_wait3A_182 = arith.constant 0 : i32
          %dma_wait3A_183 = tpu.memref_slice %arg7[%select_n3A_90, %dma_wait3A_181, %dma_wait3A_182] : memref<2x16x128xi32, #tpu.memory_space<vmem>> -> memref<1x16x128xi32, #tpu.memory_space<vmem>>
          %dma_wait3A_184 = tpu.memref_squeeze %dma_wait3A_183 : memref<1x16x128xi32, #tpu.memory_space<vmem>> -> memref<16x128xi32, #tpu.memory_space<vmem>>
          %dma_wait3A_185 = arith.constant 0 : i32
          %dma_wait3A_186 = tpu.memref_slice %arg4[%mul3A_16, %dma_wait3A_185] : memref<2560x128xi32, #tpu.memory_space<hbm>> -> memref<80x128xi32, #tpu.memory_space<hbm>>
          %dma_wait3A_187 = arith.constant 0 : i32
          %dma_wait3A_188 = tpu.memref_slice %dma_wait3A_186[%add3A_180, %dma_wait3A_187] : memref<80x128xi32, #tpu.memory_space<hbm>> -> memref<16x128xi32, #tpu.memory_space<hbm>>
          %dma_wait3A_189 = arith.constant 0 : i32
          %dma_wait3A_190 = arith.constant 0 : i32
          %dma_wait3A_191 = tpu.memref_slice %arg7[%select_n3A_90, %dma_wait3A_189, %dma_wait3A_190] : memref<2x16x128xi32, #tpu.memory_space<vmem>> -> memref<1x16x128xi32, #tpu.memory_space<vmem>>
          %dma_wait3A_192 = tpu.memref_squeeze %dma_wait3A_191 : memref<1x16x128xi32, #tpu.memory_space<vmem>> -> memref<16x128xi32, #tpu.memory_space<vmem>>
          %dma_wait3A_193 = arith.constant 0 : i32
          %dma_wait3A_194 = tpu.memref_slice %arg4[%mul3A_16, %dma_wait3A_193] : memref<2560x128xi32, #tpu.memory_space<hbm>> -> memref<80x128xi32, #tpu.memory_space<hbm>>
          %dma_wait3A_195 = arith.constant 0 : i32
          %dma_wait3A_196 = tpu.memref_slice %dma_wait3A_194[%add3A_180, %dma_wait3A_195] : memref<80x128xi32, #tpu.memory_space<hbm>> -> memref<16x128xi32, #tpu.memory_space<hbm>>
          tpu.wait_dma2 semaphore(%arg13 : memref<!tpu.dma_semaphore, #tpu.memory_space<semaphore_mem>>) src(%dma_wait3A_196 : memref<16x128xi32, #tpu.memory_space<hbm>>) dst(%dma_wait3A_192 : memref<16x128xi32, #tpu.memory_space<vmem>>)
          %dma_start3A_197 = arith.constant 0 : i32
          %dma_start3A_198 = arith.constant 0 : i32
          %dma_start3A_199 = arith.constant 0 : i32
          %dma_start3A_200 = tpu.memref_slice %arg6[%select_n3A_90, %dma_start3A_198, %dma_start3A_199] : memref<2x16x128xi32, #tpu.memory_space<vmem>> -> memref<1x16x128xi32, #tpu.memory_space<vmem>>
          %dma_start3A_201 = tpu.memref_squeeze %dma_start3A_200 : memref<1x16x128xi32, #tpu.memory_space<vmem>> -> memref<16x128xi32, #tpu.memory_space<vmem>>
          %dma_start3A_202 = arith.constant 0 : i32
          %dma_start3A_203 = tpu.memref_slice %dma_start3A_201[%dma_start3A_197, %dma_start3A_202] : memref<16x128xi32, #tpu.memory_space<vmem>> -> memref<1x128xi32, #tpu.memory_space<vmem>>
          %dma_start3A_204 = tpu.memref_squeeze %dma_start3A_203 : memref<1x128xi32, #tpu.memory_space<vmem>> -> memref<128xi32, #tpu.memory_space<vmem>>
          %dma_start3A_205 = arith.constant 0 : i32
          %dma_start3A_206 = arith.constant 0 : i32
          %dma_start3A_207 = tpu.memref_slice %arg2[%dma_start3A_205, %dma_start3A_206] : memref<10240x128xf32, #tpu.memory_space<hbm>> -> memref<10240x128xf32, #tpu.memory_space<hbm>>
          tpu.enqueue_indirect_dma source(%dma_start3A_207 : memref<10240x128xf32, #tpu.memory_space<hbm>>) target(%arg8 : memref<128x128xf32, #tpu.memory_space<vmem>>) offsets(%dma_start3A_204 : memref<128xi32, #tpu.memory_space<vmem>>) semaphore(%arg11 : memref<!tpu.dma_semaphore, #tpu.memory_space<semaphore_mem>>)
        } else {
        }
      } else {
      }
      %ne3A_127 = arith.constant 14 : i32
      %ne3A_128 = arith.cmpi ne, %sub3A_57, %ne3A_127 : i32
      %convert_element_type3A_129 = arith.extui %ne3A_128 : i1 to i32
      %cond3A_130 = arith.constant 0 : i32
      %cond3A_131 = arith.cmpi ne, %convert_element_type3A_129, %cond3A_130 : i32
      scf.if %cond3A_131 {
        %add3A_146 = arith.constant 2 : i32
        %add3A_147 = arith.addi %sub3A_57, %add3A_146 : i32
        %dma_start3A_148 = arith.constant 0 : i32
        %dma_start3A_149 = arith.constant 0 : i32
        %dma_start3A_150 = tpu.memref_slice %arg6[%select_n3A_72, %dma_start3A_148, %dma_start3A_149] : memref<2x16x128xi32, #tpu.memory_space<vmem>> -> memref<1x16x128xi32, #tpu.memory_space<vmem>>
        %dma_start3A_151 = tpu.memref_squeeze %dma_start3A_150 : memref<1x16x128xi32, #tpu.memory_space<vmem>> -> memref<16x128xi32, #tpu.memory_space<vmem>>
        %dma_start3A_152 = arith.constant 0 : i32
        %dma_start3A_153 = tpu.memref_slice %dma_start3A_151[%add3A_147, %dma_start3A_152] : memref<16x128xi32, #tpu.memory_space<vmem>> -> memref<1x128xi32, #tpu.memory_space<vmem>>
        %dma_start3A_154 = tpu.memref_squeeze %dma_start3A_153 : memref<1x128xi32, #tpu.memory_space<vmem>> -> memref<128xi32, #tpu.memory_space<vmem>>
        %dma_start3A_155 = arith.constant 0 : i32
        %dma_start3A_156 = arith.constant 0 : i32
        %dma_start3A_157 = tpu.memref_slice %arg2[%dma_start3A_155, %dma_start3A_156] : memref<10240x128xf32, #tpu.memory_space<hbm>> -> memref<10240x128xf32, #tpu.memory_space<hbm>>
        tpu.enqueue_indirect_dma source(%dma_start3A_157 : memref<10240x128xf32, #tpu.memory_space<hbm>>) target(%arg8 : memref<128x128xf32, #tpu.memory_space<vmem>>) offsets(%dma_start3A_154 : memref<128xi32, #tpu.memory_space<vmem>>) semaphore(%arg11 : memref<!tpu.dma_semaphore, #tpu.memory_space<semaphore_mem>>)
      } else {
      }
      %add3A_132 = arith.constant 1 : i32
      %add3A_133 = arith.addi %sub3A_57, %add3A_132 : i32
      %dma_wait3A_134 = arith.constant 0 : i32
      %dma_wait3A_135 = arith.constant 0 : i32
      %dma_wait3A_136 = tpu.memref_slice %arg6[%select_n3A_72, %dma_wait3A_134, %dma_wait3A_135] : memref<2x16x128xi32, #tpu.memory_space<vmem>> -> memref<1x16x128xi32, #tpu.memory_space<vmem>>
      %dma_wait3A_137 = tpu.memref_squeeze %dma_wait3A_136 : memref<1x16x128xi32, #tpu.memory_space<vmem>> -> memref<16x128xi32, #tpu.memory_space<vmem>>
      %dma_wait3A_138 = arith.constant 0 : i32
      %dma_wait3A_139 = tpu.memref_slice %dma_wait3A_137[%add3A_133, %dma_wait3A_138] : memref<16x128xi32, #tpu.memory_space<vmem>> -> memref<1x128xi32, #tpu.memory_space<vmem>>
      %dma_wait3A_140 = tpu.memref_squeeze %dma_wait3A_139 : memref<1x128xi32, #tpu.memory_space<vmem>> -> memref<128xi32, #tpu.memory_space<vmem>>
      %dma_wait3A_141 = arith.constant 0 : i32
      %dma_wait3A_142 = arith.constant 0 : i32
      %dma_wait3A_143 = tpu.memref_slice %arg2[%dma_wait3A_141, %dma_wait3A_142] : memref<10240x128xf32, #tpu.memory_space<hbm>> -> memref<10240x128xf32, #tpu.memory_space<hbm>>
      tpu.wait_indirect_dma semaphore(%arg12 : memref<!tpu.dma_semaphore, #tpu.memory_space<semaphore_mem>>) src(%dma_wait3A_143 : memref<10240x128xf32, #tpu.memory_space<hbm>>) dst(%arg9 : memref<128x128xf32, #tpu.memory_space<vmem>>)
      %add3A_144 = arith.constant 1 : i32
      %add3A_145 = arith.addi %sub3A_57, %add3A_144 : i32
      "tpu.region"() ({
        %run_scoped3A_146 = tpu.sem_alloc : memref<!tpu.dma_semaphore, #tpu.memory_space<semaphore_mem>>
        %dma_start3A_147 = arith.constant 0 : i32
        %dma_start3A_148 = arith.constant 0 : i32
        %dma_start3A_149 = tpu.memref_slice %arg7[%select_n3A_72, %dma_start3A_147, %dma_start3A_148] : memref<2x16x128xi32, #tpu.memory_space<vmem>> -> memref<1x16x128xi32, #tpu.memory_space<vmem>>
        %dma_start3A_150 = tpu.memref_squeeze %dma_start3A_149 : memref<1x16x128xi32, #tpu.memory_space<vmem>> -> memref<16x128xi32, #tpu.memory_space<vmem>>
        %dma_start3A_151 = arith.constant 0 : i32
        %dma_start3A_152 = tpu.memref_slice %dma_start3A_150[%add3A_145, %dma_start3A_151] : memref<16x128xi32, #tpu.memory_space<vmem>> -> memref<1x128xi32, #tpu.memory_space<vmem>>
        %dma_start3A_153 = tpu.memref_squeeze %dma_start3A_152 : memref<1x128xi32, #tpu.memory_space<vmem>> -> memref<128xi32, #tpu.memory_space<vmem>>
        %dma_start3A_154 = arith.constant 0 : i32
        %dma_start3A_155 = arith.constant 0 : i32
        %dma_start3A_156 = tpu.memref_slice %arg10[%dma_start3A_154, %dma_start3A_155] : memref<10240x128xf32, #tpu.memory_space<vmem_shared>> -> memref<10240x128xf32, #tpu.memory_space<vmem_shared>>
        tpu.enqueue_indirect_dma source(%arg9 : memref<128x128xf32, #tpu.memory_space<vmem>>) target(%dma_start3A_156 : memref<10240x128xf32, #tpu.memory_space<vmem_shared>>) offsets(%dma_start3A_153 : memref<128xi32, #tpu.memory_space<vmem>>) semaphore(%run_scoped3A_146 : memref<!tpu.dma_semaphore, #tpu.memory_space<semaphore_mem>>) {add = true}
        %dma_wait3A_157 = arith.constant 0 : i32
        %dma_wait3A_158 = arith.constant 0 : i32
        %dma_wait3A_159 = tpu.memref_slice %arg7[%select_n3A_72, %dma_wait3A_157, %dma_wait3A_158] : memref<2x16x128xi32, #tpu.memory_space<vmem>> -> memref<1x16x128xi32, #tpu.memory_space<vmem>>
        %dma_wait3A_160 = tpu.memref_squeeze %dma_wait3A_159 : memref<1x16x128xi32, #tpu.memory_space<vmem>> -> memref<16x128xi32, #tpu.memory_space<vmem>>
        %dma_wait3A_161 = arith.constant 0 : i32
        %dma_wait3A_162 = tpu.memref_slice %dma_wait3A_160[%add3A_145, %dma_wait3A_161] : memref<16x128xi32, #tpu.memory_space<vmem>> -> memref<1x128xi32, #tpu.memory_space<vmem>>
        %dma_wait3A_163 = tpu.memref_squeeze %dma_wait3A_162 : memref<1x128xi32, #tpu.memory_space<vmem>> -> memref<128xi32, #tpu.memory_space<vmem>>
        %dma_wait3A_164 = arith.constant 0 : i32
        %dma_wait3A_165 = arith.constant 0 : i32
        %dma_wait3A_166 = tpu.memref_slice %arg10[%dma_wait3A_164, %dma_wait3A_165] : memref<10240x128xf32, #tpu.memory_space<vmem_shared>> -> memref<10240x128xf32, #tpu.memory_space<vmem_shared>>
        tpu.wait_indirect_dma semaphore(%run_scoped3A_146 : memref<!tpu.dma_semaphore, #tpu.memory_space<semaphore_mem>>) src(%arg9 : memref<128x128xf32, #tpu.memory_space<vmem>>) dst(%dma_wait3A_166 : memref<10240x128xf32, #tpu.memory_space<vmem_shared>>)
        tpu.yield
      }) : () -> ()
    }
    %scan3A_32 = arith.constant 40 : i32
    %barrier3A_33 = arith.constant 0 : index
    tpu.barrier barrier_id(%barrier3A_33)
    "tpu.region"() ({
      %run_scoped3A_34 = tpu.sem_alloc : memref<!tpu.dma_semaphore, #tpu.memory_space<semaphore_mem>>
      %dma_start3A_35 = arith.constant 0 : i32
      %dma_start3A_36 = tpu.memref_slice %arg5[%arg0, %mul3A_0, %dma_start3A_35] : memref<2x10240x128xf32, #tpu.memory_space<hbm>> -> memref<1x640x128xf32, #tpu.memory_space<hbm>>
      %dma_start3A_37 = tpu.memref_squeeze %dma_start3A_36 : memref<1x640x128xf32, #tpu.memory_space<hbm>> -> memref<640x128xf32, #tpu.memory_space<hbm>>
      %dma_start3A_38 = arith.constant 0 : i32
      %dma_start3A_39 = tpu.memref_slice %arg10[%mul3A_0, %dma_start3A_38] : memref<10240x128xf32, #tpu.memory_space<vmem_shared>> -> memref<640x128xf32, #tpu.memory_space<vmem_shared>>
      tpu.enqueue_dma source(%dma_start3A_39 : memref<640x128xf32, #tpu.memory_space<vmem_shared>>) target(%dma_start3A_37 : memref<640x128xf32, #tpu.memory_space<hbm>>) target_semaphore(%run_scoped3A_34 : memref<!tpu.dma_semaphore, #tpu.memory_space<semaphore_mem>>)
      %dma_wait3A = arith.constant 0 : i32
      %dma_wait3A_40 = tpu.memref_slice %arg5[%arg0, %mul3A_0, %dma_wait3A] : memref<2x10240x128xf32, #tpu.memory_space<hbm>> -> memref<1x640x128xf32, #tpu.memory_space<hbm>>
      %dma_wait3A_41 = tpu.memref_squeeze %dma_wait3A_40 : memref<1x640x128xf32, #tpu.memory_space<hbm>> -> memref<640x128xf32, #tpu.memory_space<hbm>>
      %dma_wait3A_42 = arith.constant 0 : i32
      %dma_wait3A_43 = tpu.memref_slice %arg10[%mul3A_0, %dma_wait3A_42] : memref<10240x128xf32, #tpu.memory_space<vmem_shared>> -> memref<640x128xf32, #tpu.memory_space<vmem_shared>>
      tpu.wait_dma2 semaphore(%run_scoped3A_34 : memref<!tpu.dma_semaphore, #tpu.memory_space<semaphore_mem>>) src(%dma_wait3A_43 : memref<640x128xf32, #tpu.memory_space<vmem_shared>>) dst(%dma_wait3A_41 : memref<640x128xf32, #tpu.memory_space<hbm>>)
      tpu.yield
    }) : () -> ()
    return
  }
}

#map = affine_map<(d0, d1) -> (0, 0)>
module attributes {stable_mosaic.version = 14 : i64} {
  func.func @k(%arg0: i32, %arg1: i32, %arg2: memref<20480x128xf32, #tpu.memory_space<hbm>>, %arg3: memref<5120x128xi32, #tpu.memory_space<hbm>>, %arg4: memref<2560x128xi32, #tpu.memory_space<hbm>>, %arg5: memref<20480x128xf32, #tpu.memory_space<hbm>>, %arg6: memref<2x16x128xi32, #tpu.memory_space<vmem>>, %arg7: memref<2x16x128xi32, #tpu.memory_space<vmem>>, %arg8: memref<128x128xf32, #tpu.memory_space<vmem>>, %arg9: memref<128x128xf32, #tpu.memory_space<vmem>>, %arg10: memref<10240x128xf32, #tpu.memory_space<vmem_shared>>, %arg11: memref<!tpu.dma_semaphore, #tpu.memory_space<semaphore_mem>>, %arg12: memref<!tpu.dma_semaphore, #tpu.memory_space<semaphore_mem>>, %arg13: memref<!tpu.dma_semaphore, #tpu.memory_space<semaphore_mem>>) attributes {dimension_semantics = [#tpu.dimension_semantics<core_parallel>, #tpu.dimension_semantics<subcore_parallel>], iteration_bounds = array<i64: 2, 16>, scalar_prefetch = 0 : i64, scratch_operands = 8 : i64, tpu.core_type = #tpu.core_type<sc_vector_subcore>, window_params = [{transform_indices = #map}, {transform_indices = #map}, {transform_indices = #map}, {transform_indices = #map}]} {
    %mul3A = arith.constant 640 : i32
    %mul3A_0 = arith.muli %arg1, %mul3A : i32
    %mul3A_1 = arith.constant 10240 : i32
    %mul3A_2 = arith.muli %arg0, %mul3A_1 : i32
    %add3A = arith.addi %mul3A_2, %mul3A_0 : i32
    "tpu.region"() ({
      %run_scoped3A_28 = tpu.sem_alloc : memref<!tpu.dma_semaphore, #tpu.memory_space<semaphore_mem>>
      %dma_start3A_29 = arith.constant 0 : i32
      %dma_start3A_30 = tpu.memref_slice %arg10[%mul3A_0, %dma_start3A_29] : memref<10240x128xf32, #tpu.memory_space<vmem_shared>> -> memref<640x128xf32, #tpu.memory_space<vmem_shared>>
      %dma_start3A_31 = arith.constant 0 : i32
      %dma_start3A_32 = tpu.memref_slice %arg2[%add3A, %dma_start3A_31] : memref<20480x128xf32, #tpu.memory_space<hbm>> -> memref<640x128xf32, #tpu.memory_space<hbm>>
      tpu.enqueue_dma source(%dma_start3A_32 : memref<640x128xf32, #tpu.memory_space<hbm>>) target(%dma_start3A_30 : memref<640x128xf32, #tpu.memory_space<vmem_shared>>) target_semaphore(%run_scoped3A_28 : memref<!tpu.dma_semaphore, #tpu.memory_space<semaphore_mem>>)
      %dma_wait3A = arith.constant 0 : i32
      %dma_wait3A_33 = tpu.memref_slice %arg10[%mul3A_0, %dma_wait3A] : memref<10240x128xf32, #tpu.memory_space<vmem_shared>> -> memref<640x128xf32, #tpu.memory_space<vmem_shared>>
      %dma_wait3A_34 = arith.constant 0 : i32
      %dma_wait3A_35 = tpu.memref_slice %arg2[%add3A, %dma_wait3A_34] : memref<20480x128xf32, #tpu.memory_space<hbm>> -> memref<640x128xf32, #tpu.memory_space<hbm>>
      tpu.wait_dma2 semaphore(%run_scoped3A_28 : memref<!tpu.dma_semaphore, #tpu.memory_space<semaphore_mem>>) src(%dma_wait3A_35 : memref<640x128xf32, #tpu.memory_space<hbm>>) dst(%dma_wait3A_33 : memref<640x128xf32, #tpu.memory_space<vmem_shared>>)
      tpu.yield
    }) : () -> ()
    %barrier3A = arith.constant 0 : index
    tpu.barrier barrier_id(%barrier3A)
    %mul3A_3 = arith.constant 16 : i32
    %mul3A_4 = arith.muli %arg0, %mul3A_3 : i32
    %add3A_5 = arith.addi %mul3A_4, %arg1 : i32
    %mul3A_6 = arith.constant 160 : i32
    %mul3A_7 = arith.muli %add3A_5, %mul3A_6 : i32
    %mul3A_8 = arith.constant 160 : i32
    %mul3A_9 = arith.muli %arg1, %mul3A_8 : i32
    %run_scoped3A = arith.constant 0 : i32
    "tpu.region"() ({
      %run_scoped3A_28 = tpu.sem_alloc : memref<!tpu.dma_semaphore, #tpu.memory_space<semaphore_mem>>
      %dma_start3A_29 = arith.constant 0 : i32
      %dma_start3A_30 = arith.constant 0 : i32
      %dma_start3A_31 = tpu.memref_slice %arg6[%run_scoped3A, %dma_start3A_29, %dma_start3A_30] : memref<2x16x128xi32, #tpu.memory_space<vmem>> -> memref<1x16x128xi32, #tpu.memory_space<vmem>>
      %dma_start3A_32 = tpu.memref_squeeze %dma_start3A_31 : memref<1x16x128xi32, #tpu.memory_space<vmem>> -> memref<16x128xi32, #tpu.memory_space<vmem>>
      %dma_start3A_33 = arith.constant 0 : i32
      %dma_start3A_34 = tpu.memref_slice %arg3[%mul3A_7, %dma_start3A_33] : memref<5120x128xi32, #tpu.memory_space<hbm>> -> memref<160x128xi32, #tpu.memory_space<hbm>>
      %dma_start3A_35 = arith.constant 0 : i32
      %dma_start3A_36 = arith.constant 0 : i32
      %dma_start3A_37 = tpu.memref_slice %dma_start3A_34[%dma_start3A_35, %dma_start3A_36] : memref<160x128xi32, #tpu.memory_space<hbm>> -> memref<16x128xi32, #tpu.memory_space<hbm>>
      %dma_start3A_38 = arith.constant 0 : i32
      %dma_start3A_39 = arith.constant 0 : i32
      %dma_start3A_40 = tpu.memref_slice %arg6[%run_scoped3A, %dma_start3A_38, %dma_start3A_39] : memref<2x16x128xi32, #tpu.memory_space<vmem>> -> memref<1x16x128xi32, #tpu.memory_space<vmem>>
      %dma_start3A_41 = tpu.memref_squeeze %dma_start3A_40 : memref<1x16x128xi32, #tpu.memory_space<vmem>> -> memref<16x128xi32, #tpu.memory_space<vmem>>
      %dma_start3A_42 = arith.constant 0 : i32
      %dma_start3A_43 = tpu.memref_slice %arg3[%mul3A_7, %dma_start3A_42] : memref<5120x128xi32, #tpu.memory_space<hbm>> -> memref<160x128xi32, #tpu.memory_space<hbm>>
      %dma_start3A_44 = arith.constant 0 : i32
      %dma_start3A_45 = arith.constant 0 : i32
      %dma_start3A_46 = tpu.memref_slice %dma_start3A_43[%dma_start3A_44, %dma_start3A_45] : memref<160x128xi32, #tpu.memory_space<hbm>> -> memref<16x128xi32, #tpu.memory_space<hbm>>
      tpu.enqueue_dma source(%dma_start3A_46 : memref<16x128xi32, #tpu.memory_space<hbm>>) target(%dma_start3A_41 : memref<16x128xi32, #tpu.memory_space<vmem>>) target_semaphore(%run_scoped3A_28 : memref<!tpu.dma_semaphore, #tpu.memory_space<semaphore_mem>>)
      %dma_wait3A = arith.constant 0 : i32
      %dma_wait3A_47 = arith.constant 0 : i32
      %dma_wait3A_48 = tpu.memref_slice %arg6[%run_scoped3A, %dma_wait3A, %dma_wait3A_47] : memref<2x16x128xi32, #tpu.memory_space<vmem>> -> memref<1x16x128xi32, #tpu.memory_space<vmem>>
      %dma_wait3A_49 = tpu.memref_squeeze %dma_wait3A_48 : memref<1x16x128xi32, #tpu.memory_space<vmem>> -> memref<16x128xi32, #tpu.memory_space<vmem>>
      %dma_wait3A_50 = arith.constant 0 : i32
      %dma_wait3A_51 = tpu.memref_slice %arg3[%mul3A_7, %dma_wait3A_50] : memref<5120x128xi32, #tpu.memory_space<hbm>> -> memref<160x128xi32, #tpu.memory_space<hbm>>
      %dma_wait3A_52 = arith.constant 0 : i32
      %dma_wait3A_53 = arith.constant 0 : i32
      %dma_wait3A_54 = tpu.memref_slice %dma_wait3A_51[%dma_wait3A_52, %dma_wait3A_53] : memref<160x128xi32, #tpu.memory_space<hbm>> -> memref<16x128xi32, #tpu.memory_space<hbm>>
      %dma_wait3A_55 = arith.constant 0 : i32
      %dma_wait3A_56 = arith.constant 0 : i32
      %dma_wait3A_57 = tpu.memref_slice %arg6[%run_scoped3A, %dma_wait3A_55, %dma_wait3A_56] : memref<2x16x128xi32, #tpu.memory_space<vmem>> -> memref<1x16x128xi32, #tpu.memory_space<vmem>>
      %dma_wait3A_58 = tpu.memref_squeeze %dma_wait3A_57 : memref<1x16x128xi32, #tpu.memory_space<vmem>> -> memref<16x128xi32, #tpu.memory_space<vmem>>
      %dma_wait3A_59 = arith.constant 0 : i32
      %dma_wait3A_60 = tpu.memref_slice %arg3[%mul3A_7, %dma_wait3A_59] : memref<5120x128xi32, #tpu.memory_space<hbm>> -> memref<160x128xi32, #tpu.memory_space<hbm>>
      %dma_wait3A_61 = arith.constant 0 : i32
      %dma_wait3A_62 = arith.constant 0 : i32
      %dma_wait3A_63 = tpu.memref_slice %dma_wait3A_60[%dma_wait3A_61, %dma_wait3A_62] : memref<160x128xi32, #tpu.memory_space<hbm>> -> memref<16x128xi32, #tpu.memory_space<hbm>>
      tpu.wait_dma2 semaphore(%run_scoped3A_28 : memref<!tpu.dma_semaphore, #tpu.memory_space<semaphore_mem>>) src(%dma_wait3A_63 : memref<16x128xi32, #tpu.memory_space<hbm>>) dst(%dma_wait3A_58 : memref<16x128xi32, #tpu.memory_space<vmem>>)
      tpu.yield
    }) : () -> ()
    %run_scoped3A_10 = arith.constant 0 : i32
    "tpu.region"() ({
      %run_scoped3A_28 = tpu.sem_alloc : memref<!tpu.dma_semaphore, #tpu.memory_space<semaphore_mem>>
      %dma_start3A_29 = arith.constant 0 : i32
      %dma_start3A_30 = arith.constant 0 : i32
      %dma_start3A_31 = tpu.memref_slice %arg7[%run_scoped3A_10, %dma_start3A_29, %dma_start3A_30] : memref<2x16x128xi32, #tpu.memory_space<vmem>> -> memref<1x16x128xi32, #tpu.memory_space<vmem>>
      %dma_start3A_32 = tpu.memref_squeeze %dma_start3A_31 : memref<1x16x128xi32, #tpu.memory_space<vmem>> -> memref<16x128xi32, #tpu.memory_space<vmem>>
      %dma_start3A_33 = arith.constant 0 : i32
      %dma_start3A_34 = tpu.memref_slice %arg4[%mul3A_9, %dma_start3A_33] : memref<2560x128xi32, #tpu.memory_space<hbm>> -> memref<160x128xi32, #tpu.memory_space<hbm>>
      %dma_start3A_35 = arith.constant 0 : i32
      %dma_start3A_36 = arith.constant 0 : i32
      %dma_start3A_37 = tpu.memref_slice %dma_start3A_34[%dma_start3A_35, %dma_start3A_36] : memref<160x128xi32, #tpu.memory_space<hbm>> -> memref<16x128xi32, #tpu.memory_space<hbm>>
      %dma_start3A_38 = arith.constant 0 : i32
      %dma_start3A_39 = arith.constant 0 : i32
      %dma_start3A_40 = tpu.memref_slice %arg7[%run_scoped3A_10, %dma_start3A_38, %dma_start3A_39] : memref<2x16x128xi32, #tpu.memory_space<vmem>> -> memref<1x16x128xi32, #tpu.memory_space<vmem>>
      %dma_start3A_41 = tpu.memref_squeeze %dma_start3A_40 : memref<1x16x128xi32, #tpu.memory_space<vmem>> -> memref<16x128xi32, #tpu.memory_space<vmem>>
      %dma_start3A_42 = arith.constant 0 : i32
      %dma_start3A_43 = tpu.memref_slice %arg4[%mul3A_9, %dma_start3A_42] : memref<2560x128xi32, #tpu.memory_space<hbm>> -> memref<160x128xi32, #tpu.memory_space<hbm>>
      %dma_start3A_44 = arith.constant 0 : i32
      %dma_start3A_45 = arith.constant 0 : i32
      %dma_start3A_46 = tpu.memref_slice %dma_start3A_43[%dma_start3A_44, %dma_start3A_45] : memref<160x128xi32, #tpu.memory_space<hbm>> -> memref<16x128xi32, #tpu.memory_space<hbm>>
      tpu.enqueue_dma source(%dma_start3A_46 : memref<16x128xi32, #tpu.memory_space<hbm>>) target(%dma_start3A_41 : memref<16x128xi32, #tpu.memory_space<vmem>>) target_semaphore(%run_scoped3A_28 : memref<!tpu.dma_semaphore, #tpu.memory_space<semaphore_mem>>)
      %dma_wait3A = arith.constant 0 : i32
      %dma_wait3A_47 = arith.constant 0 : i32
      %dma_wait3A_48 = tpu.memref_slice %arg7[%run_scoped3A_10, %dma_wait3A, %dma_wait3A_47] : memref<2x16x128xi32, #tpu.memory_space<vmem>> -> memref<1x16x128xi32, #tpu.memory_space<vmem>>
      %dma_wait3A_49 = tpu.memref_squeeze %dma_wait3A_48 : memref<1x16x128xi32, #tpu.memory_space<vmem>> -> memref<16x128xi32, #tpu.memory_space<vmem>>
      %dma_wait3A_50 = arith.constant 0 : i32
      %dma_wait3A_51 = tpu.memref_slice %arg4[%mul3A_9, %dma_wait3A_50] : memref<2560x128xi32, #tpu.memory_space<hbm>> -> memref<160x128xi32, #tpu.memory_space<hbm>>
      %dma_wait3A_52 = arith.constant 0 : i32
      %dma_wait3A_53 = arith.constant 0 : i32
      %dma_wait3A_54 = tpu.memref_slice %dma_wait3A_51[%dma_wait3A_52, %dma_wait3A_53] : memref<160x128xi32, #tpu.memory_space<hbm>> -> memref<16x128xi32, #tpu.memory_space<hbm>>
      %dma_wait3A_55 = arith.constant 0 : i32
      %dma_wait3A_56 = arith.constant 0 : i32
      %dma_wait3A_57 = tpu.memref_slice %arg7[%run_scoped3A_10, %dma_wait3A_55, %dma_wait3A_56] : memref<2x16x128xi32, #tpu.memory_space<vmem>> -> memref<1x16x128xi32, #tpu.memory_space<vmem>>
      %dma_wait3A_58 = tpu.memref_squeeze %dma_wait3A_57 : memref<1x16x128xi32, #tpu.memory_space<vmem>> -> memref<16x128xi32, #tpu.memory_space<vmem>>
      %dma_wait3A_59 = arith.constant 0 : i32
      %dma_wait3A_60 = tpu.memref_slice %arg4[%mul3A_9, %dma_wait3A_59] : memref<2560x128xi32, #tpu.memory_space<hbm>> -> memref<160x128xi32, #tpu.memory_space<hbm>>
      %dma_wait3A_61 = arith.constant 0 : i32
      %dma_wait3A_62 = arith.constant 0 : i32
      %dma_wait3A_63 = tpu.memref_slice %dma_wait3A_60[%dma_wait3A_61, %dma_wait3A_62] : memref<160x128xi32, #tpu.memory_space<hbm>> -> memref<16x128xi32, #tpu.memory_space<hbm>>
      tpu.wait_dma2 semaphore(%run_scoped3A_28 : memref<!tpu.dma_semaphore, #tpu.memory_space<semaphore_mem>>) src(%dma_wait3A_63 : memref<16x128xi32, #tpu.memory_space<hbm>>) dst(%dma_wait3A_58 : memref<16x128xi32, #tpu.memory_space<vmem>>)
      tpu.yield
    }) : () -> ()
    %dma_start3A = arith.constant 0 : i32
    %dma_start3A_11 = arith.constant 0 : i32
    %dma_start3A_12 = arith.constant 0 : i32
    %dma_start3A_13 = arith.constant 0 : i32
    %dma_start3A_14 = tpu.memref_slice %arg6[%dma_start3A, %dma_start3A_12, %dma_start3A_13] : memref<2x16x128xi32, #tpu.memory_space<vmem>> -> memref<1x16x128xi32, #tpu.memory_space<vmem>>
    %dma_start3A_15 = tpu.memref_squeeze %dma_start3A_14 : memref<1x16x128xi32, #tpu.memory_space<vmem>> -> memref<16x128xi32, #tpu.memory_space<vmem>>
    %dma_start3A_16 = arith.constant 0 : i32
    %dma_start3A_17 = tpu.memref_slice %dma_start3A_15[%dma_start3A_11, %dma_start3A_16] : memref<16x128xi32, #tpu.memory_space<vmem>> -> memref<1x128xi32, #tpu.memory_space<vmem>>
    %dma_start3A_18 = tpu.memref_squeeze %dma_start3A_17 : memref<1x128xi32, #tpu.memory_space<vmem>> -> memref<128xi32, #tpu.memory_space<vmem>>
    %dma_start3A_19 = arith.constant 0 : i32
    %dma_start3A_20 = arith.constant 0 : i32
    %dma_start3A_21 = tpu.memref_slice %arg2[%dma_start3A_19, %dma_start3A_20] : memref<20480x128xf32, #tpu.memory_space<hbm>> -> memref<20480x128xf32, #tpu.memory_space<hbm>>
    tpu.enqueue_indirect_dma source(%dma_start3A_21 : memref<20480x128xf32, #tpu.memory_space<hbm>>) target(%arg8 : memref<128x128xf32, #tpu.memory_space<vmem>>) offsets(%dma_start3A_18 : memref<128xi32, #tpu.memory_space<vmem>>) semaphore(%arg11 : memref<!tpu.dma_semaphore, #tpu.memory_space<semaphore_mem>>)
    %scan3A = arith.constant 0 : i32
    %scan3A_22 = arith.constant 80 : i32
    %scan3A_23 = arith.addi %scan3A, %scan3A_22 : i32
    %scan3A_24 = arith.constant 1 : i32
    scf.for %scan3A_28 = %scan3A to %scan3A_23 step %scan3A_24  : i32 {
      %mul3A_29 = arith.constant 2 : i32
      %mul3A_30 = arith.muli %scan3A_28, %mul3A_29 : i32
      %add3A_31 = arith.constant 0 : i32
      %add3A_32 = arith.addi %add3A_31, %mul3A_30 : i32
      %jit3A = arith.constant 16 : i32
      %div3A = arith.divsi %add3A_32, %jit3A : i32
      %sign3A = arith.constant 0 : i32
      %sign3A_33 = arith.cmpi sgt, %add3A_32, %sign3A : i32
      %sign3A_34 = arith.extui %sign3A_33 : i1 to i32
      %sign3A_35 = arith.constant 0 : i32
      %sign3A_36 = arith.cmpi slt, %add3A_32, %sign3A_35 : i32
      %sign3A_37 = arith.extui %sign3A_36 : i1 to i32
      %sign3A_38 = arith.subi %sign3A_34, %sign3A_37 : i32
      %sign3A_39 = arith.constant 0 : i32
      %sign3A_40 = arith.cmpi sgt, %jit3A, %sign3A_39 : i32
      %sign3A_41 = arith.extui %sign3A_40 : i1 to i32
      %sign3A_42 = arith.constant 0 : i32
      %sign3A_43 = arith.cmpi slt, %jit3A, %sign3A_42 : i32
      %sign3A_44 = arith.extui %sign3A_43 : i1 to i32
      %sign3A_45 = arith.subi %sign3A_41, %sign3A_44 : i32
      %ne3A = arith.cmpi ne, %sign3A_38, %sign3A_45 : i32
      %rem3A = arith.remsi %add3A_32, %jit3A : i32
      %ne3A_46 = arith.constant 0 : i32
      %ne3A_47 = arith.cmpi ne, %rem3A, %ne3A_46 : i32
      %and3A = arith.andi %ne3A, %ne3A_47 : i1
      %sub3A = arith.constant 1 : i32
      %sub3A_48 = arith.subi %div3A, %sub3A : i32
      %select_n3A = arith.select %and3A, %sub3A_48, %div3A : i32
      %mul3A_49 = arith.constant 16 : i32
      %mul3A_50 = arith.muli %select_n3A, %mul3A_49 : i32
      %sub3A_51 = arith.subi %add3A_32, %mul3A_50 : i32
      %jit3A_52 = arith.constant 2 : i32
      %eq3A = arith.constant 0 : i32
      %eq3A_53 = arith.cmpi eq, %jit3A_52, %eq3A : i32
      %jit3A_54 = arith.constant 1 : i32
      %select_n3A_55 = arith.select %eq3A_53, %jit3A_54, %jit3A_52 : i32
      %rem3A_56 = arith.remsi %select_n3A, %select_n3A_55 : i32
      %ne3A_57 = arith.constant 0 : i32
      %ne3A_58 = arith.cmpi ne, %rem3A_56, %ne3A_57 : i32
      %lt3A = arith.constant 0 : i32
      %lt3A_59 = arith.cmpi slt, %rem3A_56, %lt3A : i32
      %lt3A_60 = arith.constant 0 : i32
      %lt3A_61 = arith.cmpi slt, %select_n3A_55, %lt3A_60 : i32
      %ne3A_62 = arith.xori %lt3A_59, %lt3A_61 : i1
      %and3A_63 = arith.andi %ne3A_62, %ne3A_58 : i1
      %add3A_64 = arith.addi %rem3A_56, %select_n3A_55 : i32
      %select_n3A_65 = arith.select %and3A_63, %add3A_64, %rem3A_56 : i32
      %add3A_66 = arith.constant 1 : i32
      %add3A_67 = arith.addi %select_n3A, %add3A_66 : i32
      %jit3A_68 = arith.constant 2 : i32
      %eq3A_69 = arith.constant 0 : i32
      %eq3A_70 = arith.cmpi eq, %jit3A_68, %eq3A_69 : i32
      %jit3A_71 = arith.constant 1 : i32
      %select_n3A_72 = arith.select %eq3A_70, %jit3A_71, %jit3A_68 : i32
      %rem3A_73 = arith.remsi %add3A_67, %select_n3A_72 : i32
      %ne3A_74 = arith.constant 0 : i32
      %ne3A_75 = arith.cmpi ne, %rem3A_73, %ne3A_74 : i32
      %lt3A_76 = arith.constant 0 : i32
      %lt3A_77 = arith.cmpi slt, %rem3A_73, %lt3A_76 : i32
      %lt3A_78 = arith.constant 0 : i32
      %lt3A_79 = arith.cmpi slt, %select_n3A_72, %lt3A_78 : i32
      %ne3A_80 = arith.xori %lt3A_77, %lt3A_79 : i1
      %and3A_81 = arith.andi %ne3A_80, %ne3A_75 : i1
      %add3A_82 = arith.addi %rem3A_73, %select_n3A_72 : i32
      %select_n3A_83 = arith.select %and3A_81, %add3A_82, %rem3A_73 : i32
      %eq3A_84 = arith.constant 0 : i32
      %eq3A_85 = arith.cmpi eq, %sub3A_51, %eq3A_84 : i32
      %add3A_86 = arith.constant 16 : i32
      %add3A_87 = arith.addi %add3A_32, %add3A_86 : i32
      %lt3A_88 = arith.constant 160 : i32
      %lt3A_89 = arith.cmpi slt, %add3A_87, %lt3A_88 : i32
      %and3A_90 = arith.andi %eq3A_85, %lt3A_89 : i1
      %convert_element_type3A = arith.extui %and3A_90 : i1 to i32
      %cond3A = arith.constant 0 : i32
      %cond3A_91 = arith.cmpi ne, %convert_element_type3A, %cond3A : i32
      scf.if %cond3A_91 {
        %add3A_137 = arith.constant 1 : i32
        %add3A_138 = arith.addi %select_n3A, %add3A_137 : i32
        %mul3A_139 = arith.constant 16 : i32
        %mul3A_140 = arith.muli %add3A_138, %mul3A_139 : i32
        %add3A_141 = arith.constant 0 : i32
        %add3A_142 = arith.addi %add3A_141, %mul3A_140 : i32
        %dma_start3A_143 = arith.constant 0 : i32
        %dma_start3A_144 = arith.constant 0 : i32
        %dma_start3A_145 = tpu.memref_slice %arg6[%select_n3A_83, %dma_start3A_143, %dma_start3A_144] : memref<2x16x128xi32, #tpu.memory_space<vmem>> -> memref<1x16x128xi32, #tpu.memory_space<vmem>>
        %dma_start3A_146 = tpu.memref_squeeze %dma_start3A_145 : memref<1x16x128xi32, #tpu.memory_space<vmem>> -> memref<16x128xi32, #tpu.memory_space<vmem>>
        %dma_start3A_147 = arith.constant 0 : i32
        %dma_start3A_148 = tpu.memref_slice %arg3[%mul3A_7, %dma_start3A_147] : memref<5120x128xi32, #tpu.memory_space<hbm>> -> memref<160x128xi32, #tpu.memory_space<hbm>>
        %dma_start3A_149 = arith.constant 0 : i32
        %dma_start3A_150 = tpu.memref_slice %dma_start3A_148[%add3A_142, %dma_start3A_149] : memref<160x128xi32, #tpu.memory_space<hbm>> -> memref<16x128xi32, #tpu.memory_space<hbm>>
        %dma_start3A_151 = arith.constant 0 : i32
        %dma_start3A_152 = arith.constant 0 : i32
        %dma_start3A_153 = tpu.memref_slice %arg6[%select_n3A_83, %dma_start3A_151, %dma_start3A_152] : memref<2x16x128xi32, #tpu.memory_space<vmem>> -> memref<1x16x128xi32, #tpu.memory_space<vmem>>
        %dma_start3A_154 = tpu.memref_squeeze %dma_start3A_153 : memref<1x16x128xi32, #tpu.memory_space<vmem>> -> memref<16x128xi32, #tpu.memory_space<vmem>>
        %dma_start3A_155 = arith.constant 0 : i32
        %dma_start3A_156 = tpu.memref_slice %arg3[%mul3A_7, %dma_start3A_155] : memref<5120x128xi32, #tpu.memory_space<hbm>> -> memref<160x128xi32, #tpu.memory_space<hbm>>
        %dma_start3A_157 = arith.constant 0 : i32
        %dma_start3A_158 = tpu.memref_slice %dma_start3A_156[%add3A_142, %dma_start3A_157] : memref<160x128xi32, #tpu.memory_space<hbm>> -> memref<16x128xi32, #tpu.memory_space<hbm>>
        tpu.enqueue_dma source(%dma_start3A_158 : memref<16x128xi32, #tpu.memory_space<hbm>>) target(%dma_start3A_154 : memref<16x128xi32, #tpu.memory_space<vmem>>) target_semaphore(%arg13 : memref<!tpu.dma_semaphore, #tpu.memory_space<semaphore_mem>>)
        %add3A_159 = arith.constant 1 : i32
        %add3A_160 = arith.addi %select_n3A, %add3A_159 : i32
        %mul3A_161 = arith.constant 16 : i32
        %mul3A_162 = arith.muli %add3A_160, %mul3A_161 : i32
        %add3A_163 = arith.constant 0 : i32
        %add3A_164 = arith.addi %add3A_163, %mul3A_162 : i32
        %dma_start3A_165 = arith.constant 0 : i32
        %dma_start3A_166 = arith.constant 0 : i32
        %dma_start3A_167 = tpu.memref_slice %arg7[%select_n3A_83, %dma_start3A_165, %dma_start3A_166] : memref<2x16x128xi32, #tpu.memory_space<vmem>> -> memref<1x16x128xi32, #tpu.memory_space<vmem>>
        %dma_start3A_168 = tpu.memref_squeeze %dma_start3A_167 : memref<1x16x128xi32, #tpu.memory_space<vmem>> -> memref<16x128xi32, #tpu.memory_space<vmem>>
        %dma_start3A_169 = arith.constant 0 : i32
        %dma_start3A_170 = tpu.memref_slice %arg4[%mul3A_9, %dma_start3A_169] : memref<2560x128xi32, #tpu.memory_space<hbm>> -> memref<160x128xi32, #tpu.memory_space<hbm>>
        %dma_start3A_171 = arith.constant 0 : i32
        %dma_start3A_172 = tpu.memref_slice %dma_start3A_170[%add3A_164, %dma_start3A_171] : memref<160x128xi32, #tpu.memory_space<hbm>> -> memref<16x128xi32, #tpu.memory_space<hbm>>
        %dma_start3A_173 = arith.constant 0 : i32
        %dma_start3A_174 = arith.constant 0 : i32
        %dma_start3A_175 = tpu.memref_slice %arg7[%select_n3A_83, %dma_start3A_173, %dma_start3A_174] : memref<2x16x128xi32, #tpu.memory_space<vmem>> -> memref<1x16x128xi32, #tpu.memory_space<vmem>>
        %dma_start3A_176 = tpu.memref_squeeze %dma_start3A_175 : memref<1x16x128xi32, #tpu.memory_space<vmem>> -> memref<16x128xi32, #tpu.memory_space<vmem>>
        %dma_start3A_177 = arith.constant 0 : i32
        %dma_start3A_178 = tpu.memref_slice %arg4[%mul3A_9, %dma_start3A_177] : memref<2560x128xi32, #tpu.memory_space<hbm>> -> memref<160x128xi32, #tpu.memory_space<hbm>>
        %dma_start3A_179 = arith.constant 0 : i32
        %dma_start3A_180 = tpu.memref_slice %dma_start3A_178[%add3A_164, %dma_start3A_179] : memref<160x128xi32, #tpu.memory_space<hbm>> -> memref<16x128xi32, #tpu.memory_space<hbm>>
        tpu.enqueue_dma source(%dma_start3A_180 : memref<16x128xi32, #tpu.memory_space<hbm>>) target(%dma_start3A_176 : memref<16x128xi32, #tpu.memory_space<vmem>>) target_semaphore(%arg13 : memref<!tpu.dma_semaphore, #tpu.memory_space<semaphore_mem>>)
      } else {
      }
      %add3A_92 = arith.constant 1 : i32
      %add3A_93 = arith.addi %sub3A_51, %add3A_92 : i32
      %dma_start3A_94 = arith.constant 0 : i32
      %dma_start3A_95 = arith.constant 0 : i32
      %dma_start3A_96 = tpu.memref_slice %arg6[%select_n3A_65, %dma_start3A_94, %dma_start3A_95] : memref<2x16x128xi32, #tpu.memory_space<vmem>> -> memref<1x16x128xi32, #tpu.memory_space<vmem>>
      %dma_start3A_97 = tpu.memref_squeeze %dma_start3A_96 : memref<1x16x128xi32, #tpu.memory_space<vmem>> -> memref<16x128xi32, #tpu.memory_space<vmem>>
      %dma_start3A_98 = arith.constant 0 : i32
      %dma_start3A_99 = tpu.memref_slice %dma_start3A_97[%add3A_93, %dma_start3A_98] : memref<16x128xi32, #tpu.memory_space<vmem>> -> memref<1x128xi32, #tpu.memory_space<vmem>>
      %dma_start3A_100 = tpu.memref_squeeze %dma_start3A_99 : memref<1x128xi32, #tpu.memory_space<vmem>> -> memref<128xi32, #tpu.memory_space<vmem>>
      %dma_start3A_101 = arith.constant 0 : i32
      %dma_start3A_102 = arith.constant 0 : i32
      %dma_start3A_103 = tpu.memref_slice %arg2[%dma_start3A_101, %dma_start3A_102] : memref<20480x128xf32, #tpu.memory_space<hbm>> -> memref<20480x128xf32, #tpu.memory_space<hbm>>
      tpu.enqueue_indirect_dma source(%dma_start3A_103 : memref<20480x128xf32, #tpu.memory_space<hbm>>) target(%arg9 : memref<128x128xf32, #tpu.memory_space<vmem>>) offsets(%dma_start3A_100 : memref<128xi32, #tpu.memory_space<vmem>>) semaphore(%arg12 : memref<!tpu.dma_semaphore, #tpu.memory_space<semaphore_mem>>)
      %dma_wait3A = arith.constant 0 : i32
      %dma_wait3A_104 = arith.constant 0 : i32
      %dma_wait3A_105 = tpu.memref_slice %arg6[%select_n3A_65, %dma_wait3A, %dma_wait3A_104] : memref<2x16x128xi32, #tpu.memory_space<vmem>> -> memref<1x16x128xi32, #tpu.memory_space<vmem>>
      %dma_wait3A_106 = tpu.memref_squeeze %dma_wait3A_105 : memref<1x16x128xi32, #tpu.memory_space<vmem>> -> memref<16x128xi32, #tpu.memory_space<vmem>>
      %dma_wait3A_107 = arith.constant 0 : i32
      %dma_wait3A_108 = tpu.memref_slice %dma_wait3A_106[%sub3A_51, %dma_wait3A_107] : memref<16x128xi32, #tpu.memory_space<vmem>> -> memref<1x128xi32, #tpu.memory_space<vmem>>
      %dma_wait3A_109 = tpu.memref_squeeze %dma_wait3A_108 : memref<1x128xi32, #tpu.memory_space<vmem>> -> memref<128xi32, #tpu.memory_space<vmem>>
      %dma_wait3A_110 = arith.constant 0 : i32
      %dma_wait3A_111 = arith.constant 0 : i32
      %dma_wait3A_112 = tpu.memref_slice %arg2[%dma_wait3A_110, %dma_wait3A_111] : memref<20480x128xf32, #tpu.memory_space<hbm>> -> memref<20480x128xf32, #tpu.memory_space<hbm>>
      tpu.wait_indirect_dma semaphore(%arg11 : memref<!tpu.dma_semaphore, #tpu.memory_space<semaphore_mem>>) src(%dma_wait3A_112 : memref<20480x128xf32, #tpu.memory_space<hbm>>) dst(%arg8 : memref<128x128xf32, #tpu.memory_space<vmem>>)
      "tpu.region"() ({
        %run_scoped3A_137 = tpu.sem_alloc : memref<!tpu.dma_semaphore, #tpu.memory_space<semaphore_mem>>
        %dma_start3A_138 = arith.constant 0 : i32
        %dma_start3A_139 = arith.constant 0 : i32
        %dma_start3A_140 = tpu.memref_slice %arg7[%select_n3A_65, %dma_start3A_138, %dma_start3A_139] : memref<2x16x128xi32, #tpu.memory_space<vmem>> -> memref<1x16x128xi32, #tpu.memory_space<vmem>>
        %dma_start3A_141 = tpu.memref_squeeze %dma_start3A_140 : memref<1x16x128xi32, #tpu.memory_space<vmem>> -> memref<16x128xi32, #tpu.memory_space<vmem>>
        %dma_start3A_142 = arith.constant 0 : i32
        %dma_start3A_143 = tpu.memref_slice %dma_start3A_141[%sub3A_51, %dma_start3A_142] : memref<16x128xi32, #tpu.memory_space<vmem>> -> memref<1x128xi32, #tpu.memory_space<vmem>>
        %dma_start3A_144 = tpu.memref_squeeze %dma_start3A_143 : memref<1x128xi32, #tpu.memory_space<vmem>> -> memref<128xi32, #tpu.memory_space<vmem>>
        %dma_start3A_145 = arith.constant 0 : i32
        %dma_start3A_146 = arith.constant 0 : i32
        %dma_start3A_147 = tpu.memref_slice %arg10[%dma_start3A_145, %dma_start3A_146] : memref<10240x128xf32, #tpu.memory_space<vmem_shared>> -> memref<10240x128xf32, #tpu.memory_space<vmem_shared>>
        tpu.enqueue_indirect_dma source(%arg8 : memref<128x128xf32, #tpu.memory_space<vmem>>) target(%dma_start3A_147 : memref<10240x128xf32, #tpu.memory_space<vmem_shared>>) offsets(%dma_start3A_144 : memref<128xi32, #tpu.memory_space<vmem>>) semaphore(%run_scoped3A_137 : memref<!tpu.dma_semaphore, #tpu.memory_space<semaphore_mem>>) {add = true}
        %dma_wait3A_148 = arith.constant 0 : i32
        %dma_wait3A_149 = arith.constant 0 : i32
        %dma_wait3A_150 = tpu.memref_slice %arg7[%select_n3A_65, %dma_wait3A_148, %dma_wait3A_149] : memref<2x16x128xi32, #tpu.memory_space<vmem>> -> memref<1x16x128xi32, #tpu.memory_space<vmem>>
        %dma_wait3A_151 = tpu.memref_squeeze %dma_wait3A_150 : memref<1x16x128xi32, #tpu.memory_space<vmem>> -> memref<16x128xi32, #tpu.memory_space<vmem>>
        %dma_wait3A_152 = arith.constant 0 : i32
        %dma_wait3A_153 = tpu.memref_slice %dma_wait3A_151[%sub3A_51, %dma_wait3A_152] : memref<16x128xi32, #tpu.memory_space<vmem>> -> memref<1x128xi32, #tpu.memory_space<vmem>>
        %dma_wait3A_154 = tpu.memref_squeeze %dma_wait3A_153 : memref<1x128xi32, #tpu.memory_space<vmem>> -> memref<128xi32, #tpu.memory_space<vmem>>
        %dma_wait3A_155 = arith.constant 0 : i32
        %dma_wait3A_156 = arith.constant 0 : i32
        %dma_wait3A_157 = tpu.memref_slice %arg10[%dma_wait3A_155, %dma_wait3A_156] : memref<10240x128xf32, #tpu.memory_space<vmem_shared>> -> memref<10240x128xf32, #tpu.memory_space<vmem_shared>>
        tpu.wait_indirect_dma semaphore(%run_scoped3A_137 : memref<!tpu.dma_semaphore, #tpu.memory_space<semaphore_mem>>) src(%arg8 : memref<128x128xf32, #tpu.memory_space<vmem>>) dst(%dma_wait3A_157 : memref<10240x128xf32, #tpu.memory_space<vmem_shared>>)
        tpu.yield
      }) : () -> ()
      %eq3A_113 = arith.constant 14 : i32
      %eq3A_114 = arith.cmpi eq, %sub3A_51, %eq3A_113 : i32
      %convert_element_type3A_115 = arith.extui %eq3A_114 : i1 to i32
      %cond3A_116 = arith.constant 0 : i32
      %cond3A_117 = arith.cmpi ne, %convert_element_type3A_115, %cond3A_116 : i32
      scf.if %cond3A_117 {
        %add3A_137 = arith.constant 2 : i32
        %add3A_138 = arith.addi %add3A_32, %add3A_137 : i32
        %lt3A_139 = arith.constant 160 : i32
        %lt3A_140 = arith.cmpi slt, %add3A_138, %lt3A_139 : i32
        %convert_element_type3A_141 = arith.extui %lt3A_140 : i1 to i32
        %cond3A_142 = arith.constant 0 : i32
        %cond3A_143 = arith.cmpi ne, %convert_element_type3A_141, %cond3A_142 : i32
        scf.if %cond3A_143 {
          %add3A_144 = arith.constant 1 : i32
          %add3A_145 = arith.addi %select_n3A, %add3A_144 : i32
          %mul3A_146 = arith.constant 16 : i32
          %mul3A_147 = arith.muli %add3A_145, %mul3A_146 : i32
          %add3A_148 = arith.constant 0 : i32
          %add3A_149 = arith.addi %add3A_148, %mul3A_147 : i32
          %dma_wait3A_150 = arith.constant 0 : i32
          %dma_wait3A_151 = arith.constant 0 : i32
          %dma_wait3A_152 = tpu.memref_slice %arg6[%select_n3A_83, %dma_wait3A_150, %dma_wait3A_151] : memref<2x16x128xi32, #tpu.memory_space<vmem>> -> memref<1x16x128xi32, #tpu.memory_space<vmem>>
          %dma_wait3A_153 = tpu.memref_squeeze %dma_wait3A_152 : memref<1x16x128xi32, #tpu.memory_space<vmem>> -> memref<16x128xi32, #tpu.memory_space<vmem>>
          %dma_wait3A_154 = arith.constant 0 : i32
          %dma_wait3A_155 = tpu.memref_slice %arg3[%mul3A_7, %dma_wait3A_154] : memref<5120x128xi32, #tpu.memory_space<hbm>> -> memref<160x128xi32, #tpu.memory_space<hbm>>
          %dma_wait3A_156 = arith.constant 0 : i32
          %dma_wait3A_157 = tpu.memref_slice %dma_wait3A_155[%add3A_149, %dma_wait3A_156] : memref<160x128xi32, #tpu.memory_space<hbm>> -> memref<16x128xi32, #tpu.memory_space<hbm>>
          %dma_wait3A_158 = arith.constant 0 : i32
          %dma_wait3A_159 = arith.constant 0 : i32
          %dma_wait3A_160 = tpu.memref_slice %arg6[%select_n3A_83, %dma_wait3A_158, %dma_wait3A_159] : memref<2x16x128xi32, #tpu.memory_space<vmem>> -> memref<1x16x128xi32, #tpu.memory_space<vmem>>
          %dma_wait3A_161 = tpu.memref_squeeze %dma_wait3A_160 : memref<1x16x128xi32, #tpu.memory_space<vmem>> -> memref<16x128xi32, #tpu.memory_space<vmem>>
          %dma_wait3A_162 = arith.constant 0 : i32
          %dma_wait3A_163 = tpu.memref_slice %arg3[%mul3A_7, %dma_wait3A_162] : memref<5120x128xi32, #tpu.memory_space<hbm>> -> memref<160x128xi32, #tpu.memory_space<hbm>>
          %dma_wait3A_164 = arith.constant 0 : i32
          %dma_wait3A_165 = tpu.memref_slice %dma_wait3A_163[%add3A_149, %dma_wait3A_164] : memref<160x128xi32, #tpu.memory_space<hbm>> -> memref<16x128xi32, #tpu.memory_space<hbm>>
          tpu.wait_dma2 semaphore(%arg13 : memref<!tpu.dma_semaphore, #tpu.memory_space<semaphore_mem>>) src(%dma_wait3A_165 : memref<16x128xi32, #tpu.memory_space<hbm>>) dst(%dma_wait3A_161 : memref<16x128xi32, #tpu.memory_space<vmem>>)
          %add3A_166 = arith.constant 1 : i32
          %add3A_167 = arith.addi %select_n3A, %add3A_166 : i32
          %mul3A_168 = arith.constant 16 : i32
          %mul3A_169 = arith.muli %add3A_167, %mul3A_168 : i32
          %add3A_170 = arith.constant 0 : i32
          %add3A_171 = arith.addi %add3A_170, %mul3A_169 : i32
          %dma_wait3A_172 = arith.constant 0 : i32
          %dma_wait3A_173 = arith.constant 0 : i32
          %dma_wait3A_174 = tpu.memref_slice %arg7[%select_n3A_83, %dma_wait3A_172, %dma_wait3A_173] : memref<2x16x128xi32, #tpu.memory_space<vmem>> -> memref<1x16x128xi32, #tpu.memory_space<vmem>>
          %dma_wait3A_175 = tpu.memref_squeeze %dma_wait3A_174 : memref<1x16x128xi32, #tpu.memory_space<vmem>> -> memref<16x128xi32, #tpu.memory_space<vmem>>
          %dma_wait3A_176 = arith.constant 0 : i32
          %dma_wait3A_177 = tpu.memref_slice %arg4[%mul3A_9, %dma_wait3A_176] : memref<2560x128xi32, #tpu.memory_space<hbm>> -> memref<160x128xi32, #tpu.memory_space<hbm>>
          %dma_wait3A_178 = arith.constant 0 : i32
          %dma_wait3A_179 = tpu.memref_slice %dma_wait3A_177[%add3A_171, %dma_wait3A_178] : memref<160x128xi32, #tpu.memory_space<hbm>> -> memref<16x128xi32, #tpu.memory_space<hbm>>
          %dma_wait3A_180 = arith.constant 0 : i32
          %dma_wait3A_181 = arith.constant 0 : i32
          %dma_wait3A_182 = tpu.memref_slice %arg7[%select_n3A_83, %dma_wait3A_180, %dma_wait3A_181] : memref<2x16x128xi32, #tpu.memory_space<vmem>> -> memref<1x16x128xi32, #tpu.memory_space<vmem>>
          %dma_wait3A_183 = tpu.memref_squeeze %dma_wait3A_182 : memref<1x16x128xi32, #tpu.memory_space<vmem>> -> memref<16x128xi32, #tpu.memory_space<vmem>>
          %dma_wait3A_184 = arith.constant 0 : i32
          %dma_wait3A_185 = tpu.memref_slice %arg4[%mul3A_9, %dma_wait3A_184] : memref<2560x128xi32, #tpu.memory_space<hbm>> -> memref<160x128xi32, #tpu.memory_space<hbm>>
          %dma_wait3A_186 = arith.constant 0 : i32
          %dma_wait3A_187 = tpu.memref_slice %dma_wait3A_185[%add3A_171, %dma_wait3A_186] : memref<160x128xi32, #tpu.memory_space<hbm>> -> memref<16x128xi32, #tpu.memory_space<hbm>>
          tpu.wait_dma2 semaphore(%arg13 : memref<!tpu.dma_semaphore, #tpu.memory_space<semaphore_mem>>) src(%dma_wait3A_187 : memref<16x128xi32, #tpu.memory_space<hbm>>) dst(%dma_wait3A_183 : memref<16x128xi32, #tpu.memory_space<vmem>>)
          %dma_start3A_188 = arith.constant 0 : i32
          %dma_start3A_189 = arith.constant 0 : i32
          %dma_start3A_190 = arith.constant 0 : i32
          %dma_start3A_191 = tpu.memref_slice %arg6[%select_n3A_83, %dma_start3A_189, %dma_start3A_190] : memref<2x16x128xi32, #tpu.memory_space<vmem>> -> memref<1x16x128xi32, #tpu.memory_space<vmem>>
          %dma_start3A_192 = tpu.memref_squeeze %dma_start3A_191 : memref<1x16x128xi32, #tpu.memory_space<vmem>> -> memref<16x128xi32, #tpu.memory_space<vmem>>
          %dma_start3A_193 = arith.constant 0 : i32
          %dma_start3A_194 = tpu.memref_slice %dma_start3A_192[%dma_start3A_188, %dma_start3A_193] : memref<16x128xi32, #tpu.memory_space<vmem>> -> memref<1x128xi32, #tpu.memory_space<vmem>>
          %dma_start3A_195 = tpu.memref_squeeze %dma_start3A_194 : memref<1x128xi32, #tpu.memory_space<vmem>> -> memref<128xi32, #tpu.memory_space<vmem>>
          %dma_start3A_196 = arith.constant 0 : i32
          %dma_start3A_197 = arith.constant 0 : i32
          %dma_start3A_198 = tpu.memref_slice %arg2[%dma_start3A_196, %dma_start3A_197] : memref<20480x128xf32, #tpu.memory_space<hbm>> -> memref<20480x128xf32, #tpu.memory_space<hbm>>
          tpu.enqueue_indirect_dma source(%dma_start3A_198 : memref<20480x128xf32, #tpu.memory_space<hbm>>) target(%arg8 : memref<128x128xf32, #tpu.memory_space<vmem>>) offsets(%dma_start3A_195 : memref<128xi32, #tpu.memory_space<vmem>>) semaphore(%arg11 : memref<!tpu.dma_semaphore, #tpu.memory_space<semaphore_mem>>)
        } else {
        }
      } else {
      }
      %ne3A_118 = arith.constant 14 : i32
      %ne3A_119 = arith.cmpi ne, %sub3A_51, %ne3A_118 : i32
      %convert_element_type3A_120 = arith.extui %ne3A_119 : i1 to i32
      %cond3A_121 = arith.constant 0 : i32
      %cond3A_122 = arith.cmpi ne, %convert_element_type3A_120, %cond3A_121 : i32
      scf.if %cond3A_122 {
        %add3A_137 = arith.constant 2 : i32
        %add3A_138 = arith.addi %sub3A_51, %add3A_137 : i32
        %dma_start3A_139 = arith.constant 0 : i32
        %dma_start3A_140 = arith.constant 0 : i32
        %dma_start3A_141 = tpu.memref_slice %arg6[%select_n3A_65, %dma_start3A_139, %dma_start3A_140] : memref<2x16x128xi32, #tpu.memory_space<vmem>> -> memref<1x16x128xi32, #tpu.memory_space<vmem>>
        %dma_start3A_142 = tpu.memref_squeeze %dma_start3A_141 : memref<1x16x128xi32, #tpu.memory_space<vmem>> -> memref<16x128xi32, #tpu.memory_space<vmem>>
        %dma_start3A_143 = arith.constant 0 : i32
        %dma_start3A_144 = tpu.memref_slice %dma_start3A_142[%add3A_138, %dma_start3A_143] : memref<16x128xi32, #tpu.memory_space<vmem>> -> memref<1x128xi32, #tpu.memory_space<vmem>>
        %dma_start3A_145 = tpu.memref_squeeze %dma_start3A_144 : memref<1x128xi32, #tpu.memory_space<vmem>> -> memref<128xi32, #tpu.memory_space<vmem>>
        %dma_start3A_146 = arith.constant 0 : i32
        %dma_start3A_147 = arith.constant 0 : i32
        %dma_start3A_148 = tpu.memref_slice %arg2[%dma_start3A_146, %dma_start3A_147] : memref<20480x128xf32, #tpu.memory_space<hbm>> -> memref<20480x128xf32, #tpu.memory_space<hbm>>
        tpu.enqueue_indirect_dma source(%dma_start3A_148 : memref<20480x128xf32, #tpu.memory_space<hbm>>) target(%arg8 : memref<128x128xf32, #tpu.memory_space<vmem>>) offsets(%dma_start3A_145 : memref<128xi32, #tpu.memory_space<vmem>>) semaphore(%arg11 : memref<!tpu.dma_semaphore, #tpu.memory_space<semaphore_mem>>)
      } else {
      }
      %add3A_123 = arith.constant 1 : i32
      %add3A_124 = arith.addi %sub3A_51, %add3A_123 : i32
      %dma_wait3A_125 = arith.constant 0 : i32
      %dma_wait3A_126 = arith.constant 0 : i32
      %dma_wait3A_127 = tpu.memref_slice %arg6[%select_n3A_65, %dma_wait3A_125, %dma_wait3A_126] : memref<2x16x128xi32, #tpu.memory_space<vmem>> -> memref<1x16x128xi32, #tpu.memory_space<vmem>>
      %dma_wait3A_128 = tpu.memref_squeeze %dma_wait3A_127 : memref<1x16x128xi32, #tpu.memory_space<vmem>> -> memref<16x128xi32, #tpu.memory_space<vmem>>
      %dma_wait3A_129 = arith.constant 0 : i32
      %dma_wait3A_130 = tpu.memref_slice %dma_wait3A_128[%add3A_124, %dma_wait3A_129] : memref<16x128xi32, #tpu.memory_space<vmem>> -> memref<1x128xi32, #tpu.memory_space<vmem>>
      %dma_wait3A_131 = tpu.memref_squeeze %dma_wait3A_130 : memref<1x128xi32, #tpu.memory_space<vmem>> -> memref<128xi32, #tpu.memory_space<vmem>>
      %dma_wait3A_132 = arith.constant 0 : i32
      %dma_wait3A_133 = arith.constant 0 : i32
      %dma_wait3A_134 = tpu.memref_slice %arg2[%dma_wait3A_132, %dma_wait3A_133] : memref<20480x128xf32, #tpu.memory_space<hbm>> -> memref<20480x128xf32, #tpu.memory_space<hbm>>
      tpu.wait_indirect_dma semaphore(%arg12 : memref<!tpu.dma_semaphore, #tpu.memory_space<semaphore_mem>>) src(%dma_wait3A_134 : memref<20480x128xf32, #tpu.memory_space<hbm>>) dst(%arg9 : memref<128x128xf32, #tpu.memory_space<vmem>>)
      %add3A_135 = arith.constant 1 : i32
      %add3A_136 = arith.addi %sub3A_51, %add3A_135 : i32
      "tpu.region"() ({
        %run_scoped3A_137 = tpu.sem_alloc : memref<!tpu.dma_semaphore, #tpu.memory_space<semaphore_mem>>
        %dma_start3A_138 = arith.constant 0 : i32
        %dma_start3A_139 = arith.constant 0 : i32
        %dma_start3A_140 = tpu.memref_slice %arg7[%select_n3A_65, %dma_start3A_138, %dma_start3A_139] : memref<2x16x128xi32, #tpu.memory_space<vmem>> -> memref<1x16x128xi32, #tpu.memory_space<vmem>>
        %dma_start3A_141 = tpu.memref_squeeze %dma_start3A_140 : memref<1x16x128xi32, #tpu.memory_space<vmem>> -> memref<16x128xi32, #tpu.memory_space<vmem>>
        %dma_start3A_142 = arith.constant 0 : i32
        %dma_start3A_143 = tpu.memref_slice %dma_start3A_141[%add3A_136, %dma_start3A_142] : memref<16x128xi32, #tpu.memory_space<vmem>> -> memref<1x128xi32, #tpu.memory_space<vmem>>
        %dma_start3A_144 = tpu.memref_squeeze %dma_start3A_143 : memref<1x128xi32, #tpu.memory_space<vmem>> -> memref<128xi32, #tpu.memory_space<vmem>>
        %dma_start3A_145 = arith.constant 0 : i32
        %dma_start3A_146 = arith.constant 0 : i32
        %dma_start3A_147 = tpu.memref_slice %arg10[%dma_start3A_145, %dma_start3A_146] : memref<10240x128xf32, #tpu.memory_space<vmem_shared>> -> memref<10240x128xf32, #tpu.memory_space<vmem_shared>>
        tpu.enqueue_indirect_dma source(%arg9 : memref<128x128xf32, #tpu.memory_space<vmem>>) target(%dma_start3A_147 : memref<10240x128xf32, #tpu.memory_space<vmem_shared>>) offsets(%dma_start3A_144 : memref<128xi32, #tpu.memory_space<vmem>>) semaphore(%run_scoped3A_137 : memref<!tpu.dma_semaphore, #tpu.memory_space<semaphore_mem>>) {add = true}
        %dma_wait3A_148 = arith.constant 0 : i32
        %dma_wait3A_149 = arith.constant 0 : i32
        %dma_wait3A_150 = tpu.memref_slice %arg7[%select_n3A_65, %dma_wait3A_148, %dma_wait3A_149] : memref<2x16x128xi32, #tpu.memory_space<vmem>> -> memref<1x16x128xi32, #tpu.memory_space<vmem>>
        %dma_wait3A_151 = tpu.memref_squeeze %dma_wait3A_150 : memref<1x16x128xi32, #tpu.memory_space<vmem>> -> memref<16x128xi32, #tpu.memory_space<vmem>>
        %dma_wait3A_152 = arith.constant 0 : i32
        %dma_wait3A_153 = tpu.memref_slice %dma_wait3A_151[%add3A_136, %dma_wait3A_152] : memref<16x128xi32, #tpu.memory_space<vmem>> -> memref<1x128xi32, #tpu.memory_space<vmem>>
        %dma_wait3A_154 = tpu.memref_squeeze %dma_wait3A_153 : memref<1x128xi32, #tpu.memory_space<vmem>> -> memref<128xi32, #tpu.memory_space<vmem>>
        %dma_wait3A_155 = arith.constant 0 : i32
        %dma_wait3A_156 = arith.constant 0 : i32
        %dma_wait3A_157 = tpu.memref_slice %arg10[%dma_wait3A_155, %dma_wait3A_156] : memref<10240x128xf32, #tpu.memory_space<vmem_shared>> -> memref<10240x128xf32, #tpu.memory_space<vmem_shared>>
        tpu.wait_indirect_dma semaphore(%run_scoped3A_137 : memref<!tpu.dma_semaphore, #tpu.memory_space<semaphore_mem>>) src(%arg9 : memref<128x128xf32, #tpu.memory_space<vmem>>) dst(%dma_wait3A_157 : memref<10240x128xf32, #tpu.memory_space<vmem_shared>>)
        tpu.yield
      }) : () -> ()
    }
    %scan3A_25 = arith.constant 80 : i32
    %barrier3A_26 = arith.constant 0 : index
    tpu.barrier barrier_id(%barrier3A_26)
    %add3A_27 = arith.addi %mul3A_2, %mul3A_0 : i32
    "tpu.region"() ({
      %run_scoped3A_28 = tpu.sem_alloc : memref<!tpu.dma_semaphore, #tpu.memory_space<semaphore_mem>>
      %dma_start3A_29 = arith.constant 0 : i32
      %dma_start3A_30 = tpu.memref_slice %arg5[%add3A_27, %dma_start3A_29] : memref<20480x128xf32, #tpu.memory_space<hbm>> -> memref<640x128xf32, #tpu.memory_space<hbm>>
      %dma_start3A_31 = arith.constant 0 : i32
      %dma_start3A_32 = tpu.memref_slice %arg10[%mul3A_0, %dma_start3A_31] : memref<10240x128xf32, #tpu.memory_space<vmem_shared>> -> memref<640x128xf32, #tpu.memory_space<vmem_shared>>
      tpu.enqueue_dma source(%dma_start3A_32 : memref<640x128xf32, #tpu.memory_space<vmem_shared>>) target(%dma_start3A_30 : memref<640x128xf32, #tpu.memory_space<hbm>>) target_semaphore(%run_scoped3A_28 : memref<!tpu.dma_semaphore, #tpu.memory_space<semaphore_mem>>)
      %dma_wait3A = arith.constant 0 : i32
      %dma_wait3A_33 = tpu.memref_slice %arg5[%add3A_27, %dma_wait3A] : memref<20480x128xf32, #tpu.memory_space<hbm>> -> memref<640x128xf32, #tpu.memory_space<hbm>>
      %dma_wait3A_34 = arith.constant 0 : i32
      %dma_wait3A_35 = tpu.memref_slice %arg10[%mul3A_0, %dma_wait3A_34] : memref<10240x128xf32, #tpu.memory_space<vmem_shared>> -> memref<640x128xf32, #tpu.memory_space<vmem_shared>>
      tpu.wait_dma2 semaphore(%run_scoped3A_28 : memref<!tpu.dma_semaphore, #tpu.memory_space<semaphore_mem>>) src(%dma_wait3A_35 : memref<640x128xf32, #tpu.memory_space<vmem_shared>>) dst(%dma_wait3A_33 : memref<640x128xf32, #tpu.memory_space<hbm>>)
      tpu.yield
    }) : () -> ()
    return
  }
}

#map = affine_map<(d0, d1) -> (0, 0)>
module attributes {stable_mosaic.version = 14 : i64} {
  func.func @k(%arg0: i32, %arg1: i32, %arg2: memref<20480x128xf32, #tpu.memory_space<hbm>>, %arg3: memref<5120x128xi32, #tpu.memory_space<hbm>>, %arg4: memref<2560x128xi32, #tpu.memory_space<hbm>>, %arg5: memref<20480x128xf32, #tpu.memory_space<hbm>>, %arg6: memref<2x16x128xi32, #tpu.memory_space<vmem>>, %arg7: memref<2x16x128xi32, #tpu.memory_space<vmem>>, %arg8: memref<128x128xf32, #tpu.memory_space<vmem>>, %arg9: memref<128x128xf32, #tpu.memory_space<vmem>>, %arg10: memref<10240x128xf32, #tpu.memory_space<vmem_shared>>, %arg11: memref<!tpu.dma_semaphore, #tpu.memory_space<semaphore_mem>>, %arg12: memref<!tpu.dma_semaphore, #tpu.memory_space<semaphore_mem>>, %arg13: memref<!tpu.dma_semaphore, #tpu.memory_space<semaphore_mem>>) attributes {dimension_semantics = [#tpu.dimension_semantics<core_parallel>, #tpu.dimension_semantics<subcore_parallel>], iteration_bounds = array<i64: 2, 16>, scalar_prefetch = 0 : i64, scratch_operands = 8 : i64, tpu.core_type = #tpu.core_type<sc_vector_subcore>, window_params = [{transform_indices = #map}, {transform_indices = #map}, {transform_indices = #map}, {transform_indices = #map}]} {
    %mul3A = arith.constant 640 : i32
    %mul3A_0 = arith.muli %arg1, %mul3A : i32
    %mul3A_1 = arith.constant 10240 : i32
    %mul3A_2 = arith.muli %arg0, %mul3A_1 : i32
    %add3A = arith.addi %mul3A_2, %mul3A_0 : i32
    "tpu.region"() ({
      %run_scoped3A_28 = tpu.sem_alloc : memref<!tpu.dma_semaphore, #tpu.memory_space<semaphore_mem>>
      %dma_start3A_29 = arith.constant 0 : i32
      %dma_start3A_30 = tpu.memref_slice %arg10[%mul3A_0, %dma_start3A_29] : memref<10240x128xf32, #tpu.memory_space<vmem_shared>> -> memref<640x128xf32, #tpu.memory_space<vmem_shared>>
      %dma_start3A_31 = arith.constant 0 : i32
      %dma_start3A_32 = tpu.memref_slice %arg2[%add3A, %dma_start3A_31] : memref<20480x128xf32, #tpu.memory_space<hbm>> -> memref<640x128xf32, #tpu.memory_space<hbm>>
      tpu.enqueue_dma source(%dma_start3A_32 : memref<640x128xf32, #tpu.memory_space<hbm>>) target(%dma_start3A_30 : memref<640x128xf32, #tpu.memory_space<vmem_shared>>) target_semaphore(%run_scoped3A_28 : memref<!tpu.dma_semaphore, #tpu.memory_space<semaphore_mem>>)
      %dma_wait3A = arith.constant 0 : i32
      %dma_wait3A_33 = tpu.memref_slice %arg10[%mul3A_0, %dma_wait3A] : memref<10240x128xf32, #tpu.memory_space<vmem_shared>> -> memref<640x128xf32, #tpu.memory_space<vmem_shared>>
      %dma_wait3A_34 = arith.constant 0 : i32
      %dma_wait3A_35 = tpu.memref_slice %arg2[%add3A, %dma_wait3A_34] : memref<20480x128xf32, #tpu.memory_space<hbm>> -> memref<640x128xf32, #tpu.memory_space<hbm>>
      tpu.wait_dma2 semaphore(%run_scoped3A_28 : memref<!tpu.dma_semaphore, #tpu.memory_space<semaphore_mem>>) src(%dma_wait3A_35 : memref<640x128xf32, #tpu.memory_space<hbm>>) dst(%dma_wait3A_33 : memref<640x128xf32, #tpu.memory_space<vmem_shared>>)
      tpu.yield
    }) : () -> ()
    %barrier3A = arith.constant 0 : index
    tpu.barrier barrier_id(%barrier3A)
    %mul3A_3 = arith.constant 16 : i32
    %mul3A_4 = arith.muli %arg0, %mul3A_3 : i32
    %add3A_5 = arith.addi %mul3A_4, %arg1 : i32
    %mul3A_6 = arith.constant 160 : i32
    %mul3A_7 = arith.muli %add3A_5, %mul3A_6 : i32
    %mul3A_8 = arith.constant 160 : i32
    %mul3A_9 = arith.muli %arg1, %mul3A_8 : i32
    %run_scoped3A = arith.constant 0 : i32
    "tpu.region"() ({
      %run_scoped3A_28 = tpu.sem_alloc : memref<!tpu.dma_semaphore, #tpu.memory_space<semaphore_mem>>
      %dma_start3A_29 = arith.constant 0 : i32
      %dma_start3A_30 = arith.constant 0 : i32
      %dma_start3A_31 = tpu.memref_slice %arg6[%run_scoped3A, %dma_start3A_29, %dma_start3A_30] : memref<2x16x128xi32, #tpu.memory_space<vmem>> -> memref<1x16x128xi32, #tpu.memory_space<vmem>>
      %dma_start3A_32 = tpu.memref_squeeze %dma_start3A_31 : memref<1x16x128xi32, #tpu.memory_space<vmem>> -> memref<16x128xi32, #tpu.memory_space<vmem>>
      %dma_start3A_33 = arith.constant 0 : i32
      %dma_start3A_34 = tpu.memref_slice %arg3[%mul3A_7, %dma_start3A_33] : memref<5120x128xi32, #tpu.memory_space<hbm>> -> memref<160x128xi32, #tpu.memory_space<hbm>>
      %dma_start3A_35 = arith.constant 0 : i32
      %dma_start3A_36 = arith.constant 0 : i32
      %dma_start3A_37 = tpu.memref_slice %dma_start3A_34[%dma_start3A_35, %dma_start3A_36] : memref<160x128xi32, #tpu.memory_space<hbm>> -> memref<16x128xi32, #tpu.memory_space<hbm>>
      %dma_start3A_38 = arith.constant 0 : i32
      %dma_start3A_39 = arith.constant 0 : i32
      %dma_start3A_40 = tpu.memref_slice %arg6[%run_scoped3A, %dma_start3A_38, %dma_start3A_39] : memref<2x16x128xi32, #tpu.memory_space<vmem>> -> memref<1x16x128xi32, #tpu.memory_space<vmem>>
      %dma_start3A_41 = tpu.memref_squeeze %dma_start3A_40 : memref<1x16x128xi32, #tpu.memory_space<vmem>> -> memref<16x128xi32, #tpu.memory_space<vmem>>
      %dma_start3A_42 = arith.constant 0 : i32
      %dma_start3A_43 = tpu.memref_slice %arg3[%mul3A_7, %dma_start3A_42] : memref<5120x128xi32, #tpu.memory_space<hbm>> -> memref<160x128xi32, #tpu.memory_space<hbm>>
      %dma_start3A_44 = arith.constant 0 : i32
      %dma_start3A_45 = arith.constant 0 : i32
      %dma_start3A_46 = tpu.memref_slice %dma_start3A_43[%dma_start3A_44, %dma_start3A_45] : memref<160x128xi32, #tpu.memory_space<hbm>> -> memref<16x128xi32, #tpu.memory_space<hbm>>
      tpu.enqueue_dma source(%dma_start3A_46 : memref<16x128xi32, #tpu.memory_space<hbm>>) target(%dma_start3A_41 : memref<16x128xi32, #tpu.memory_space<vmem>>) target_semaphore(%run_scoped3A_28 : memref<!tpu.dma_semaphore, #tpu.memory_space<semaphore_mem>>)
      %dma_wait3A = arith.constant 0 : i32
      %dma_wait3A_47 = arith.constant 0 : i32
      %dma_wait3A_48 = tpu.memref_slice %arg6[%run_scoped3A, %dma_wait3A, %dma_wait3A_47] : memref<2x16x128xi32, #tpu.memory_space<vmem>> -> memref<1x16x128xi32, #tpu.memory_space<vmem>>
      %dma_wait3A_49 = tpu.memref_squeeze %dma_wait3A_48 : memref<1x16x128xi32, #tpu.memory_space<vmem>> -> memref<16x128xi32, #tpu.memory_space<vmem>>
      %dma_wait3A_50 = arith.constant 0 : i32
      %dma_wait3A_51 = tpu.memref_slice %arg3[%mul3A_7, %dma_wait3A_50] : memref<5120x128xi32, #tpu.memory_space<hbm>> -> memref<160x128xi32, #tpu.memory_space<hbm>>
      %dma_wait3A_52 = arith.constant 0 : i32
      %dma_wait3A_53 = arith.constant 0 : i32
      %dma_wait3A_54 = tpu.memref_slice %dma_wait3A_51[%dma_wait3A_52, %dma_wait3A_53] : memref<160x128xi32, #tpu.memory_space<hbm>> -> memref<16x128xi32, #tpu.memory_space<hbm>>
      %dma_wait3A_55 = arith.constant 0 : i32
      %dma_wait3A_56 = arith.constant 0 : i32
      %dma_wait3A_57 = tpu.memref_slice %arg6[%run_scoped3A, %dma_wait3A_55, %dma_wait3A_56] : memref<2x16x128xi32, #tpu.memory_space<vmem>> -> memref<1x16x128xi32, #tpu.memory_space<vmem>>
      %dma_wait3A_58 = tpu.memref_squeeze %dma_wait3A_57 : memref<1x16x128xi32, #tpu.memory_space<vmem>> -> memref<16x128xi32, #tpu.memory_space<vmem>>
      %dma_wait3A_59 = arith.constant 0 : i32
      %dma_wait3A_60 = tpu.memref_slice %arg3[%mul3A_7, %dma_wait3A_59] : memref<5120x128xi32, #tpu.memory_space<hbm>> -> memref<160x128xi32, #tpu.memory_space<hbm>>
      %dma_wait3A_61 = arith.constant 0 : i32
      %dma_wait3A_62 = arith.constant 0 : i32
      %dma_wait3A_63 = tpu.memref_slice %dma_wait3A_60[%dma_wait3A_61, %dma_wait3A_62] : memref<160x128xi32, #tpu.memory_space<hbm>> -> memref<16x128xi32, #tpu.memory_space<hbm>>
      tpu.wait_dma2 semaphore(%run_scoped3A_28 : memref<!tpu.dma_semaphore, #tpu.memory_space<semaphore_mem>>) src(%dma_wait3A_63 : memref<16x128xi32, #tpu.memory_space<hbm>>) dst(%dma_wait3A_58 : memref<16x128xi32, #tpu.memory_space<vmem>>)
      tpu.yield
    }) : () -> ()
    %run_scoped3A_10 = arith.constant 0 : i32
    "tpu.region"() ({
      %run_scoped3A_28 = tpu.sem_alloc : memref<!tpu.dma_semaphore, #tpu.memory_space<semaphore_mem>>
      %dma_start3A_29 = arith.constant 0 : i32
      %dma_start3A_30 = arith.constant 0 : i32
      %dma_start3A_31 = tpu.memref_slice %arg7[%run_scoped3A_10, %dma_start3A_29, %dma_start3A_30] : memref<2x16x128xi32, #tpu.memory_space<vmem>> -> memref<1x16x128xi32, #tpu.memory_space<vmem>>
      %dma_start3A_32 = tpu.memref_squeeze %dma_start3A_31 : memref<1x16x128xi32, #tpu.memory_space<vmem>> -> memref<16x128xi32, #tpu.memory_space<vmem>>
      %dma_start3A_33 = arith.constant 0 : i32
      %dma_start3A_34 = tpu.memref_slice %arg4[%mul3A_9, %dma_start3A_33] : memref<2560x128xi32, #tpu.memory_space<hbm>> -> memref<160x128xi32, #tpu.memory_space<hbm>>
      %dma_start3A_35 = arith.constant 0 : i32
      %dma_start3A_36 = arith.constant 0 : i32
      %dma_start3A_37 = tpu.memref_slice %dma_start3A_34[%dma_start3A_35, %dma_start3A_36] : memref<160x128xi32, #tpu.memory_space<hbm>> -> memref<16x128xi32, #tpu.memory_space<hbm>>
      %dma_start3A_38 = arith.constant 0 : i32
      %dma_start3A_39 = arith.constant 0 : i32
      %dma_start3A_40 = tpu.memref_slice %arg7[%run_scoped3A_10, %dma_start3A_38, %dma_start3A_39] : memref<2x16x128xi32, #tpu.memory_space<vmem>> -> memref<1x16x128xi32, #tpu.memory_space<vmem>>
      %dma_start3A_41 = tpu.memref_squeeze %dma_start3A_40 : memref<1x16x128xi32, #tpu.memory_space<vmem>> -> memref<16x128xi32, #tpu.memory_space<vmem>>
      %dma_start3A_42 = arith.constant 0 : i32
      %dma_start3A_43 = tpu.memref_slice %arg4[%mul3A_9, %dma_start3A_42] : memref<2560x128xi32, #tpu.memory_space<hbm>> -> memref<160x128xi32, #tpu.memory_space<hbm>>
      %dma_start3A_44 = arith.constant 0 : i32
      %dma_start3A_45 = arith.constant 0 : i32
      %dma_start3A_46 = tpu.memref_slice %dma_start3A_43[%dma_start3A_44, %dma_start3A_45] : memref<160x128xi32, #tpu.memory_space<hbm>> -> memref<16x128xi32, #tpu.memory_space<hbm>>
      tpu.enqueue_dma source(%dma_start3A_46 : memref<16x128xi32, #tpu.memory_space<hbm>>) target(%dma_start3A_41 : memref<16x128xi32, #tpu.memory_space<vmem>>) target_semaphore(%run_scoped3A_28 : memref<!tpu.dma_semaphore, #tpu.memory_space<semaphore_mem>>)
      %dma_wait3A = arith.constant 0 : i32
      %dma_wait3A_47 = arith.constant 0 : i32
      %dma_wait3A_48 = tpu.memref_slice %arg7[%run_scoped3A_10, %dma_wait3A, %dma_wait3A_47] : memref<2x16x128xi32, #tpu.memory_space<vmem>> -> memref<1x16x128xi32, #tpu.memory_space<vmem>>
      %dma_wait3A_49 = tpu.memref_squeeze %dma_wait3A_48 : memref<1x16x128xi32, #tpu.memory_space<vmem>> -> memref<16x128xi32, #tpu.memory_space<vmem>>
      %dma_wait3A_50 = arith.constant 0 : i32
      %dma_wait3A_51 = tpu.memref_slice %arg4[%mul3A_9, %dma_wait3A_50] : memref<2560x128xi32, #tpu.memory_space<hbm>> -> memref<160x128xi32, #tpu.memory_space<hbm>>
      %dma_wait3A_52 = arith.constant 0 : i32
      %dma_wait3A_53 = arith.constant 0 : i32
      %dma_wait3A_54 = tpu.memref_slice %dma_wait3A_51[%dma_wait3A_52, %dma_wait3A_53] : memref<160x128xi32, #tpu.memory_space<hbm>> -> memref<16x128xi32, #tpu.memory_space<hbm>>
      %dma_wait3A_55 = arith.constant 0 : i32
      %dma_wait3A_56 = arith.constant 0 : i32
      %dma_wait3A_57 = tpu.memref_slice %arg7[%run_scoped3A_10, %dma_wait3A_55, %dma_wait3A_56] : memref<2x16x128xi32, #tpu.memory_space<vmem>> -> memref<1x16x128xi32, #tpu.memory_space<vmem>>
      %dma_wait3A_58 = tpu.memref_squeeze %dma_wait3A_57 : memref<1x16x128xi32, #tpu.memory_space<vmem>> -> memref<16x128xi32, #tpu.memory_space<vmem>>
      %dma_wait3A_59 = arith.constant 0 : i32
      %dma_wait3A_60 = tpu.memref_slice %arg4[%mul3A_9, %dma_wait3A_59] : memref<2560x128xi32, #tpu.memory_space<hbm>> -> memref<160x128xi32, #tpu.memory_space<hbm>>
      %dma_wait3A_61 = arith.constant 0 : i32
      %dma_wait3A_62 = arith.constant 0 : i32
      %dma_wait3A_63 = tpu.memref_slice %dma_wait3A_60[%dma_wait3A_61, %dma_wait3A_62] : memref<160x128xi32, #tpu.memory_space<hbm>> -> memref<16x128xi32, #tpu.memory_space<hbm>>
      tpu.wait_dma2 semaphore(%run_scoped3A_28 : memref<!tpu.dma_semaphore, #tpu.memory_space<semaphore_mem>>) src(%dma_wait3A_63 : memref<16x128xi32, #tpu.memory_space<hbm>>) dst(%dma_wait3A_58 : memref<16x128xi32, #tpu.memory_space<vmem>>)
      tpu.yield
    }) : () -> ()
    %dma_start3A = arith.constant 0 : i32
    %dma_start3A_11 = arith.constant 0 : i32
    %dma_start3A_12 = arith.constant 0 : i32
    %dma_start3A_13 = arith.constant 0 : i32
    %dma_start3A_14 = tpu.memref_slice %arg6[%dma_start3A, %dma_start3A_12, %dma_start3A_13] : memref<2x16x128xi32, #tpu.memory_space<vmem>> -> memref<1x16x128xi32, #tpu.memory_space<vmem>>
    %dma_start3A_15 = tpu.memref_squeeze %dma_start3A_14 : memref<1x16x128xi32, #tpu.memory_space<vmem>> -> memref<16x128xi32, #tpu.memory_space<vmem>>
    %dma_start3A_16 = arith.constant 0 : i32
    %dma_start3A_17 = tpu.memref_slice %dma_start3A_15[%dma_start3A_11, %dma_start3A_16] : memref<16x128xi32, #tpu.memory_space<vmem>> -> memref<1x128xi32, #tpu.memory_space<vmem>>
    %dma_start3A_18 = tpu.memref_squeeze %dma_start3A_17 : memref<1x128xi32, #tpu.memory_space<vmem>> -> memref<128xi32, #tpu.memory_space<vmem>>
    %dma_start3A_19 = arith.constant 0 : i32
    %dma_start3A_20 = arith.constant 0 : i32
    %dma_start3A_21 = tpu.memref_slice %arg2[%dma_start3A_19, %dma_start3A_20] : memref<20480x128xf32, #tpu.memory_space<hbm>> -> memref<20480x128xf32, #tpu.memory_space<hbm>>
    tpu.enqueue_indirect_dma source(%dma_start3A_21 : memref<20480x128xf32, #tpu.memory_space<hbm>>) target(%arg8 : memref<128x128xf32, #tpu.memory_space<vmem>>) offsets(%dma_start3A_18 : memref<128xi32, #tpu.memory_space<vmem>>) semaphore(%arg11 : memref<!tpu.dma_semaphore, #tpu.memory_space<semaphore_mem>>)
    %scan3A = arith.constant 0 : i32
    %scan3A_22 = arith.constant 80 : i32
    %scan3A_23 = arith.addi %scan3A, %scan3A_22 : i32
    %scan3A_24 = arith.constant 1 : i32
    scf.for %scan3A_28 = %scan3A to %scan3A_23 step %scan3A_24  : i32 {
      %mul3A_29 = arith.constant 2 : i32
      %mul3A_30 = arith.muli %scan3A_28, %mul3A_29 : i32
      %add3A_31 = arith.constant 0 : i32
      %add3A_32 = arith.addi %add3A_31, %mul3A_30 : i32
      %jit3A = arith.constant 16 : i32
      %div3A = arith.divsi %add3A_32, %jit3A : i32
      %sign3A = arith.constant 0 : i32
      %sign3A_33 = arith.cmpi sgt, %add3A_32, %sign3A : i32
      %sign3A_34 = arith.extui %sign3A_33 : i1 to i32
      %sign3A_35 = arith.constant 0 : i32
      %sign3A_36 = arith.cmpi slt, %add3A_32, %sign3A_35 : i32
      %sign3A_37 = arith.extui %sign3A_36 : i1 to i32
      %sign3A_38 = arith.subi %sign3A_34, %sign3A_37 : i32
      %sign3A_39 = arith.constant 0 : i32
      %sign3A_40 = arith.cmpi sgt, %jit3A, %sign3A_39 : i32
      %sign3A_41 = arith.extui %sign3A_40 : i1 to i32
      %sign3A_42 = arith.constant 0 : i32
      %sign3A_43 = arith.cmpi slt, %jit3A, %sign3A_42 : i32
      %sign3A_44 = arith.extui %sign3A_43 : i1 to i32
      %sign3A_45 = arith.subi %sign3A_41, %sign3A_44 : i32
      %ne3A = arith.cmpi ne, %sign3A_38, %sign3A_45 : i32
      %rem3A = arith.remsi %add3A_32, %jit3A : i32
      %ne3A_46 = arith.constant 0 : i32
      %ne3A_47 = arith.cmpi ne, %rem3A, %ne3A_46 : i32
      %and3A = arith.andi %ne3A, %ne3A_47 : i1
      %sub3A = arith.constant 1 : i32
      %sub3A_48 = arith.subi %div3A, %sub3A : i32
      %select_n3A = arith.select %and3A, %sub3A_48, %div3A : i32
      %mul3A_49 = arith.constant 16 : i32
      %mul3A_50 = arith.muli %select_n3A, %mul3A_49 : i32
      %sub3A_51 = arith.subi %add3A_32, %mul3A_50 : i32
      %jit3A_52 = arith.constant 2 : i32
      %eq3A = arith.constant 0 : i32
      %eq3A_53 = arith.cmpi eq, %jit3A_52, %eq3A : i32
      %jit3A_54 = arith.constant 1 : i32
      %select_n3A_55 = arith.select %eq3A_53, %jit3A_54, %jit3A_52 : i32
      %rem3A_56 = arith.remsi %select_n3A, %select_n3A_55 : i32
      %ne3A_57 = arith.constant 0 : i32
      %ne3A_58 = arith.cmpi ne, %rem3A_56, %ne3A_57 : i32
      %lt3A = arith.constant 0 : i32
      %lt3A_59 = arith.cmpi slt, %rem3A_56, %lt3A : i32
      %lt3A_60 = arith.constant 0 : i32
      %lt3A_61 = arith.cmpi slt, %select_n3A_55, %lt3A_60 : i32
      %ne3A_62 = arith.xori %lt3A_59, %lt3A_61 : i1
      %and3A_63 = arith.andi %ne3A_62, %ne3A_58 : i1
      %add3A_64 = arith.addi %rem3A_56, %select_n3A_55 : i32
      %select_n3A_65 = arith.select %and3A_63, %add3A_64, %rem3A_56 : i32
      %add3A_66 = arith.constant 1 : i32
      %add3A_67 = arith.addi %select_n3A, %add3A_66 : i32
      %jit3A_68 = arith.constant 2 : i32
      %eq3A_69 = arith.constant 0 : i32
      %eq3A_70 = arith.cmpi eq, %jit3A_68, %eq3A_69 : i32
      %jit3A_71 = arith.constant 1 : i32
      %select_n3A_72 = arith.select %eq3A_70, %jit3A_71, %jit3A_68 : i32
      %rem3A_73 = arith.remsi %add3A_67, %select_n3A_72 : i32
      %ne3A_74 = arith.constant 0 : i32
      %ne3A_75 = arith.cmpi ne, %rem3A_73, %ne3A_74 : i32
      %lt3A_76 = arith.constant 0 : i32
      %lt3A_77 = arith.cmpi slt, %rem3A_73, %lt3A_76 : i32
      %lt3A_78 = arith.constant 0 : i32
      %lt3A_79 = arith.cmpi slt, %select_n3A_72, %lt3A_78 : i32
      %ne3A_80 = arith.xori %lt3A_77, %lt3A_79 : i1
      %and3A_81 = arith.andi %ne3A_80, %ne3A_75 : i1
      %add3A_82 = arith.addi %rem3A_73, %select_n3A_72 : i32
      %select_n3A_83 = arith.select %and3A_81, %add3A_82, %rem3A_73 : i32
      %eq3A_84 = arith.constant 0 : i32
      %eq3A_85 = arith.cmpi eq, %sub3A_51, %eq3A_84 : i32
      %add3A_86 = arith.constant 16 : i32
      %add3A_87 = arith.addi %add3A_32, %add3A_86 : i32
      %lt3A_88 = arith.constant 160 : i32
      %lt3A_89 = arith.cmpi slt, %add3A_87, %lt3A_88 : i32
      %and3A_90 = arith.andi %eq3A_85, %lt3A_89 : i1
      %convert_element_type3A = arith.extui %and3A_90 : i1 to i32
      %cond3A = arith.constant 0 : i32
      %cond3A_91 = arith.cmpi ne, %convert_element_type3A, %cond3A : i32
      scf.if %cond3A_91 {
        %add3A_137 = arith.constant 1 : i32
        %add3A_138 = arith.addi %select_n3A, %add3A_137 : i32
        %mul3A_139 = arith.constant 16 : i32
        %mul3A_140 = arith.muli %add3A_138, %mul3A_139 : i32
        %add3A_141 = arith.constant 0 : i32
        %add3A_142 = arith.addi %add3A_141, %mul3A_140 : i32
        %dma_start3A_143 = arith.constant 0 : i32
        %dma_start3A_144 = arith.constant 0 : i32
        %dma_start3A_145 = tpu.memref_slice %arg6[%select_n3A_83, %dma_start3A_143, %dma_start3A_144] : memref<2x16x128xi32, #tpu.memory_space<vmem>> -> memref<1x16x128xi32, #tpu.memory_space<vmem>>
        %dma_start3A_146 = tpu.memref_squeeze %dma_start3A_145 : memref<1x16x128xi32, #tpu.memory_space<vmem>> -> memref<16x128xi32, #tpu.memory_space<vmem>>
        %dma_start3A_147 = arith.constant 0 : i32
        %dma_start3A_148 = tpu.memref_slice %arg3[%mul3A_7, %dma_start3A_147] : memref<5120x128xi32, #tpu.memory_space<hbm>> -> memref<160x128xi32, #tpu.memory_space<hbm>>
        %dma_start3A_149 = arith.constant 0 : i32
        %dma_start3A_150 = tpu.memref_slice %dma_start3A_148[%add3A_142, %dma_start3A_149] : memref<160x128xi32, #tpu.memory_space<hbm>> -> memref<16x128xi32, #tpu.memory_space<hbm>>
        %dma_start3A_151 = arith.constant 0 : i32
        %dma_start3A_152 = arith.constant 0 : i32
        %dma_start3A_153 = tpu.memref_slice %arg6[%select_n3A_83, %dma_start3A_151, %dma_start3A_152] : memref<2x16x128xi32, #tpu.memory_space<vmem>> -> memref<1x16x128xi32, #tpu.memory_space<vmem>>
        %dma_start3A_154 = tpu.memref_squeeze %dma_start3A_153 : memref<1x16x128xi32, #tpu.memory_space<vmem>> -> memref<16x128xi32, #tpu.memory_space<vmem>>
        %dma_start3A_155 = arith.constant 0 : i32
        %dma_start3A_156 = tpu.memref_slice %arg3[%mul3A_7, %dma_start3A_155] : memref<5120x128xi32, #tpu.memory_space<hbm>> -> memref<160x128xi32, #tpu.memory_space<hbm>>
        %dma_start3A_157 = arith.constant 0 : i32
        %dma_start3A_158 = tpu.memref_slice %dma_start3A_156[%add3A_142, %dma_start3A_157] : memref<160x128xi32, #tpu.memory_space<hbm>> -> memref<16x128xi32, #tpu.memory_space<hbm>>
        tpu.enqueue_dma source(%dma_start3A_158 : memref<16x128xi32, #tpu.memory_space<hbm>>) target(%dma_start3A_154 : memref<16x128xi32, #tpu.memory_space<vmem>>) target_semaphore(%arg13 : memref<!tpu.dma_semaphore, #tpu.memory_space<semaphore_mem>>)
        %add3A_159 = arith.constant 1 : i32
        %add3A_160 = arith.addi %select_n3A, %add3A_159 : i32
        %mul3A_161 = arith.constant 16 : i32
        %mul3A_162 = arith.muli %add3A_160, %mul3A_161 : i32
        %add3A_163 = arith.constant 0 : i32
        %add3A_164 = arith.addi %add3A_163, %mul3A_162 : i32
        %dma_start3A_165 = arith.constant 0 : i32
        %dma_start3A_166 = arith.constant 0 : i32
        %dma_start3A_167 = tpu.memref_slice %arg7[%select_n3A_83, %dma_start3A_165, %dma_start3A_166] : memref<2x16x128xi32, #tpu.memory_space<vmem>> -> memref<1x16x128xi32, #tpu.memory_space<vmem>>
        %dma_start3A_168 = tpu.memref_squeeze %dma_start3A_167 : memref<1x16x128xi32, #tpu.memory_space<vmem>> -> memref<16x128xi32, #tpu.memory_space<vmem>>
        %dma_start3A_169 = arith.constant 0 : i32
        %dma_start3A_170 = tpu.memref_slice %arg4[%mul3A_9, %dma_start3A_169] : memref<2560x128xi32, #tpu.memory_space<hbm>> -> memref<160x128xi32, #tpu.memory_space<hbm>>
        %dma_start3A_171 = arith.constant 0 : i32
        %dma_start3A_172 = tpu.memref_slice %dma_start3A_170[%add3A_164, %dma_start3A_171] : memref<160x128xi32, #tpu.memory_space<hbm>> -> memref<16x128xi32, #tpu.memory_space<hbm>>
        %dma_start3A_173 = arith.constant 0 : i32
        %dma_start3A_174 = arith.constant 0 : i32
        %dma_start3A_175 = tpu.memref_slice %arg7[%select_n3A_83, %dma_start3A_173, %dma_start3A_174] : memref<2x16x128xi32, #tpu.memory_space<vmem>> -> memref<1x16x128xi32, #tpu.memory_space<vmem>>
        %dma_start3A_176 = tpu.memref_squeeze %dma_start3A_175 : memref<1x16x128xi32, #tpu.memory_space<vmem>> -> memref<16x128xi32, #tpu.memory_space<vmem>>
        %dma_start3A_177 = arith.constant 0 : i32
        %dma_start3A_178 = tpu.memref_slice %arg4[%mul3A_9, %dma_start3A_177] : memref<2560x128xi32, #tpu.memory_space<hbm>> -> memref<160x128xi32, #tpu.memory_space<hbm>>
        %dma_start3A_179 = arith.constant 0 : i32
        %dma_start3A_180 = tpu.memref_slice %dma_start3A_178[%add3A_164, %dma_start3A_179] : memref<160x128xi32, #tpu.memory_space<hbm>> -> memref<16x128xi32, #tpu.memory_space<hbm>>
        tpu.enqueue_dma source(%dma_start3A_180 : memref<16x128xi32, #tpu.memory_space<hbm>>) target(%dma_start3A_176 : memref<16x128xi32, #tpu.memory_space<vmem>>) target_semaphore(%arg13 : memref<!tpu.dma_semaphore, #tpu.memory_space<semaphore_mem>>)
      } else {
      }
      %add3A_92 = arith.constant 1 : i32
      %add3A_93 = arith.addi %sub3A_51, %add3A_92 : i32
      %dma_start3A_94 = arith.constant 0 : i32
      %dma_start3A_95 = arith.constant 0 : i32
      %dma_start3A_96 = tpu.memref_slice %arg6[%select_n3A_65, %dma_start3A_94, %dma_start3A_95] : memref<2x16x128xi32, #tpu.memory_space<vmem>> -> memref<1x16x128xi32, #tpu.memory_space<vmem>>
      %dma_start3A_97 = tpu.memref_squeeze %dma_start3A_96 : memref<1x16x128xi32, #tpu.memory_space<vmem>> -> memref<16x128xi32, #tpu.memory_space<vmem>>
      %dma_start3A_98 = arith.constant 0 : i32
      %dma_start3A_99 = tpu.memref_slice %dma_start3A_97[%add3A_93, %dma_start3A_98] : memref<16x128xi32, #tpu.memory_space<vmem>> -> memref<1x128xi32, #tpu.memory_space<vmem>>
      %dma_start3A_100 = tpu.memref_squeeze %dma_start3A_99 : memref<1x128xi32, #tpu.memory_space<vmem>> -> memref<128xi32, #tpu.memory_space<vmem>>
      %dma_start3A_101 = arith.constant 0 : i32
      %dma_start3A_102 = arith.constant 0 : i32
      %dma_start3A_103 = tpu.memref_slice %arg2[%dma_start3A_101, %dma_start3A_102] : memref<20480x128xf32, #tpu.memory_space<hbm>> -> memref<20480x128xf32, #tpu.memory_space<hbm>>
      tpu.enqueue_indirect_dma source(%dma_start3A_103 : memref<20480x128xf32, #tpu.memory_space<hbm>>) target(%arg9 : memref<128x128xf32, #tpu.memory_space<vmem>>) offsets(%dma_start3A_100 : memref<128xi32, #tpu.memory_space<vmem>>) semaphore(%arg12 : memref<!tpu.dma_semaphore, #tpu.memory_space<semaphore_mem>>)
      %dma_wait3A = arith.constant 0 : i32
      %dma_wait3A_104 = arith.constant 0 : i32
      %dma_wait3A_105 = tpu.memref_slice %arg6[%select_n3A_65, %dma_wait3A, %dma_wait3A_104] : memref<2x16x128xi32, #tpu.memory_space<vmem>> -> memref<1x16x128xi32, #tpu.memory_space<vmem>>
      %dma_wait3A_106 = tpu.memref_squeeze %dma_wait3A_105 : memref<1x16x128xi32, #tpu.memory_space<vmem>> -> memref<16x128xi32, #tpu.memory_space<vmem>>
      %dma_wait3A_107 = arith.constant 0 : i32
      %dma_wait3A_108 = tpu.memref_slice %dma_wait3A_106[%sub3A_51, %dma_wait3A_107] : memref<16x128xi32, #tpu.memory_space<vmem>> -> memref<1x128xi32, #tpu.memory_space<vmem>>
      %dma_wait3A_109 = tpu.memref_squeeze %dma_wait3A_108 : memref<1x128xi32, #tpu.memory_space<vmem>> -> memref<128xi32, #tpu.memory_space<vmem>>
      %dma_wait3A_110 = arith.constant 0 : i32
      %dma_wait3A_111 = arith.constant 0 : i32
      %dma_wait3A_112 = tpu.memref_slice %arg2[%dma_wait3A_110, %dma_wait3A_111] : memref<20480x128xf32, #tpu.memory_space<hbm>> -> memref<20480x128xf32, #tpu.memory_space<hbm>>
      tpu.wait_indirect_dma semaphore(%arg11 : memref<!tpu.dma_semaphore, #tpu.memory_space<semaphore_mem>>) src(%dma_wait3A_112 : memref<20480x128xf32, #tpu.memory_space<hbm>>) dst(%arg8 : memref<128x128xf32, #tpu.memory_space<vmem>>)
      "tpu.region"() ({
        %run_scoped3A_137 = tpu.sem_alloc : memref<!tpu.dma_semaphore, #tpu.memory_space<semaphore_mem>>
        %dma_start3A_138 = arith.constant 0 : i32
        %dma_start3A_139 = arith.constant 0 : i32
        %dma_start3A_140 = tpu.memref_slice %arg7[%select_n3A_65, %dma_start3A_138, %dma_start3A_139] : memref<2x16x128xi32, #tpu.memory_space<vmem>> -> memref<1x16x128xi32, #tpu.memory_space<vmem>>
        %dma_start3A_141 = tpu.memref_squeeze %dma_start3A_140 : memref<1x16x128xi32, #tpu.memory_space<vmem>> -> memref<16x128xi32, #tpu.memory_space<vmem>>
        %dma_start3A_142 = arith.constant 0 : i32
        %dma_start3A_143 = tpu.memref_slice %dma_start3A_141[%sub3A_51, %dma_start3A_142] : memref<16x128xi32, #tpu.memory_space<vmem>> -> memref<1x128xi32, #tpu.memory_space<vmem>>
        %dma_start3A_144 = tpu.memref_squeeze %dma_start3A_143 : memref<1x128xi32, #tpu.memory_space<vmem>> -> memref<128xi32, #tpu.memory_space<vmem>>
        %dma_start3A_145 = arith.constant 0 : i32
        %dma_start3A_146 = arith.constant 0 : i32
        %dma_start3A_147 = tpu.memref_slice %arg10[%dma_start3A_145, %dma_start3A_146] : memref<10240x128xf32, #tpu.memory_space<vmem_shared>> -> memref<10240x128xf32, #tpu.memory_space<vmem_shared>>
        tpu.enqueue_indirect_dma source(%arg8 : memref<128x128xf32, #tpu.memory_space<vmem>>) target(%dma_start3A_147 : memref<10240x128xf32, #tpu.memory_space<vmem_shared>>) offsets(%dma_start3A_144 : memref<128xi32, #tpu.memory_space<vmem>>) semaphore(%run_scoped3A_137 : memref<!tpu.dma_semaphore, #tpu.memory_space<semaphore_mem>>) {add = true}
        %dma_wait3A_148 = arith.constant 0 : i32
        %dma_wait3A_149 = arith.constant 0 : i32
        %dma_wait3A_150 = tpu.memref_slice %arg7[%select_n3A_65, %dma_wait3A_148, %dma_wait3A_149] : memref<2x16x128xi32, #tpu.memory_space<vmem>> -> memref<1x16x128xi32, #tpu.memory_space<vmem>>
        %dma_wait3A_151 = tpu.memref_squeeze %dma_wait3A_150 : memref<1x16x128xi32, #tpu.memory_space<vmem>> -> memref<16x128xi32, #tpu.memory_space<vmem>>
        %dma_wait3A_152 = arith.constant 0 : i32
        %dma_wait3A_153 = tpu.memref_slice %dma_wait3A_151[%sub3A_51, %dma_wait3A_152] : memref<16x128xi32, #tpu.memory_space<vmem>> -> memref<1x128xi32, #tpu.memory_space<vmem>>
        %dma_wait3A_154 = tpu.memref_squeeze %dma_wait3A_153 : memref<1x128xi32, #tpu.memory_space<vmem>> -> memref<128xi32, #tpu.memory_space<vmem>>
        %dma_wait3A_155 = arith.constant 0 : i32
        %dma_wait3A_156 = arith.constant 0 : i32
        %dma_wait3A_157 = tpu.memref_slice %arg10[%dma_wait3A_155, %dma_wait3A_156] : memref<10240x128xf32, #tpu.memory_space<vmem_shared>> -> memref<10240x128xf32, #tpu.memory_space<vmem_shared>>
        tpu.wait_indirect_dma semaphore(%run_scoped3A_137 : memref<!tpu.dma_semaphore, #tpu.memory_space<semaphore_mem>>) src(%arg8 : memref<128x128xf32, #tpu.memory_space<vmem>>) dst(%dma_wait3A_157 : memref<10240x128xf32, #tpu.memory_space<vmem_shared>>)
        tpu.yield
      }) : () -> ()
      %eq3A_113 = arith.constant 14 : i32
      %eq3A_114 = arith.cmpi eq, %sub3A_51, %eq3A_113 : i32
      %convert_element_type3A_115 = arith.extui %eq3A_114 : i1 to i32
      %cond3A_116 = arith.constant 0 : i32
      %cond3A_117 = arith.cmpi ne, %convert_element_type3A_115, %cond3A_116 : i32
      scf.if %cond3A_117 {
        %add3A_137 = arith.constant 2 : i32
        %add3A_138 = arith.addi %add3A_32, %add3A_137 : i32
        %lt3A_139 = arith.constant 160 : i32
        %lt3A_140 = arith.cmpi slt, %add3A_138, %lt3A_139 : i32
        %convert_element_type3A_141 = arith.extui %lt3A_140 : i1 to i32
        %cond3A_142 = arith.constant 0 : i32
        %cond3A_143 = arith.cmpi ne, %convert_element_type3A_141, %cond3A_142 : i32
        scf.if %cond3A_143 {
          %add3A_144 = arith.constant 1 : i32
          %add3A_145 = arith.addi %select_n3A, %add3A_144 : i32
          %mul3A_146 = arith.constant 16 : i32
          %mul3A_147 = arith.muli %add3A_145, %mul3A_146 : i32
          %add3A_148 = arith.constant 0 : i32
          %add3A_149 = arith.addi %add3A_148, %mul3A_147 : i32
          %dma_wait3A_150 = arith.constant 0 : i32
          %dma_wait3A_151 = arith.constant 0 : i32
          %dma_wait3A_152 = tpu.memref_slice %arg6[%select_n3A_83, %dma_wait3A_150, %dma_wait3A_151] : memref<2x16x128xi32, #tpu.memory_space<vmem>> -> memref<1x16x128xi32, #tpu.memory_space<vmem>>
          %dma_wait3A_153 = tpu.memref_squeeze %dma_wait3A_152 : memref<1x16x128xi32, #tpu.memory_space<vmem>> -> memref<16x128xi32, #tpu.memory_space<vmem>>
          %dma_wait3A_154 = arith.constant 0 : i32
          %dma_wait3A_155 = tpu.memref_slice %arg3[%mul3A_7, %dma_wait3A_154] : memref<5120x128xi32, #tpu.memory_space<hbm>> -> memref<160x128xi32, #tpu.memory_space<hbm>>
          %dma_wait3A_156 = arith.constant 0 : i32
          %dma_wait3A_157 = tpu.memref_slice %dma_wait3A_155[%add3A_149, %dma_wait3A_156] : memref<160x128xi32, #tpu.memory_space<hbm>> -> memref<16x128xi32, #tpu.memory_space<hbm>>
          %dma_wait3A_158 = arith.constant 0 : i32
          %dma_wait3A_159 = arith.constant 0 : i32
          %dma_wait3A_160 = tpu.memref_slice %arg6[%select_n3A_83, %dma_wait3A_158, %dma_wait3A_159] : memref<2x16x128xi32, #tpu.memory_space<vmem>> -> memref<1x16x128xi32, #tpu.memory_space<vmem>>
          %dma_wait3A_161 = tpu.memref_squeeze %dma_wait3A_160 : memref<1x16x128xi32, #tpu.memory_space<vmem>> -> memref<16x128xi32, #tpu.memory_space<vmem>>
          %dma_wait3A_162 = arith.constant 0 : i32
          %dma_wait3A_163 = tpu.memref_slice %arg3[%mul3A_7, %dma_wait3A_162] : memref<5120x128xi32, #tpu.memory_space<hbm>> -> memref<160x128xi32, #tpu.memory_space<hbm>>
          %dma_wait3A_164 = arith.constant 0 : i32
          %dma_wait3A_165 = tpu.memref_slice %dma_wait3A_163[%add3A_149, %dma_wait3A_164] : memref<160x128xi32, #tpu.memory_space<hbm>> -> memref<16x128xi32, #tpu.memory_space<hbm>>
          tpu.wait_dma2 semaphore(%arg13 : memref<!tpu.dma_semaphore, #tpu.memory_space<semaphore_mem>>) src(%dma_wait3A_165 : memref<16x128xi32, #tpu.memory_space<hbm>>) dst(%dma_wait3A_161 : memref<16x128xi32, #tpu.memory_space<vmem>>)
          %add3A_166 = arith.constant 1 : i32
          %add3A_167 = arith.addi %select_n3A, %add3A_166 : i32
          %mul3A_168 = arith.constant 16 : i32
          %mul3A_169 = arith.muli %add3A_167, %mul3A_168 : i32
          %add3A_170 = arith.constant 0 : i32
          %add3A_171 = arith.addi %add3A_170, %mul3A_169 : i32
          %dma_wait3A_172 = arith.constant 0 : i32
          %dma_wait3A_173 = arith.constant 0 : i32
          %dma_wait3A_174 = tpu.memref_slice %arg7[%select_n3A_83, %dma_wait3A_172, %dma_wait3A_173] : memref<2x16x128xi32, #tpu.memory_space<vmem>> -> memref<1x16x128xi32, #tpu.memory_space<vmem>>
          %dma_wait3A_175 = tpu.memref_squeeze %dma_wait3A_174 : memref<1x16x128xi32, #tpu.memory_space<vmem>> -> memref<16x128xi32, #tpu.memory_space<vmem>>
          %dma_wait3A_176 = arith.constant 0 : i32
          %dma_wait3A_177 = tpu.memref_slice %arg4[%mul3A_9, %dma_wait3A_176] : memref<2560x128xi32, #tpu.memory_space<hbm>> -> memref<160x128xi32, #tpu.memory_space<hbm>>
          %dma_wait3A_178 = arith.constant 0 : i32
          %dma_wait3A_179 = tpu.memref_slice %dma_wait3A_177[%add3A_171, %dma_wait3A_178] : memref<160x128xi32, #tpu.memory_space<hbm>> -> memref<16x128xi32, #tpu.memory_space<hbm>>
          %dma_wait3A_180 = arith.constant 0 : i32
          %dma_wait3A_181 = arith.constant 0 : i32
          %dma_wait3A_182 = tpu.memref_slice %arg7[%select_n3A_83, %dma_wait3A_180, %dma_wait3A_181] : memref<2x16x128xi32, #tpu.memory_space<vmem>> -> memref<1x16x128xi32, #tpu.memory_space<vmem>>
          %dma_wait3A_183 = tpu.memref_squeeze %dma_wait3A_182 : memref<1x16x128xi32, #tpu.memory_space<vmem>> -> memref<16x128xi32, #tpu.memory_space<vmem>>
          %dma_wait3A_184 = arith.constant 0 : i32
          %dma_wait3A_185 = tpu.memref_slice %arg4[%mul3A_9, %dma_wait3A_184] : memref<2560x128xi32, #tpu.memory_space<hbm>> -> memref<160x128xi32, #tpu.memory_space<hbm>>
          %dma_wait3A_186 = arith.constant 0 : i32
          %dma_wait3A_187 = tpu.memref_slice %dma_wait3A_185[%add3A_171, %dma_wait3A_186] : memref<160x128xi32, #tpu.memory_space<hbm>> -> memref<16x128xi32, #tpu.memory_space<hbm>>
          tpu.wait_dma2 semaphore(%arg13 : memref<!tpu.dma_semaphore, #tpu.memory_space<semaphore_mem>>) src(%dma_wait3A_187 : memref<16x128xi32, #tpu.memory_space<hbm>>) dst(%dma_wait3A_183 : memref<16x128xi32, #tpu.memory_space<vmem>>)
          %dma_start3A_188 = arith.constant 0 : i32
          %dma_start3A_189 = arith.constant 0 : i32
          %dma_start3A_190 = arith.constant 0 : i32
          %dma_start3A_191 = tpu.memref_slice %arg6[%select_n3A_83, %dma_start3A_189, %dma_start3A_190] : memref<2x16x128xi32, #tpu.memory_space<vmem>> -> memref<1x16x128xi32, #tpu.memory_space<vmem>>
          %dma_start3A_192 = tpu.memref_squeeze %dma_start3A_191 : memref<1x16x128xi32, #tpu.memory_space<vmem>> -> memref<16x128xi32, #tpu.memory_space<vmem>>
          %dma_start3A_193 = arith.constant 0 : i32
          %dma_start3A_194 = tpu.memref_slice %dma_start3A_192[%dma_start3A_188, %dma_start3A_193] : memref<16x128xi32, #tpu.memory_space<vmem>> -> memref<1x128xi32, #tpu.memory_space<vmem>>
          %dma_start3A_195 = tpu.memref_squeeze %dma_start3A_194 : memref<1x128xi32, #tpu.memory_space<vmem>> -> memref<128xi32, #tpu.memory_space<vmem>>
          %dma_start3A_196 = arith.constant 0 : i32
          %dma_start3A_197 = arith.constant 0 : i32
          %dma_start3A_198 = tpu.memref_slice %arg2[%dma_start3A_196, %dma_start3A_197] : memref<20480x128xf32, #tpu.memory_space<hbm>> -> memref<20480x128xf32, #tpu.memory_space<hbm>>
          tpu.enqueue_indirect_dma source(%dma_start3A_198 : memref<20480x128xf32, #tpu.memory_space<hbm>>) target(%arg8 : memref<128x128xf32, #tpu.memory_space<vmem>>) offsets(%dma_start3A_195 : memref<128xi32, #tpu.memory_space<vmem>>) semaphore(%arg11 : memref<!tpu.dma_semaphore, #tpu.memory_space<semaphore_mem>>)
        } else {
        }
      } else {
      }
      %ne3A_118 = arith.constant 14 : i32
      %ne3A_119 = arith.cmpi ne, %sub3A_51, %ne3A_118 : i32
      %convert_element_type3A_120 = arith.extui %ne3A_119 : i1 to i32
      %cond3A_121 = arith.constant 0 : i32
      %cond3A_122 = arith.cmpi ne, %convert_element_type3A_120, %cond3A_121 : i32
      scf.if %cond3A_122 {
        %add3A_137 = arith.constant 2 : i32
        %add3A_138 = arith.addi %sub3A_51, %add3A_137 : i32
        %dma_start3A_139 = arith.constant 0 : i32
        %dma_start3A_140 = arith.constant 0 : i32
        %dma_start3A_141 = tpu.memref_slice %arg6[%select_n3A_65, %dma_start3A_139, %dma_start3A_140] : memref<2x16x128xi32, #tpu.memory_space<vmem>> -> memref<1x16x128xi32, #tpu.memory_space<vmem>>
        %dma_start3A_142 = tpu.memref_squeeze %dma_start3A_141 : memref<1x16x128xi32, #tpu.memory_space<vmem>> -> memref<16x128xi32, #tpu.memory_space<vmem>>
        %dma_start3A_143 = arith.constant 0 : i32
        %dma_start3A_144 = tpu.memref_slice %dma_start3A_142[%add3A_138, %dma_start3A_143] : memref<16x128xi32, #tpu.memory_space<vmem>> -> memref<1x128xi32, #tpu.memory_space<vmem>>
        %dma_start3A_145 = tpu.memref_squeeze %dma_start3A_144 : memref<1x128xi32, #tpu.memory_space<vmem>> -> memref<128xi32, #tpu.memory_space<vmem>>
        %dma_start3A_146 = arith.constant 0 : i32
        %dma_start3A_147 = arith.constant 0 : i32
        %dma_start3A_148 = tpu.memref_slice %arg2[%dma_start3A_146, %dma_start3A_147] : memref<20480x128xf32, #tpu.memory_space<hbm>> -> memref<20480x128xf32, #tpu.memory_space<hbm>>
        tpu.enqueue_indirect_dma source(%dma_start3A_148 : memref<20480x128xf32, #tpu.memory_space<hbm>>) target(%arg8 : memref<128x128xf32, #tpu.memory_space<vmem>>) offsets(%dma_start3A_145 : memref<128xi32, #tpu.memory_space<vmem>>) semaphore(%arg11 : memref<!tpu.dma_semaphore, #tpu.memory_space<semaphore_mem>>)
      } else {
      }
      %add3A_123 = arith.constant 1 : i32
      %add3A_124 = arith.addi %sub3A_51, %add3A_123 : i32
      %dma_wait3A_125 = arith.constant 0 : i32
      %dma_wait3A_126 = arith.constant 0 : i32
      %dma_wait3A_127 = tpu.memref_slice %arg6[%select_n3A_65, %dma_wait3A_125, %dma_wait3A_126] : memref<2x16x128xi32, #tpu.memory_space<vmem>> -> memref<1x16x128xi32, #tpu.memory_space<vmem>>
      %dma_wait3A_128 = tpu.memref_squeeze %dma_wait3A_127 : memref<1x16x128xi32, #tpu.memory_space<vmem>> -> memref<16x128xi32, #tpu.memory_space<vmem>>
      %dma_wait3A_129 = arith.constant 0 : i32
      %dma_wait3A_130 = tpu.memref_slice %dma_wait3A_128[%add3A_124, %dma_wait3A_129] : memref<16x128xi32, #tpu.memory_space<vmem>> -> memref<1x128xi32, #tpu.memory_space<vmem>>
      %dma_wait3A_131 = tpu.memref_squeeze %dma_wait3A_130 : memref<1x128xi32, #tpu.memory_space<vmem>> -> memref<128xi32, #tpu.memory_space<vmem>>
      %dma_wait3A_132 = arith.constant 0 : i32
      %dma_wait3A_133 = arith.constant 0 : i32
      %dma_wait3A_134 = tpu.memref_slice %arg2[%dma_wait3A_132, %dma_wait3A_133] : memref<20480x128xf32, #tpu.memory_space<hbm>> -> memref<20480x128xf32, #tpu.memory_space<hbm>>
      tpu.wait_indirect_dma semaphore(%arg12 : memref<!tpu.dma_semaphore, #tpu.memory_space<semaphore_mem>>) src(%dma_wait3A_134 : memref<20480x128xf32, #tpu.memory_space<hbm>>) dst(%arg9 : memref<128x128xf32, #tpu.memory_space<vmem>>)
      %add3A_135 = arith.constant 1 : i32
      %add3A_136 = arith.addi %sub3A_51, %add3A_135 : i32
      "tpu.region"() ({
        %run_scoped3A_137 = tpu.sem_alloc : memref<!tpu.dma_semaphore, #tpu.memory_space<semaphore_mem>>
        %dma_start3A_138 = arith.constant 0 : i32
        %dma_start3A_139 = arith.constant 0 : i32
        %dma_start3A_140 = tpu.memref_slice %arg7[%select_n3A_65, %dma_start3A_138, %dma_start3A_139] : memref<2x16x128xi32, #tpu.memory_space<vmem>> -> memref<1x16x128xi32, #tpu.memory_space<vmem>>
        %dma_start3A_141 = tpu.memref_squeeze %dma_start3A_140 : memref<1x16x128xi32, #tpu.memory_space<vmem>> -> memref<16x128xi32, #tpu.memory_space<vmem>>
        %dma_start3A_142 = arith.constant 0 : i32
        %dma_start3A_143 = tpu.memref_slice %dma_start3A_141[%add3A_136, %dma_start3A_142] : memref<16x128xi32, #tpu.memory_space<vmem>> -> memref<1x128xi32, #tpu.memory_space<vmem>>
        %dma_start3A_144 = tpu.memref_squeeze %dma_start3A_143 : memref<1x128xi32, #tpu.memory_space<vmem>> -> memref<128xi32, #tpu.memory_space<vmem>>
        %dma_start3A_145 = arith.constant 0 : i32
        %dma_start3A_146 = arith.constant 0 : i32
        %dma_start3A_147 = tpu.memref_slice %arg10[%dma_start3A_145, %dma_start3A_146] : memref<10240x128xf32, #tpu.memory_space<vmem_shared>> -> memref<10240x128xf32, #tpu.memory_space<vmem_shared>>
        tpu.enqueue_indirect_dma source(%arg9 : memref<128x128xf32, #tpu.memory_space<vmem>>) target(%dma_start3A_147 : memref<10240x128xf32, #tpu.memory_space<vmem_shared>>) offsets(%dma_start3A_144 : memref<128xi32, #tpu.memory_space<vmem>>) semaphore(%run_scoped3A_137 : memref<!tpu.dma_semaphore, #tpu.memory_space<semaphore_mem>>) {add = true}
        %dma_wait3A_148 = arith.constant 0 : i32
        %dma_wait3A_149 = arith.constant 0 : i32
        %dma_wait3A_150 = tpu.memref_slice %arg7[%select_n3A_65, %dma_wait3A_148, %dma_wait3A_149] : memref<2x16x128xi32, #tpu.memory_space<vmem>> -> memref<1x16x128xi32, #tpu.memory_space<vmem>>
        %dma_wait3A_151 = tpu.memref_squeeze %dma_wait3A_150 : memref<1x16x128xi32, #tpu.memory_space<vmem>> -> memref<16x128xi32, #tpu.memory_space<vmem>>
        %dma_wait3A_152 = arith.constant 0 : i32
        %dma_wait3A_153 = tpu.memref_slice %dma_wait3A_151[%add3A_136, %dma_wait3A_152] : memref<16x128xi32, #tpu.memory_space<vmem>> -> memref<1x128xi32, #tpu.memory_space<vmem>>
        %dma_wait3A_154 = tpu.memref_squeeze %dma_wait3A_153 : memref<1x128xi32, #tpu.memory_space<vmem>> -> memref<128xi32, #tpu.memory_space<vmem>>
        %dma_wait3A_155 = arith.constant 0 : i32
        %dma_wait3A_156 = arith.constant 0 : i32
        %dma_wait3A_157 = tpu.memref_slice %arg10[%dma_wait3A_155, %dma_wait3A_156] : memref<10240x128xf32, #tpu.memory_space<vmem_shared>> -> memref<10240x128xf32, #tpu.memory_space<vmem_shared>>
        tpu.wait_indirect_dma semaphore(%run_scoped3A_137 : memref<!tpu.dma_semaphore, #tpu.memory_space<semaphore_mem>>) src(%arg9 : memref<128x128xf32, #tpu.memory_space<vmem>>) dst(%dma_wait3A_157 : memref<10240x128xf32, #tpu.memory_space<vmem_shared>>)
        tpu.yield
      }) : () -> ()
    }
    %scan3A_25 = arith.constant 80 : i32
    %barrier3A_26 = arith.constant 0 : index
    tpu.barrier barrier_id(%barrier3A_26)
    %add3A_27 = arith.addi %mul3A_2, %mul3A_0 : i32
    "tpu.region"() ({
      %run_scoped3A_28 = tpu.sem_alloc : memref<!tpu.dma_semaphore, #tpu.memory_space<semaphore_mem>>
      %dma_start3A_29 = arith.constant 0 : i32
      %dma_start3A_30 = tpu.memref_slice %arg5[%add3A_27, %dma_start3A_29] : memref<20480x128xf32, #tpu.memory_space<hbm>> -> memref<640x128xf32, #tpu.memory_space<hbm>>
      %dma_start3A_31 = arith.constant 0 : i32
      %dma_start3A_32 = tpu.memref_slice %arg10[%mul3A_0, %dma_start3A_31] : memref<10240x128xf32, #tpu.memory_space<vmem_shared>> -> memref<640x128xf32, #tpu.memory_space<vmem_shared>>
      tpu.enqueue_dma source(%dma_start3A_32 : memref<640x128xf32, #tpu.memory_space<vmem_shared>>) target(%dma_start3A_30 : memref<640x128xf32, #tpu.memory_space<hbm>>) target_semaphore(%run_scoped3A_28 : memref<!tpu.dma_semaphore, #tpu.memory_space<semaphore_mem>>)
      %dma_wait3A = arith.constant 0 : i32
      %dma_wait3A_33 = tpu.memref_slice %arg5[%add3A_27, %dma_wait3A] : memref<20480x128xf32, #tpu.memory_space<hbm>> -> memref<640x128xf32, #tpu.memory_space<hbm>>
      %dma_wait3A_34 = arith.constant 0 : i32
      %dma_wait3A_35 = tpu.memref_slice %arg10[%mul3A_0, %dma_wait3A_34] : memref<10240x128xf32, #tpu.memory_space<vmem_shared>> -> memref<640x128xf32, #tpu.memory_space<vmem_shared>>
      tpu.wait_dma2 semaphore(%run_scoped3A_28 : memref<!tpu.dma_semaphore, #tpu.memory_space<semaphore_mem>>) src(%dma_wait3A_35 : memref<640x128xf32, #tpu.memory_space<vmem_shared>>) dst(%dma_wait3A_33 : memref<640x128xf32, #tpu.memory_space<hbm>>)
      tpu.yield
    }) : () -> ()
    return
  }
}

module attributes {stable_mosaic.version = 14 : i64} {
  func.func @body(%arg0: i32, %arg1: memref<2x256x16xf32, #tpu.memory_space<vmem>>, %arg2: memref<256x128xf32, #tpu.memory_space<vmem>>, %arg3: memref<256x128xf32, #tpu.memory_space<vmem>>) attributes {dimension_semantics = [#tpu.dimension_semantics<arbitrary>], iteration_bounds = array<i64: 40>, scalar_prefetch = 0 : i64, scratch_operands = 0 : i64, tpu.core_type = #tpu.core_type<tc>, window_params = [{transform_indices = @transform_0, window_bounds = array<i64: 2, 256, 16>}, {transform_indices = @transform_1, window_bounds = array<i64: 256, 128>}, {transform_indices = @transform_2, window_bounds = array<i64: 256, 128>}]} {
    %get3A = arith.constant 0 : index
    %get3A_0 = arith.constant 0 : index
    %get3A_1 = arith.constant 0 : index
    %get3A_2 = vector.load %arg1[%get3A, %get3A_0, %get3A_1] : memref<2x256x16xf32, #tpu.memory_space<vmem>>, vector<1x256x1xf32>
    %get3A_3 = vector.shape_cast %get3A_2 : vector<1x256x1xf32> to vector<256x1xf32>
    %get3A_4 = arith.constant 1 : index
    %get3A_5 = arith.constant 0 : index
    %get3A_6 = arith.constant 0 : index
    %get3A_7 = vector.load %arg1[%get3A_4, %get3A_5, %get3A_6] : memref<2x256x16xf32, #tpu.memory_space<vmem>>, vector<1x256x1xf32>
    %get3A_8 = vector.shape_cast %get3A_7 : vector<1x256x1xf32> to vector<256x1xf32>
    %add3A = arith.addf %get3A_3, %get3A_8 : vector<256x1xf32>
    %add3A_9 = arith.constant 1.000000e+00 : f32
    %add3A_10 = vector.broadcast %add3A_9 : f32 to vector<256x1xf32>
    %add3A_11 = arith.addf %add3A, %add3A_10 : vector<256x1xf32>
    %rsqrt3A = math.rsqrt %add3A_11 : vector<256x1xf32>
    %mul3A = arith.constant 256 : i32
    %mul3A_12 = arith.muli %arg0, %mul3A : i32
    %iota3A = tpu.iota {dimensions = array<i32: 0>} : vector<256x1xi32>
    %add3A_13 = vector.broadcast %mul3A_12 : i32 to vector<256x1xi32>
    %add3A_14 = arith.addi %add3A_13, %iota3A : vector<256x1xi32>
    %lt3A = arith.constant 10000 : i32
    %lt3A_15 = vector.broadcast %lt3A : i32 to vector<256x1xi32>
    %lt3A_16 = arith.cmpi slt, %add3A_14, %lt3A_15 : vector<256x1xi32>
    %jit3A = arith.constant 0.000000e+00 : f32
    %broadcast_in_dim3A = vector.broadcast %jit3A : f32 to vector<256x1xf32>
    %select_n3A = arith.select %lt3A_16, %rsqrt3A, %broadcast_in_dim3A : vector<256x1xi1>, vector<256x1xf32>
    %get3A_17 = arith.constant 0 : index
    %get3A_18 = arith.constant 0 : index
    %get3A_19 = vector.load %arg2[%get3A_17, %get3A_18] : memref<256x128xf32, #tpu.memory_space<vmem>>, vector<256x128xf32>
    %mul3A_20 = vector.broadcast %select_n3A : vector<256x1xf32> to vector<256x128xf32>
    %mul3A_21 = arith.mulf %mul3A_20, %get3A_19 : vector<256x128xf32>
    %swap3A = arith.constant 0 : index
    %swap3A_22 = arith.constant 0 : index
    %swap3A_23 = vector.load %arg3[%swap3A, %swap3A_22] : memref<256x128xf32, #tpu.memory_space<vmem>>, vector<256x128xf32>
    tpu.vector_store %arg3[%swap3A, %swap3A_22], %mul3A_21 {strides = array<i32>} : memref<256x128xf32, #tpu.memory_space<vmem>>, vector<256x128xf32>,
    return
  }
  func.func @transform_0(%arg0: i32) -> (i32, i32, i32) {
    %c0_i32 = arith.constant 0 : i32
    %c0_i32_0 = arith.constant 0 : i32
    %c0_i32_1 = arith.constant 0 : i32
    return %c0_i32, %arg0, %c0_i32_0 : i32, i32, i32
  }
  func.func @transform_1(%arg0: i32) -> (i32, i32) {
    %c0_i32 = arith.constant 0 : i32
    %c0_i32_0 = arith.constant 0 : i32
    return %arg0, %c0_i32 : i32, i32
  }
  func.func @transform_2(%arg0: i32) -> (i32, i32) {
    %c0_i32 = arith.constant 0 : i32
    %c0_i32_0 = arith.constant 0 : i32
    return %arg0, %c0_i32 : i32, i32
  }
}

module attributes {stable_mosaic.version = 14 : i64} {
  func.func @body(%arg0: i32, %arg1: memref<2x256x128xf32, #tpu.memory_space<vmem>>, %arg2: memref<2x256x16xf32, #tpu.memory_space<vmem>>, %arg3: memref<128x256xf32, #tpu.memory_space<vmem>>, %arg4: memref<1x256xf32, #tpu.memory_space<vmem>>, %arg5: memref<2x256x128xf32, #tpu.memory_space<vmem>>) attributes {dimension_semantics = [#tpu.dimension_semantics<arbitrary>], iteration_bounds = array<i64: 40>, scalar_prefetch = 0 : i64, scratch_operands = 0 : i64, tpu.core_type = #tpu.core_type<tc>, window_params = [{transform_indices = @transform_0, window_bounds = array<i64: 2, 256, 128>}, {transform_indices = @transform_1, window_bounds = array<i64: 2, 256, 16>}, {pipeline_mode = #tpu.pipeline_mode<synchronous>, transform_indices = @transform_2, window_bounds = array<i64: 128, 256>}, {pipeline_mode = #tpu.pipeline_mode<synchronous>, transform_indices = @transform_3, window_bounds = array<i64: 1, 256>}, {transform_indices = @transform_4, window_bounds = array<i64: 2, 256, 128>}]} {
    %get3A = arith.constant 0 : index
    %get3A_0 = arith.constant 0 : index
    %get3A_1 = arith.constant 0 : index
    %get3A_2 = vector.load %arg2[%get3A, %get3A_0, %get3A_1] : memref<2x256x16xf32, #tpu.memory_space<vmem>>, vector<1x256x1xf32>
    %get3A_3 = vector.shape_cast %get3A_2 : vector<1x256x1xf32> to vector<256x1xf32>
    %get3A_4 = arith.constant 1 : index
    %get3A_5 = arith.constant 0 : index
    %get3A_6 = arith.constant 0 : index
    %get3A_7 = vector.load %arg2[%get3A_4, %get3A_5, %get3A_6] : memref<2x256x16xf32, #tpu.memory_space<vmem>>, vector<1x256x1xf32>
    %get3A_8 = vector.shape_cast %get3A_7 : vector<1x256x1xf32> to vector<256x1xf32>
    %add3A = arith.addf %get3A_3, %get3A_8 : vector<256x1xf32>
    %add3A_9 = arith.constant 1.000000e+00 : f32
    %add3A_10 = vector.broadcast %add3A_9 : f32 to vector<256x1xf32>
    %add3A_11 = arith.addf %add3A, %add3A_10 : vector<256x1xf32>
    %rsqrt3A = math.rsqrt %add3A_11 : vector<256x1xf32>
    %mul3A = arith.constant 256 : i32
    %mul3A_12 = arith.muli %arg0, %mul3A : i32
    %iota3A = tpu.iota {dimensions = array<i32: 0>} : vector<256x1xi32>
    %add3A_13 = vector.broadcast %mul3A_12 : i32 to vector<256x1xi32>
    %add3A_14 = arith.addi %add3A_13, %iota3A : vector<256x1xi32>
    %lt3A = arith.constant 10000 : i32
    %lt3A_15 = vector.broadcast %lt3A : i32 to vector<256x1xi32>
    %lt3A_16 = arith.cmpi slt, %add3A_14, %lt3A_15 : vector<256x1xi32>
    %jit3A = arith.constant 0.000000e+00 : f32
    %broadcast_in_dim3A = vector.broadcast %jit3A : f32 to vector<256x1xf32>
    %select_n3A = arith.select %lt3A_16, %rsqrt3A, %broadcast_in_dim3A : vector<256x1xi1>, vector<256x1xf32>
    %get3A_17 = arith.constant 0 : index
    %get3A_18 = arith.constant 0 : index
    %get3A_19 = arith.constant 0 : index
    %get3A_20 = vector.load %arg1[%get3A_17, %get3A_18, %get3A_19] : memref<2x256x128xf32, #tpu.memory_space<vmem>>, vector<1x256x128xf32>
    %get3A_21 = vector.shape_cast %get3A_20 : vector<1x256x128xf32> to vector<256x128xf32>
    %get3A_22 = arith.constant 1 : index
    %get3A_23 = arith.constant 0 : index
    %get3A_24 = arith.constant 0 : index
    %get3A_25 = vector.load %arg1[%get3A_22, %get3A_23, %get3A_24] : memref<2x256x128xf32, #tpu.memory_space<vmem>>, vector<1x256x128xf32>
    %get3A_26 = vector.shape_cast %get3A_25 : vector<1x256x128xf32> to vector<256x128xf32>
    %add3A_27 = arith.addf %get3A_21, %get3A_26 : vector<256x128xf32>
    %mul3A_28 = vector.broadcast %select_n3A : vector<256x1xf32> to vector<256x128xf32>
    %mul3A_29 = arith.mulf %mul3A_28, %add3A_27 : vector<256x128xf32>
    %get3A_30 = arith.constant 0 : index
    %get3A_31 = arith.constant 0 : index
    %get3A_32 = vector.load %arg3[%get3A_30, %get3A_31] : memref<128x256xf32, #tpu.memory_space<vmem>>, vector<128x256xf32>
    %dot_general3A = arith.constant dense<0.000000e+00> : vector<256x256xf32>
    %dot_general3A_33 = tpu.matmul %mul3A_29, %get3A_32, %dot_general3A {dimension_numbers = #tpu.dot_dimension_numbers<[1], [0], [0], [1], [0, 0, 1, 1], [], []>, precision = #tpu.contract_precision<fp32>, transpose_lhs_hint = false} : vector<256x128xf32>, vector<128x256xf32>, vector<256x256xf32> -> vector<256x256xf32>
    %get3A_34 = arith.constant 0 : index
    %get3A_35 = arith.constant 0 : index
    %get3A_36 = vector.load %arg4[%get3A_34, %get3A_35] : memref<1x256xf32, #tpu.memory_space<vmem>>, vector<1x256xf32>
    %add3A_37 = vector.broadcast %get3A_36 : vector<1x256xf32> to vector<256x256xf32>
    %add3A_38 = arith.addf %dot_general3A_33, %add3A_37 : vector<256x256xf32>
    %max3A = arith.constant 0.000000e+00 : f32
    %max3A_39 = vector.broadcast %max3A : f32 to vector<256x256xf32>
    %max3A_40 = arith.maximumf %add3A_38, %max3A_39 : vector<256x256xf32>
    %slice3A = vector.extract_strided_slice %max3A_40 {offsets = [0, 0], sizes = [256, 128], strides = [1, 1]} : vector<256x256xf32> to vector<256x128xf32>
    %mul3A_41 = vector.broadcast %select_n3A : vector<256x1xf32> to vector<256x128xf32>
    %mul3A_42 = arith.mulf %mul3A_41, %slice3A : vector<256x128xf32>
    %swap3A = arith.constant 0 : index
    %swap3A_43 = arith.constant 0 : index
    %swap3A_44 = arith.constant 0 : index
    %swap3A_45 = vector.load %arg5[%swap3A, %swap3A_43, %swap3A_44] : memref<2x256x128xf32, #tpu.memory_space<vmem>>, vector<1x256x128xf32>
    %swap3A_46 = vector.shape_cast %swap3A_45 : vector<1x256x128xf32> to vector<256x128xf32>
    %swap3A_47 = vector.shape_cast %mul3A_42 : vector<256x128xf32> to vector<1x256x128xf32>
    tpu.vector_store %arg5[%swap3A, %swap3A_43, %swap3A_44], %swap3A_47 {strides = array<i32>} : memref<2x256x128xf32, #tpu.memory_space<vmem>>, vector<1x256x128xf32>,
    %slice3A_48 = vector.extract_strided_slice %max3A_40 {offsets = [0, 128], sizes = [256, 128], strides = [1, 1]} : vector<256x256xf32> to vector<256x128xf32>
    %mul3A_49 = vector.broadcast %select_n3A : vector<256x1xf32> to vector<256x128xf32>
    %mul3A_50 = arith.mulf %mul3A_49, %slice3A_48 : vector<256x128xf32>
    %swap3A_51 = arith.constant 1 : index
    %swap3A_52 = arith.constant 0 : index
    %swap3A_53 = arith.constant 0 : index
    %swap3A_54 = vector.load %arg5[%swap3A_51, %swap3A_52, %swap3A_53] : memref<2x256x128xf32, #tpu.memory_space<vmem>>, vector<1x256x128xf32>
    %swap3A_55 = vector.shape_cast %swap3A_54 : vector<1x256x128xf32> to vector<256x128xf32>
    %swap3A_56 = vector.shape_cast %mul3A_50 : vector<256x128xf32> to vector<1x256x128xf32>
    tpu.vector_store %arg5[%swap3A_51, %swap3A_52, %swap3A_53], %swap3A_56 {strides = array<i32>} : memref<2x256x128xf32, #tpu.memory_space<vmem>>, vector<1x256x128xf32>,
    return
  }
  func.func @transform_0(%arg0: i32) -> (i32, i32, i32) {
    %c0_i32 = arith.constant 0 : i32
    %c0_i32_0 = arith.constant 0 : i32
    %c0_i32_1 = arith.constant 0 : i32
    return %c0_i32, %arg0, %c0_i32_0 : i32, i32, i32
  }
  func.func @transform_1(%arg0: i32) -> (i32, i32, i32) {
    %c0_i32 = arith.constant 0 : i32
    %c0_i32_0 = arith.constant 0 : i32
    %c0_i32_1 = arith.constant 0 : i32
    return %c0_i32, %arg0, %c0_i32_0 : i32, i32, i32
  }
  func.func @transform_2(%arg0: i32) -> (i32, i32) {
    %c0_i32 = arith.constant 0 : i32
    %c0_i32_0 = arith.constant 0 : i32
    %c0_i32_1 = arith.constant 0 : i32
    return %c0_i32, %c0_i32_0 : i32, i32
  }
  func.func @transform_3(%arg0: i32) -> (i32, i32) {
    %c0_i32 = arith.constant 0 : i32
    %c0_i32_0 = arith.constant 0 : i32
    %c0_i32_1 = arith.constant 0 : i32
    return %c0_i32, %c0_i32_0 : i32, i32
  }
  func.func @transform_4(%arg0: i32) -> (i32, i32, i32) {
    %c0_i32 = arith.constant 0 : i32
    %c0_i32_0 = arith.constant 0 : i32
    %c0_i32_1 = arith.constant 0 : i32
    return %c0_i32, %arg0, %c0_i32_0 : i32, i32, i32
  }
}

module attributes {stable_mosaic.version = 14 : i64} {
  func.func @body(%arg0: i32, %arg1: memref<2x256x128xf32, #tpu.memory_space<vmem>>, %arg2: memref<2x256x16xf32, #tpu.memory_space<vmem>>, %arg3: memref<256x256xf32, #tpu.memory_space<vmem>>, %arg4: memref<1x256xf32, #tpu.memory_space<vmem>>, %arg5: memref<2x256x128xf32, #tpu.memory_space<vmem>>) attributes {dimension_semantics = [#tpu.dimension_semantics<arbitrary>], iteration_bounds = array<i64: 40>, scalar_prefetch = 0 : i64, scratch_operands = 0 : i64, tpu.core_type = #tpu.core_type<tc>, window_params = [{transform_indices = @transform_0, window_bounds = array<i64: 2, 256, 128>}, {transform_indices = @transform_1, window_bounds = array<i64: 2, 256, 16>}, {pipeline_mode = #tpu.pipeline_mode<synchronous>, transform_indices = @transform_2, window_bounds = array<i64: 256, 256>}, {pipeline_mode = #tpu.pipeline_mode<synchronous>, transform_indices = @transform_3, window_bounds = array<i64: 1, 256>}, {transform_indices = @transform_4, window_bounds = array<i64: 2, 256, 128>}]} {
    %get3A = arith.constant 0 : index
    %get3A_0 = arith.constant 0 : index
    %get3A_1 = arith.constant 0 : index
    %get3A_2 = vector.load %arg2[%get3A, %get3A_0, %get3A_1] : memref<2x256x16xf32, #tpu.memory_space<vmem>>, vector<1x256x1xf32>
    %get3A_3 = vector.shape_cast %get3A_2 : vector<1x256x1xf32> to vector<256x1xf32>
    %get3A_4 = arith.constant 1 : index
    %get3A_5 = arith.constant 0 : index
    %get3A_6 = arith.constant 0 : index
    %get3A_7 = vector.load %arg2[%get3A_4, %get3A_5, %get3A_6] : memref<2x256x16xf32, #tpu.memory_space<vmem>>, vector<1x256x1xf32>
    %get3A_8 = vector.shape_cast %get3A_7 : vector<1x256x1xf32> to vector<256x1xf32>
    %add3A = arith.addf %get3A_3, %get3A_8 : vector<256x1xf32>
    %add3A_9 = arith.constant 1.000000e+00 : f32
    %add3A_10 = vector.broadcast %add3A_9 : f32 to vector<256x1xf32>
    %add3A_11 = arith.addf %add3A, %add3A_10 : vector<256x1xf32>
    %rsqrt3A = math.rsqrt %add3A_11 : vector<256x1xf32>
    %mul3A = arith.constant 256 : i32
    %mul3A_12 = arith.muli %arg0, %mul3A : i32
    %iota3A = tpu.iota {dimensions = array<i32: 0>} : vector<256x1xi32>
    %add3A_13 = vector.broadcast %mul3A_12 : i32 to vector<256x1xi32>
    %add3A_14 = arith.addi %add3A_13, %iota3A : vector<256x1xi32>
    %lt3A = arith.constant 10000 : i32
    %lt3A_15 = vector.broadcast %lt3A : i32 to vector<256x1xi32>
    %lt3A_16 = arith.cmpi slt, %add3A_14, %lt3A_15 : vector<256x1xi32>
    %jit3A = arith.constant 0.000000e+00 : f32
    %broadcast_in_dim3A = vector.broadcast %jit3A : f32 to vector<256x1xf32>
    %select_n3A = arith.select %lt3A_16, %rsqrt3A, %broadcast_in_dim3A : vector<256x1xi1>, vector<256x1xf32>
    %get3A_17 = arith.constant 0 : index
    %get3A_18 = arith.constant 0 : index
    %get3A_19 = arith.constant 0 : index
    %get3A_20 = vector.load %arg1[%get3A_17, %get3A_18, %get3A_19] : memref<2x256x128xf32, #tpu.memory_space<vmem>>, vector<1x256x128xf32>
    %get3A_21 = vector.shape_cast %get3A_20 : vector<1x256x128xf32> to vector<256x128xf32>
    %get3A_22 = arith.constant 1 : index
    %get3A_23 = arith.constant 0 : index
    %get3A_24 = arith.constant 0 : index
    %get3A_25 = vector.load %arg1[%get3A_22, %get3A_23, %get3A_24] : memref<2x256x128xf32, #tpu.memory_space<vmem>>, vector<1x256x128xf32>
    %get3A_26 = vector.shape_cast %get3A_25 : vector<1x256x128xf32> to vector<256x128xf32>
    %concatenate3A = tpu.concatenate %get3A_21, %get3A_26 in 1 : vector<256x128xf32>, vector<256x128xf32> -> vector<256x256xf32>
    %mul3A_27 = vector.broadcast %select_n3A : vector<256x1xf32> to vector<256x256xf32>
    %mul3A_28 = arith.mulf %mul3A_27, %concatenate3A : vector<256x256xf32>
    %get3A_29 = arith.constant 0 : index
    %get3A_30 = arith.constant 0 : index
    %get3A_31 = vector.load %arg3[%get3A_29, %get3A_30] : memref<256x256xf32, #tpu.memory_space<vmem>>, vector<256x256xf32>
    %dot_general3A = arith.constant dense<0.000000e+00> : vector<256x256xf32>
    %dot_general3A_32 = tpu.matmul %mul3A_28, %get3A_31, %dot_general3A {dimension_numbers = #tpu.dot_dimension_numbers<[1], [0], [0], [1], [0, 0, 1, 1], [], []>, precision = #tpu.contract_precision<fp32>, transpose_lhs_hint = false} : vector<256x256xf32>, vector<256x256xf32>, vector<256x256xf32> -> vector<256x256xf32>
    %get3A_33 = arith.constant 0 : index
    %get3A_34 = arith.constant 0 : index
    %get3A_35 = vector.load %arg4[%get3A_33, %get3A_34] : memref<1x256xf32, #tpu.memory_space<vmem>>, vector<1x256xf32>
    %add3A_36 = vector.broadcast %get3A_35 : vector<1x256xf32> to vector<256x256xf32>
    %add3A_37 = arith.addf %dot_general3A_32, %add3A_36 : vector<256x256xf32>
    %max3A = arith.constant 0.000000e+00 : f32
    %max3A_38 = vector.broadcast %max3A : f32 to vector<256x256xf32>
    %max3A_39 = arith.maximumf %add3A_37, %max3A_38 : vector<256x256xf32>
    %slice3A = vector.extract_strided_slice %max3A_39 {offsets = [0, 0], sizes = [256, 128], strides = [1, 1]} : vector<256x256xf32> to vector<256x128xf32>
    %mul3A_40 = vector.broadcast %select_n3A : vector<256x1xf32> to vector<256x128xf32>
    %mul3A_41 = arith.mulf %mul3A_40, %slice3A : vector<256x128xf32>
    %swap3A = arith.constant 0 : index
    %swap3A_42 = arith.constant 0 : index
    %swap3A_43 = arith.constant 0 : index
    %swap3A_44 = vector.load %arg5[%swap3A, %swap3A_42, %swap3A_43] : memref<2x256x128xf32, #tpu.memory_space<vmem>>, vector<1x256x128xf32>
    %swap3A_45 = vector.shape_cast %swap3A_44 : vector<1x256x128xf32> to vector<256x128xf32>
    %swap3A_46 = vector.shape_cast %mul3A_41 : vector<256x128xf32> to vector<1x256x128xf32>
    tpu.vector_store %arg5[%swap3A, %swap3A_42, %swap3A_43], %swap3A_46 {strides = array<i32>} : memref<2x256x128xf32, #tpu.memory_space<vmem>>, vector<1x256x128xf32>,
    %slice3A_47 = vector.extract_strided_slice %max3A_39 {offsets = [0, 128], sizes = [256, 128], strides = [1, 1]} : vector<256x256xf32> to vector<256x128xf32>
    %mul3A_48 = vector.broadcast %select_n3A : vector<256x1xf32> to vector<256x128xf32>
    %mul3A_49 = arith.mulf %mul3A_48, %slice3A_47 : vector<256x128xf32>
    %swap3A_50 = arith.constant 1 : index
    %swap3A_51 = arith.constant 0 : index
    %swap3A_52 = arith.constant 0 : index
    %swap3A_53 = vector.load %arg5[%swap3A_50, %swap3A_51, %swap3A_52] : memref<2x256x128xf32, #tpu.memory_space<vmem>>, vector<1x256x128xf32>
    %swap3A_54 = vector.shape_cast %swap3A_53 : vector<1x256x128xf32> to vector<256x128xf32>
    %swap3A_55 = vector.shape_cast %mul3A_49 : vector<256x128xf32> to vector<1x256x128xf32>
    tpu.vector_store %arg5[%swap3A_50, %swap3A_51, %swap3A_52], %swap3A_55 {strides = array<i32>} : memref<2x256x128xf32, #tpu.memory_space<vmem>>, vector<1x256x128xf32>,
    return
  }
  func.func @transform_0(%arg0: i32) -> (i32, i32, i32) {
    %c0_i32 = arith.constant 0 : i32
    %c0_i32_0 = arith.constant 0 : i32
    %c0_i32_1 = arith.constant 0 : i32
    return %c0_i32, %arg0, %c0_i32_0 : i32, i32, i32
  }
  func.func @transform_1(%arg0: i32) -> (i32, i32, i32) {
    %c0_i32 = arith.constant 0 : i32
    %c0_i32_0 = arith.constant 0 : i32
    %c0_i32_1 = arith.constant 0 : i32
    return %c0_i32, %arg0, %c0_i32_0 : i32, i32, i32
  }
  func.func @transform_2(%arg0: i32) -> (i32, i32) {
    %c0_i32 = arith.constant 0 : i32
    %c0_i32_0 = arith.constant 0 : i32
    %c0_i32_1 = arith.constant 0 : i32
    return %c0_i32, %c0_i32_0 : i32, i32
  }
  func.func @transform_3(%arg0: i32) -> (i32, i32) {
    %c0_i32 = arith.constant 0 : i32
    %c0_i32_0 = arith.constant 0 : i32
    %c0_i32_1 = arith.constant 0 : i32
    return %c0_i32, %c0_i32_0 : i32, i32
  }
  func.func @transform_4(%arg0: i32) -> (i32, i32, i32) {
    %c0_i32 = arith.constant 0 : i32
    %c0_i32_0 = arith.constant 0 : i32
    %c0_i32_1 = arith.constant 0 : i32
    return %c0_i32, %arg0, %c0_i32_0 : i32, i32, i32
  }
}

module attributes {stable_mosaic.version = 14 : i64} {
  func.func @body(%arg0: i32, %arg1: memref<2x256x128xf32, #tpu.memory_space<vmem>>, %arg2: memref<2x256x16xf32, #tpu.memory_space<vmem>>, %arg3: memref<256x256xf32, #tpu.memory_space<vmem>>, %arg4: memref<1x256xf32, #tpu.memory_space<vmem>>, %arg5: memref<1x1x256xi32, #tpu.memory_space<vmem>>, %arg6: memref<256x16xf32, #tpu.memory_space<vmem>>, %arg7: memref<1x16xf32, #tpu.memory_space<vmem>>, %arg8: memref<64x16xf32, #tpu.memory_space<vmem>>, %arg9: memref<64x256xf32, #tpu.memory_space<vmem>>, %arg10: memref<64x128xf32, #tpu.memory_space<vmem>>) attributes {dimension_semantics = [#tpu.dimension_semantics<arbitrary>], iteration_bounds = array<i64: 40>, scalar_prefetch = 0 : i64, scratch_operands = 2 : i64, tpu.core_type = #tpu.core_type<tc>, window_params = [{transform_indices = @transform_0, window_bounds = array<i64: 2, 256, 128>}, {transform_indices = @transform_1, window_bounds = array<i64: 2, 256, 16>}, {pipeline_mode = #tpu.pipeline_mode<synchronous>, transform_indices = @transform_2, window_bounds = array<i64: 256, 256>}, {pipeline_mode = #tpu.pipeline_mode<synchronous>, transform_indices = @transform_3, window_bounds = array<i64: 1, 256>}, {transform_indices = @transform_4, window_bounds = array<i64: 1, 1, 256>}, {pipeline_mode = #tpu.pipeline_mode<synchronous>, transform_indices = @transform_5, window_bounds = array<i64: 256, 16>}, {pipeline_mode = #tpu.pipeline_mode<synchronous>, transform_indices = @transform_6, window_bounds = array<i64: 1, 16>}, {pipeline_mode = #tpu.pipeline_mode<synchronous>, transform_indices = @transform_7, window_bounds = array<i64: 64, 16>}]} {
    %get3A = arith.constant 0 : index
    %get3A_0 = arith.constant 0 : index
    %get3A_1 = arith.constant 0 : index
    %get3A_2 = vector.load %arg2[%get3A, %get3A_0, %get3A_1] : memref<2x256x16xf32, #tpu.memory_space<vmem>>, vector<1x256x1xf32>
    %get3A_3 = vector.shape_cast %get3A_2 : vector<1x256x1xf32> to vector<256x1xf32>
    %get3A_4 = arith.constant 1 : index
    %get3A_5 = arith.constant 0 : index
    %get3A_6 = arith.constant 0 : index
    %get3A_7 = vector.load %arg2[%get3A_4, %get3A_5, %get3A_6] : memref<2x256x16xf32, #tpu.memory_space<vmem>>, vector<1x256x1xf32>
    %get3A_8 = vector.shape_cast %get3A_7 : vector<1x256x1xf32> to vector<256x1xf32>
    %add3A = arith.addf %get3A_3, %get3A_8 : vector<256x1xf32>
    %add3A_9 = arith.constant 1.000000e+00 : f32
    %add3A_10 = vector.broadcast %add3A_9 : f32 to vector<256x1xf32>
    %add3A_11 = arith.addf %add3A, %add3A_10 : vector<256x1xf32>
    %rsqrt3A = math.rsqrt %add3A_11 : vector<256x1xf32>
    %mul3A = arith.constant 256 : i32
    %mul3A_12 = arith.muli %arg0, %mul3A : i32
    %iota3A = tpu.iota {dimensions = array<i32: 0>} : vector<256x1xi32>
    %add3A_13 = vector.broadcast %mul3A_12 : i32 to vector<256x1xi32>
    %add3A_14 = arith.addi %add3A_13, %iota3A : vector<256x1xi32>
    %lt3A = arith.constant 10000 : i32
    %lt3A_15 = vector.broadcast %lt3A : i32 to vector<256x1xi32>
    %lt3A_16 = arith.cmpi slt, %add3A_14, %lt3A_15 : vector<256x1xi32>
    %jit3A = arith.constant 0.000000e+00 : f32
    %broadcast_in_dim3A = vector.broadcast %jit3A : f32 to vector<256x1xf32>
    %select_n3A = arith.select %lt3A_16, %rsqrt3A, %broadcast_in_dim3A : vector<256x1xi1>, vector<256x1xf32>
    %get3A_17 = arith.constant 0 : index
    %get3A_18 = arith.constant 0 : index
    %get3A_19 = arith.constant 0 : index
    %get3A_20 = vector.load %arg1[%get3A_17, %get3A_18, %get3A_19] : memref<2x256x128xf32, #tpu.memory_space<vmem>>, vector<1x256x128xf32>
    %get3A_21 = vector.shape_cast %get3A_20 : vector<1x256x128xf32> to vector<256x128xf32>
    %get3A_22 = arith.constant 1 : index
    %get3A_23 = arith.constant 0 : index
    %get3A_24 = arith.constant 0 : index
    %get3A_25 = vector.load %arg1[%get3A_22, %get3A_23, %get3A_24] : memref<2x256x128xf32, #tpu.memory_space<vmem>>, vector<1x256x128xf32>
    %get3A_26 = vector.shape_cast %get3A_25 : vector<1x256x128xf32> to vector<256x128xf32>
    %concatenate3A = tpu.concatenate %get3A_21, %get3A_26 in 1 : vector<256x128xf32>, vector<256x128xf32> -> vector<256x256xf32>
    %mul3A_27 = vector.broadcast %select_n3A : vector<256x1xf32> to vector<256x256xf32>
    %mul3A_28 = arith.mulf %mul3A_27, %concatenate3A : vector<256x256xf32>
    %get3A_29 = arith.constant 0 : index
    %get3A_30 = arith.constant 0 : index
    %get3A_31 = vector.load %arg3[%get3A_29, %get3A_30] : memref<256x256xf32, #tpu.memory_space<vmem>>, vector<256x256xf32>
    %dot_general3A = arith.constant dense<0.000000e+00> : vector<256x256xf32>
    %dot_general3A_32 = tpu.matmul %mul3A_28, %get3A_31, %dot_general3A {dimension_numbers = #tpu.dot_dimension_numbers<[1], [0], [0], [1], [0, 0, 1, 1], [], []>, precision = #tpu.contract_precision<fp32>, transpose_lhs_hint = false} : vector<256x256xf32>, vector<256x256xf32>, vector<256x256xf32> -> vector<256x256xf32>
    %get3A_33 = arith.constant 0 : index
    %get3A_34 = arith.constant 0 : index
    %get3A_35 = vector.load %arg4[%get3A_33, %get3A_34] : memref<1x256xf32, #tpu.memory_space<vmem>>, vector<1x256xf32>
    %add3A_36 = vector.broadcast %get3A_35 : vector<1x256xf32> to vector<256x256xf32>
    %add3A_37 = arith.addf %dot_general3A_32, %add3A_36 : vector<256x256xf32>
    %max3A = arith.constant 0.000000e+00 : f32
    %max3A_38 = vector.broadcast %max3A : f32 to vector<256x256xf32>
    %max3A_39 = arith.maximumf %add3A_37, %max3A_38 : vector<256x256xf32>
    %get3A_40 = arith.constant 0 : index
    %get3A_41 = arith.constant 0 : index
    %get3A_42 = arith.constant 0 : index
    %get3A_43 = vector.load %arg5[%get3A_40, %get3A_41, %get3A_42] : memref<1x1x256xi32, #tpu.memory_space<vmem>>, vector<1x1x256xi32>
    %get3A_44 = vector.shape_cast %get3A_43 : vector<1x1x256xi32> to vector<256xi32>
    %iota3A_45 = tpu.iota {dimensions = array<i32: 0>} : vector<64x256xi32>
    %broadcast_in_dim3A_46 = vector.shape_cast %get3A_44 : vector<256xi32> to vector<1x256xi32>
    %eq3A = vector.broadcast %broadcast_in_dim3A_46 : vector<1x256xi32> to vector<64x256xi32>
    %eq3A_47 = arith.cmpi eq, %iota3A_45, %eq3A : vector<64x256xi32>
    %convert_element_type3A = arith.extui %eq3A_47 : vector<64x256xi1> to vector<64x256xi32>
    %convert_element_type3A_48 = arith.sitofp %convert_element_type3A : vector<64x256xi32> to vector<64x256xf32>
    %dot_general3A_49 = arith.constant dense<0.000000e+00> : vector<64x256xf32>
    %dot_general3A_50 = tpu.matmul %convert_element_type3A_48, %max3A_39, %dot_general3A_49 {dimension_numbers = #tpu.dot_dimension_numbers<[1], [0], [0], [1], [0, 0, 1, 1], [], []>, precision = #tpu.contract_precision<fp32>, transpose_lhs_hint = false} : vector<64x256xf32>, vector<256x256xf32>, vector<64x256xf32> -> vector<64x256xf32>
    %reduce_sum3A = arith.constant dense<0.000000e+00> : vector<64xf32>
    %reduce_sum3A_51 = vector.multi_reduction <add>, %convert_element_type3A_48, %reduce_sum3A [1] : vector<64x256xf32> to vector<64xf32>
    %broadcast_in_dim3A_52 = vector.shape_cast %reduce_sum3A_51 : vector<64xf32> to vector<64x1xf32>
    %broadcast_in_dim3A_53 = vector.shape_cast %broadcast_in_dim3A_52 : vector<64x1xf32> to vector<64x1xf32>
    %broadcast_in_dim3A_54 = vector.broadcast %broadcast_in_dim3A_53 : vector<64x1xf32> to vector<64x128xf32>
    %eq3A_55 = arith.constant 0 : i32
    %eq3A_56 = arith.cmpi eq, %arg0, %eq3A_55 : i32
    %convert_element_type3A_57 = arith.extui %eq3A_56 : i1 to i32
    %cond3A = arith.constant 0 : i32
    %cond3A_58 = arith.cmpi ne, %convert_element_type3A_57, %cond3A : i32
    scf.if %cond3A_58 {
      %swap3A = arith.constant 0 : index
      %swap3A_68 = arith.constant 0 : index
      %swap3A_69 = vector.load %arg9[%swap3A, %swap3A_68] : memref<64x256xf32, #tpu.memory_space<vmem>>, vector<64x256xf32>
      tpu.vector_store %arg9[%swap3A, %swap3A_68], %dot_general3A_50 {strides = array<i32>} : memref<64x256xf32, #tpu.memory_space<vmem>>, vector<64x256xf32>,
      %swap3A_70 = arith.constant 0 : index
      %swap3A_71 = arith.constant 0 : index
      %swap3A_72 = vector.load %arg10[%swap3A_70, %swap3A_71] : memref<64x128xf32, #tpu.memory_space<vmem>>, vector<64x128xf32>
      tpu.vector_store %arg10[%swap3A_70, %swap3A_71], %broadcast_in_dim3A_54 {strides = array<i32>} : memref<64x128xf32, #tpu.memory_space<vmem>>, vector<64x128xf32>,
    } else {
    }
    %gt3A = arith.constant 0 : i32
    %gt3A_59 = arith.cmpi sgt, %arg0, %gt3A : i32
    %convert_element_type3A_60 = arith.extui %gt3A_59 : i1 to i32
    %cond3A_61 = arith.constant 0 : i32
    %cond3A_62 = arith.cmpi ne, %convert_element_type3A_60, %cond3A_61 : i32
    scf.if %cond3A_62 {
      %get3A_68 = arith.constant 0 : index
      %get3A_69 = arith.constant 0 : index
      %get3A_70 = vector.load %arg9[%get3A_68, %get3A_69] : memref<64x256xf32, #tpu.memory_space<vmem>>, vector<64x256xf32>
      %add3A_71 = arith.addf %get3A_70, %dot_general3A_50 : vector<64x256xf32>
      %swap3A = arith.constant 0 : index
      %swap3A_72 = arith.constant 0 : index
      %swap3A_73 = vector.load %arg9[%swap3A, %swap3A_72] : memref<64x256xf32, #tpu.memory_space<vmem>>, vector<64x256xf32>
      tpu.vector_store %arg9[%swap3A, %swap3A_72], %add3A_71 {strides = array<i32>} : memref<64x256xf32, #tpu.memory_space<vmem>>, vector<64x256xf32>,
      %get3A_74 = arith.constant 0 : index
      %get3A_75 = arith.constant 0 : index
      %get3A_76 = vector.load %arg10[%get3A_74, %get3A_75] : memref<64x128xf32, #tpu.memory_space<vmem>>, vector<64x128xf32>
      %add3A_77 = arith.addf %get3A_76, %broadcast_in_dim3A_54 : vector<64x128xf32>
      %swap3A_78 = arith.constant 0 : index
      %swap3A_79 = arith.constant 0 : index
      %swap3A_80 = vector.load %arg10[%swap3A_78, %swap3A_79] : memref<64x128xf32, #tpu.memory_space<vmem>>, vector<64x128xf32>
      tpu.vector_store %arg10[%swap3A_78, %swap3A_79], %add3A_77 {strides = array<i32>} : memref<64x128xf32, #tpu.memory_space<vmem>>, vector<64x128xf32>,
    } else {
    }
    %eq3A_63 = arith.constant 39 : i32
    %eq3A_64 = arith.cmpi eq, %arg0, %eq3A_63 : i32
    %convert_element_type3A_65 = arith.extui %eq3A_64 : i1 to i32
    %cond3A_66 = arith.constant 0 : i32
    %cond3A_67 = arith.cmpi ne, %convert_element_type3A_65, %cond3A_66 : i32
    scf.if %cond3A_67 {
      %get3A_68 = arith.constant 0 : index
      %get3A_69 = arith.constant 0 : index
      %get3A_70 = vector.load %arg9[%get3A_68, %get3A_69] : memref<64x256xf32, #tpu.memory_space<vmem>>, vector<64x256xf32>
      %get3A_71 = arith.constant 0 : index
      %get3A_72 = arith.constant 0 : index
      %get3A_73 = vector.load %arg10[%get3A_71, %get3A_72] : memref<64x128xf32, #tpu.memory_space<vmem>>, vector<64x1xf32>
      %max3A_74 = arith.constant 1.000000e+00 : f32
      %max3A_75 = vector.broadcast %max3A_74 : f32 to vector<64x1xf32>
      %max3A_76 = arith.maximumf %get3A_73, %max3A_75 : vector<64x1xf32>
      %div3A = vector.broadcast %max3A_76 : vector<64x1xf32> to vector<64x256xf32>
      %div3A_77 = arith.divf %get3A_70, %div3A : vector<64x256xf32>
      %get3A_78 = arith.constant 0 : index
      %get3A_79 = arith.constant 0 : index
      %get3A_80 = vector.load %arg6[%get3A_78, %get3A_79] : memref<256x16xf32, #tpu.memory_space<vmem>>, vector<256x16xf32>
      %dot_general3A_81 = arith.constant dense<0.000000e+00> : vector<64x16xf32>
      %dot_general3A_82 = tpu.matmul %div3A_77, %get3A_80, %dot_general3A_81 {dimension_numbers = #tpu.dot_dimension_numbers<[1], [0], [0], [1], [0, 0, 1, 1], [], []>, precision = #tpu.contract_precision<fp32>, transpose_lhs_hint = false} : vector<64x256xf32>, vector<256x16xf32>, vector<64x16xf32> -> vector<64x16xf32>
      %get3A_83 = arith.constant 0 : index
      %get3A_84 = arith.constant 0 : index
      %get3A_85 = vector.load %arg7[%get3A_83, %get3A_84] : memref<1x16xf32, #tpu.memory_space<vmem>>, vector<1x16xf32>
      %add3A_86 = vector.broadcast %get3A_85 : vector<1x16xf32> to vector<64x16xf32>
      %add3A_87 = arith.addf %dot_general3A_82, %add3A_86 : vector<64x16xf32>
      %swap3A = arith.constant 0 : index
      %swap3A_88 = arith.constant 0 : index
      %swap3A_89 = vector.load %arg8[%swap3A, %swap3A_88] : memref<64x16xf32, #tpu.memory_space<vmem>>, vector<64x16xf32>
      tpu.vector_store %arg8[%swap3A, %swap3A_88], %add3A_87 {strides = array<i32>} : memref<64x16xf32, #tpu.memory_space<vmem>>, vector<64x16xf32>,
    } else {
    }
    return
  }
  func.func @transform_0(%arg0: i32) -> (i32, i32, i32) {
    %c0_i32 = arith.constant 0 : i32
    %c0_i32_0 = arith.constant 0 : i32
    %c0_i32_1 = arith.constant 0 : i32
    return %c0_i32, %arg0, %c0_i32_0 : i32, i32, i32
  }
  func.func @transform_1(%arg0: i32) -> (i32, i32, i32) {
    %c0_i32 = arith.constant 0 : i32
    %c0_i32_0 = arith.constant 0 : i32
    %c0_i32_1 = arith.constant 0 : i32
    return %c0_i32, %arg0, %c0_i32_0 : i32, i32, i32
  }
  func.func @transform_2(%arg0: i32) -> (i32, i32) {
    %c0_i32 = arith.constant 0 : i32
    %c0_i32_0 = arith.constant 0 : i32
    %c0_i32_1 = arith.constant 0 : i32
    return %c0_i32, %c0_i32_0 : i32, i32
  }
  func.func @transform_3(%arg0: i32) -> (i32, i32) {
    %c0_i32 = arith.constant 0 : i32
    %c0_i32_0 = arith.constant 0 : i32
    %c0_i32_1 = arith.constant 0 : i32
    return %c0_i32, %c0_i32_0 : i32, i32
  }
  func.func @transform_4(%arg0: i32) -> (i32, i32, i32) {
    %c0_i32 = arith.constant 0 : i32
    %c0_i32_0 = arith.constant 0 : i32
    %c0_i32_1 = arith.constant 0 : i32
    return %arg0, %c0_i32, %c0_i32_0 : i32, i32, i32
  }
  func.func @transform_5(%arg0: i32) -> (i32, i32) {
    %c0_i32 = arith.constant 0 : i32
    %c0_i32_0 = arith.constant 0 : i32
    %c0_i32_1 = arith.constant 0 : i32
    return %c0_i32, %c0_i32_0 : i32, i32
  }
  func.func @transform_6(%arg0: i32) -> (i32, i32) {
    %c0_i32 = arith.constant 0 : i32
    %c0_i32_0 = arith.constant 0 : i32
    %c0_i32_1 = arith.constant 0 : i32
    return %c0_i32, %c0_i32_0 : i32, i32
  }
  func.func @transform_7(%arg0: i32) -> (i32, i32) {
    %c0_i32 = arith.constant 0 : i32
    %c0_i32_0 = arith.constant 0 : i32
    %c0_i32_1 = arith.constant 0 : i32
    return %c0_i32, %c0_i32_0 : i32, i32
  }
}

</mosaic_0001>

<sc_bundles>
// kernel: kernel.10.cloned.1.call-start
scs
__scs_entry_jumppad:
0x0: {  	(pc) =	sbr.rel $0x88, $3  }
0x1: {  	(tag) =	ssettag $0x0;
	lr =	simm.s32 $0x1  }
0x2: {  	[smem:$0x3F96] =	sst lr;
	_ =	strace $0xD0000000  }
0x3: {  	_ = 	snop  }
0x4: {  	_ = 	snop  }
0x5: {  	_ = 	snop  }
0x6: {  	_ = 	snop  }
0x7: {  	_ = 	snop  }
__scs_overlays_trampoline_lowered:
0x8: {  	[smem:$0x3FA5] =	sst s0  }
0x9: {  	[smem:$0x3FA6] =	sst s1  }
0xa: {  	[smem:$0x3FA7] =	sst s2  }
0xb: {  	[smem:$0x3FA8] =	sst s3  }
0xc: {  	[smem:$0x3FA9] =	sst s4  }
0xd: {  	[smem:$0x3FAA] =	sst s5  }
0xe: {  	[smem:$0x3FAB] =	sst s6  }
0xf: {  	[smem:$0x3FAC] =	sst s7  }
0x10: {  	[smem:$0x3FAD] =	sst s8  }
0x11: {  	[smem:$0x3FAE] =	sst s9;
	s0 =	simm.s32 @!p0 $0x0  }
0x12: {  	s1 =	sld [smem:$0x3F94];
	s0 =	simm.s32 @p0 $0x1  }
0x13: {  	[smem:$0x3FAF] =	sst s0;
	s0 =	simm.s32 @!p1 $0x0  }
0x14: {  	s2 =	sld [smem:$0x3F93];
	s0 =	simm.s32 @p1 $0x1  }
0x15: {  	[smem:$0x3FB0] =	sst s0;
	s0 =	simm.s32 @!p2 $0x0  }
0x16: {  	s3 =	sld [smem:$0x3FDB];
	s0 =	simm.s32 @p2 $0x1  }
0x17: {  	s4 =	simm.s32 $0x1BF5;
	[smem:$0x3FB2] =	sst s0  }
0x18: {  	s0 =	sld [smem:$0x3F95];
	_ =	swait.ge [sflag:s4], $0x0  }
0x19: {  	s7 =	sld [smem:$0x3F96]  }
0x1a: {  	s8 =	sadd.s32 $0xFFFFE003, lr  }
0x1b: {  	s9 =	sadd.s32 $0xFFFFFEF7, lr;
	s5 =	simm.s32 $0xFFFFFFFF;
	p2 =	slt.u32 s8, $0xFFFFF086  }
0x1c: {  	p1 =	slt.u32 s9, $0xF7A;
	s5 =	simm.s32 @!p2 $0x0  }
0x1d: {  	s5 =	simm.s32 @p1 $0x1;
	p0 =	seq.s32 s7, s2  }
0x1e: {  	s7 =	smul.u32 @!p0 $0xF7A, s2;
	p2 =	seq.s32 @!p0 s5, $0x0  }
0x1f: {  	s9 =	smul.u32 $0xF7A, s1;
	s8 =	simm.s32 @!p0 $0x1BF5;
	p2 =	por !p2, p0  }
0x20: {  	[sflag:s8] =	ssyncset.s32 @!p0 $0xFFFFF086;
	s6 =	sadd.s32 @!p0 s3, s7;
	s7 =	simm.s32 @!p0 $0x108  }
0x21: {  	s3 =	sadd.s32 s3, s9;
	s6 =	sadd.s32 @!p0 $0x88, s6;
	s7 =	simm.s32 @p2 $0x1082  }
0x22: {  	[simem:s7], [sflag:s8] =	dma.local @!p0 [hbm:s6], $0xF7A  }
0x23: {  	s9 =	sor.u32 $0xD0000000, s2;
	s6 =	simm.s32 $0x108;
	_ =	swait.ge @!p0 [sflag:s8], $0x0  }
0x24: {  	s3 =	sadd.s32 $0x88, s3;
	s6 =	simm.s32 @!p1 $0x1082;
	[sflag:s4] =	ssyncset.s32 $0xFFFFF086  }
0x25: {  	[simem:s6], [sflag:s4] =	dma.local [hbm:s3], $0xF7A  }
0x26: {  	[smem:$0x3F96] =	sst s1;
	(tag) =	ssettag s2;
	_ =	strace s9  }
0x27: {  	s1 =	sld [smem:$0x3FA6]  }
0x28: {  	s2 =	sld [smem:$0x3FA7]  }
0x29: {  	s4 =	sld [smem:$0x3FA9]  }
0x2a: {  	p0 =	seq.s32 s5, $0x0;
	s5 =	sld [smem:$0x3FAA]  }
0x2b: {  	s6 =	sld [smem:$0x3FAB]  }
0x2c: {  	s7 =	sld [smem:$0x3FAC]  }
0x2d: {  	s3 =	simm.s32 $0x108;
	s8 =	sld [smem:$0x3FAD]  }
0x2e: {  	s3 =	simm.s32 @!p0 $0x1082;
	s9 =	sld [smem:$0x3FAE]  }
0x2f: {  	lr =	sadd.s32 s0, s3;
	s0 =	sld [smem:$0x3FA5]  }
0x30: {  	s3 =	sld [smem:$0x3FA8]  }
0x31: {  	[smem:$0x3FB1] =	sst s10  }
0x32: {  	s10 =	sld [smem:$0x3FAF];
	_ =	sdelay $0x3  }
0x33: {  	p0 =	seq.s32 s10, $0x1;
	s10 =	sld [smem:$0x3FB1];
	_ =	sdelay $0x3  }
0x34: {  	[smem:$0x3FB1] =	sst s10  }
0x35: {  	s10 =	sld [smem:$0x3FB0];
	_ =	sdelay $0x3  }
0x36: {  	p1 =	seq.s32 s10, $0x1;
	s10 =	sld [smem:$0x3FB1];
	_ =	sdelay $0x3  }
0x37: {  	[smem:$0x3FB1] =	sst s10  }
0x38: {  	s10 =	sld [smem:$0x3FB2]  }
0x39: {  	_ = 	snop;
	(pc) =	sbr.ind lr, $3  }
0x3a: {  	_ = 	snop  }
0x3b: {  	_ = 	snop  }
0x3c: {  	p2 =	seq.s32 s10, $0x1;
	s10 =	sld [smem:$0x3FB1]  }
0x3d: {  	_ =	shalt  }
0x3e: {  	_ =	shalt  }
0x3f: {  	_ =	shalt  }
0x40: {  	_ =	shalt  }
0x41: {  	_ =	shalt  }
0x42: {  	_ =	shalt  }
0x43: {  	_ =	shalt  }
0x44: {  	_ =	shalt  }
0x45: {  	_ =	shalt  }
0x46: {  	_ =	shalt  }
0x47: {  	_ =	shalt  }
0x48: {  	_ =	shalt  }
0x49: {  	_ =	shalt  }
0x4a: {  	_ =	shalt  }
0x4b: {  	_ =	shalt  }
0x4c: {  	_ =	shalt  }
0x4d: {  	_ =	shalt  }
0x4e: {  	_ =	shalt  }
0x4f: {  	_ =	shalt  }
0x50: {  	_ =	shalt  }
0x51: {  	_ =	shalt  }
0x52: {  	_ =	shalt  }
0x53: {  	_ =	shalt  }
0x54: {  	_ =	shalt  }
0x55: {  	_ =	shalt  }
0x56: {  	_ =	shalt  }
0x57: {  	_ =	shalt  }
0x58: {  	_ =	shalt  }
0x59: {  	_ =	shalt  }
0x5a: {  	_ =	shalt  }
0x5b: {  	_ =	shalt  }
0x5c: {  	_ =	shalt  }
0x5d: {  	_ =	shalt  }
0x5e: {  	_ =	shalt  }
0x5f: {  	_ =	shalt  }
0x60: {  	_ =	shalt  }
0x61: {  	_ =	shalt  }
0x62: {  	_ =	shalt  }
0x63: {  	_ =	shalt  }
0x64: {  	_ =	shalt  }
0x65: {  	_ =	shalt  }
0x66: {  	_ =	shalt  }
0x67: {  	_ =	shalt  }
0x68: {  	_ =	shalt  }
0x69: {  	_ =	shalt  }
0x6a: {  	_ =	shalt  }
0x6b: {  	_ =	shalt  }
0x6c: {  	_ =	shalt  }
0x6d: {  	_ =	shalt  }
0x6e: {  	_ =	shalt  }
0x6f: {  	_ =	shalt  }
0x70: {  	_ =	shalt  }
0x71: {  	_ =	shalt  }
0x72: {  	_ =	shalt  }
0x73: {  	_ =	shalt  }
0x74: {  	_ =	shalt  }
0x75: {  	_ =	shalt  }
0x76: {  	_ =	shalt  }
0x77: {  	_ =	shalt  }
0x78: {  	_ =	shalt  }
0x79: {  	_ =	shalt  }
0x7a: {  	_ =	shalt  }
0x7b: {  	_ =	shalt  }
0x7c: {  	_ =	shalt  }
0x7d: {  	_ =	shalt  }
0x7e: {  	_ =	shalt  }
0x7f: {  	_ =	shalt  }
0x80: {  	_ =	shalt  }
0x81: {  	_ =	shalt  }
0x82: {  	_ =	shalt  }
0x83: {  	_ =	shalt  }
0x84: {  	_ =	shalt  }
0x85: {  	_ =	shalt  }
0x86: {  	_ =	shalt  }
0x87: {  	_ =	shalt  }
.Lfunc_end0:
.L_simem_size_0:
called_computation_lowered:
.L_overlay_start_0:
0x88: {  	s2 =	sld [smem:$0x3FD9]  }
0x89: {  	s3 =	sld [smem:$0x3FFE];
	_ =	sdelay $0x1  }
0x8a: {  	s1 =	srdreg.scid  }
0x8b: {  	s0 =	sand.u32 $0x1, s1  }
0x8c: {  	s16 =	sshll.u32 s0, $0xA;
	s2 =	sadd.s32 s3, s2  }
0x8d: {  	s2 =	sadd.s32 s2, s16  }
0x8e: {  	[smem:$0x3FBD] =	sst s2  }
0x8f: {  	_ = 	snop  }
0x90: {  	(tm) =	ssettm $0x1  }
0x91: {  	s17 =	sld [smem:$0x3FFB];
	_ =	sdelay $0x3  }
0x92: {  	_ =	strace s17  }
0x93: {  	s2 =	sld [smem:$0x3FFC];
	_ =	sdelay $0x3  }
0x94: {  	_ =	strace s2  }
0x95: {  	s2 =	sld [smem:$0x3FFD];
	_ =	sdelay $0x3  }
0x96: {  	_ =	strace s2  }
0x97: {  	_ =	strace $0x8FFFFFFF  }
0x98: {  	s18 =	sld [smem:$0x3FDB];
	_ =	sdelay $0x1  }
0x99: {  	s19 =	simm.s32 $_scs_section_size  }
0x9a: {  	s4 =	simm.s32 $_size__tile_overlayer_lowered;
	s5 =	simm.s32 $_tile_overlayer_lowered  }
0x9b: {  	s22 =	simm.s32 $0x1BFF;
	s21 =	sshll.u32 s5, $0x1;
	s2 =	sadd.s32 s19, s18  }
0x9c: {  	s6 =	simm.s32 $0x0;
	s20 =	sshll.u32 s4, $0x1;
	s4 =	sadd.s32 s21, s2  }
0x9d: {  	[timem:s6], [sflag:s22] =	dma.local [hbm:s4], s20  }
0x9e: {  	_ =	swait.ge [sflag:s22], s20  }
0x9f: {  	s3 =	ssub.s32 $0x0, s20;
	[sflag:s22] =	ssyncset.done $0x0  }
0xa0: {  	[sflag:s22] =	ssyncadd.s32 s3;
	_ =	sdelay $0x1  }
0xa1: {  	s23 =	simm.s32 $0x1B8B  }
0xa2: {  	_ =	swait.ge [sflag:s23], $0x1  }
0xa3: {  	[sflag:s23] =	ssyncset.done $0x0  }
0xa4: {  	s25 =	simm.s32 $0x1B8E;
	s24 =	sld [smem:$0x3FFE];
	[sflag:s23] =	ssyncadd.s32 $0xFFFFFFFF  }
0xa5: {  	s26 =	simm.s32 $execute0_lowered;
	[smem:$0x3FD2] =	sst s25  }
0xa6: {  	s4 =	sshll.u32 s26, $0x1;
	_ =	strace $0x80000046;
	[dreg:$0x1] =	wrdreg $0xFFFFFFFF  }
0xa7: {  	s28 =	simm.s32 $_size_execute0_lowered;
	s2 =	sadd.s32 s2, s4;
	[dreg:$0x0] =	wrdreg $0x0  }
0xa8: {  	s4 =	sshll.u32 s28, $0x1;
	[dreg:$0x2] =	wrdreg s2  }
0xa9: {  	[dreg:$0x3] =	wrdreg s4  }
0xaa: {  	[dreg:$0x4] =	wrdreg $0xC0  }
0xab: {  	_ =	task [dreg:s6], $0x5FFFF  }
0xac: {  	[dreg:$0x1] =	wrdreg $0xFFFFFFFF  }
0xad: {  	[dreg:$0x0] =	wrdreg $0x60  }
0xae: {  	[dreg:$0x2] =	wrdreg s24  }
0xaf: {  	[dreg:$0x3] =	wrdreg $0x30000  }
0xb0: {  	[dreg:$0x4] =	wrdreg $0x9  }
0xb1: {  	_ =	task.clear_ibuf [dreg:s6], $0x5FFFF;
	_ =	strace $0x90000046  }
0xb2: {  	s29 =	simm.s32 $0x9;
	_ =	strace $0x80000048  }
0xb3: {  	_ =	swait.ge [sflag:s29], $0x1  }
0xb4: {  	[sflag:s29] =	ssyncadd.s32 $0xFFFFFFFF  }
0xb5: {  	_ =	strace $0x90000048  }
0xb6: {  	_ =	sfence  }
0xb7: {  	s30 =	sld [smem:$0x0];
	_ =	sdelay $0x2  }
0xb8: {  	s31 =	sshll.u32 s1, $0xD;
	s1 =	sshrl.u32 s1, $0x2  }
0xb9: {  	s3 =	sand.u32 $0x4000, s31;
	s1 =	sadd.s32 s1, s30  }
0xba: {  	s0 =	sor.u32 s3, s0;
	s1 =	sshll.u32 s1, $0x11  }
0xbb: {  	s0 =	sor.u32 s1, s0  }
0xbc: {  	s0 =	sadd.s32 $0x8F2B, s0  }
0xbd: {  	[sflag:s0] =	ssyncadd.remote.s32 $0x1  }
0xbe: {  	_ =	sfence.sel $0xFFFF  }
0xbf: {  	[dreg:$0x0] =	wrdreg $0xFFFFFFFF;
	(pc) =	sbr.abs _section_cstart, $3  }
0xc0: {  	[dreg:$0x1] =	wrdreg $0xFFFFFFFF  }
0xc1: {  	_ =	task.clear_ibuf [dreg:s6], $0x2FFFF;
	_ =	strace $0x9FFFFFFF  }
0xc2: {  	(tm) =	ssettm $0x7FFFFFFF  }
0xc3: {  	_ =	shalt  }
tec
execute0_lowered:
.L_overlay_start_1:
0x0: {  	(tag) =	ssettag $0x1  }
0x1: {  	s4 =	rddreg [dreg:$0x0]  }
0x2: {  	s1 =	rddreg [dreg:$0x1]  }
0x3: {  	s2 =	srdreg.scid;
	s0 =	rddreg [dreg:$0x2];
	s3 =	simm.s32 $0x0  }
0x4: {  	s12 =	simm.s32 $0x2800;
	s13 =	simm.s32 $0x1;
	s5 =	sand.u32 $0x1, s2  }
0x5: {  	s14 =	simm.s32 $0x80;
	s2 =	stileid.u32;
	s7 =	smul.u32 $0x28000, s5  }
0x6: {  	[smem:$0x7FF] =	sst s3;
	s6 =	sshll.u32 s5, $0x4;
	s8 =	smul.u32 $0x2800, s2  }
0x7: {  	_ =	strace $0x80000047;
	s5 =	ssub.s32 $0x2, s5;
	s9 =	smul.u32 $0xA000, s2  }
0x8: {  	s15 =	sshll.u32 s2, $0x6;
	s6 =	sor.u32 s2, s6;
	s10 =	sshrl.u32 s5, $0x1  }
0x9: {  	s15 =	sor.u32 $0x1C01, s15;
	s6 =	smul.u32 $0x500, s6;
	s7 =	sadd.s32 s8, s7  }
0xa: {  	s10 =	ssub.s32 s5, s10;
	s31 =	sshrl.u32 s9, $0x2;
	s16 =	sadd.s32 s8, s1  }
0xb: {  	s7 =	sshrl.u32 s7, $0x3;
	s16 =	sshrl.u32 s16, $0x3;
	s6 =	sadd.s32 s6, s4  }
0xc: {  	s7 =	sadd.s32 s7, s4;
	s4 =	sadd.s32 s31, s1;
	s5 =	sadd.s32 $0x3E00, s6  }
0xd: {  	s6 =	sadd.s32 $0xDE00, s7;
	s7 =	smax.u32 s10, $0x1;
	s8 =	sadd.s32 $0x800, s4  }
0xe: {  	v0 =	vimm.f32 $0.0e+00;
	v1 =	vimm.f32 $1.000000000e+00;
	s9 =	sadd.s32 $0x1000, s4;
	s10 =	sadd.s32 $0x1800, s4;
	s11 =	sadd.s32 $0x2000, s4  }
.LBB2_1:
0xf: {  	s17 =	simm.s32 $0x40;
	s18 =	simm.s32 $0x0  }
.LBB2_2:
0x10: {  	p0 =	sne.s32 s17, $0x1FC0;
	[tilespmem:s18+$0x2800] =	vst v0;
	s18 =	smov.u32 s17;
	s17 =	sadd.s32 $0x40, s17  }
.Ltmp0:
0x11: {  	(pc) =	sbr.rel @p0 .LBB2_2-.Ltmp0, $2  }
0x12: {  	_ =	sdelay $0x2  }
0x13: {  	s18 =	sshra.s32 s18, $0x2  }
0x14: {  	[tilespmem:s18+$0x2800] =	vst v0  }
0x15: {  	[spmem:s4] =	stream.linear.scatter [tilespmem:s12], [sflag:$0x1], $0x800, $0x38;
	[tilespmem:$0x5800] =	vst v63  }
0x16: {  	_ =	swait.ge [sflag:s13], $0x800  }
0x17: {  	[sflag:s13] =	ssyncset.done $0x0  }
0x18: {  	[sflag:s13] =	ssyncadd.s32 $0xFFFFF800  }
0x19: {  	[spmem:s8] =	stream.linear.scatter [tilespmem:s12], [sflag:$0x1], $0x800, $0x38;
	[tilespmem:$0x5800] =	vst v63  }
0x1a: {  	_ =	swait.ge [sflag:s13], $0x800  }
0x1b: {  	[sflag:s13] =	ssyncset.done $0x0  }
0x1c: {  	[sflag:s13] =	ssyncadd.s32 $0xFFFFF800  }
0x1d: {  	[spmem:s9] =	stream.linear.scatter [tilespmem:s12], [sflag:$0x1], $0x800, $0x38;
	[tilespmem:$0x5800] =	vst v63  }
0x1e: {  	_ =	swait.ge [sflag:s13], $0x800  }
0x1f: {  	[sflag:s13] =	ssyncset.done $0x0  }
0x20: {  	[sflag:s13] =	ssyncadd.s32 $0xFFFFF800  }
0x21: {  	[spmem:s10] =	stream.linear.scatter [tilespmem:s12], [sflag:$0x1], $0x800, $0x38;
	[tilespmem:$0x5800] =	vst v63  }
0x22: {  	_ =	swait.ge [sflag:s13], $0x800  }
0x23: {  	[sflag:s13] =	ssyncset.done $0x0  }
0x24: {  	[sflag:s13] =	ssyncadd.s32 $0xFFFFF800  }
0x25: {  	[spmem:s11] =	stream.linear.scatter [tilespmem:s12], [sflag:$0x1], $0x800, $0x38;
	[tilespmem:$0x5800] =	vst v63  }
0x26: {  	_ =	swait.ge [sflag:s13], $0x800  }
0x27: {  	[sflag:s13] =	ssyncset.done $0x0  }
0x28: {  	s17 =	simm.s32 $0x40;
	s18 =	simm.s32 $0x0;
	[sflag:s13] =	ssyncadd.s32 $0xFFFFF800  }
.LBB2_4:
0x29: {  	p0 =	sne.s32 s17, $0x1FC0;
	[tilespmem:s18+$0x2800] =	vst v1;
	s18 =	smov.u32 s17;
	s17 =	sadd.s32 $0x40, s17  }
.Ltmp1:
0x2a: {  	(pc) =	sbr.rel @p0 .LBB2_4-.Ltmp1, $2  }
0x2b: {  	_ =	sdelay $0x2  }
0x2c: {  	s18 =	sshra.s32 s18, $0x2  }
0x2d: {  	[tilespmem:s18+$0x2800] =	vst v1;
	s17 =	simm.s32 $0x0  }
0x2e: {  	[tilespmem:s17], [sflag:$0x1] =	stream.linear.gather [hbm4b:s5+s17], $0x2800, $0x38;
	[tilespmem:$0x5800] =	vst v63  }
0x2f: {  	_ =	swait.ge [sflag:s13], $0x2800  }
0x30: {  	[sflag:s13] =	ssyncset.done $0x0  }
0x31: {  	[sflag:s13] =	ssyncadd.s32 $0xFFFFD800  }
0x32: {  	s31 =	simm.s32 $0x0;
	[bflag:$0x0] =	sbarrier.arrive $0xFFFF  }
0x33: {  	[spmem:s1] =	stream.indirect.scatter.add.f32 [tilespmem:s12], [sflag:$0x1], $0x10, s31, s14, $0xb8;
	[tilespmem:$0x5800] =	vst v63  }
0x34: {  	_ =	swait.ge [sflag:s13], $0x800  }
0x35: {  	s17 =	simm.s32 $0x200;
	[sflag:s13] =	ssyncset.done $0x0  }
.LBB2_6:
0x36: {  	s18 =	sshra.s32 s17, $0x2;
	[sflag:s13] =	ssyncadd.s32 $0xFFFFF800;
	p0 =	sne.s32 s17, $0x9E00  }
0x37: {  	[spmem:s1] =	stream.indirect.scatter.add.f32 [tilespmem:s12], [sflag:$0x1], $0x10, s18, s14, $0xb8;
	[tilespmem:$0x5800] =	vst v63  }
.Ltmp2:
0x38: {  	_ = 	snop;
	(pc) =	sbr.rel @p0 .LBB2_6-.Ltmp2, $4  }
0x39: {  	_ = 	snop  }
0x3a: {  	s17 =	sadd.s32 $0x200, s17  }
0x3b: {  	_ =	swait.ge [sflag:s13], $0x800  }
0x3c: {  	[sflag:s13] =	ssyncset.done $0x0  }
0x3d: {  	s3 =	sadd.s32 $0x1, s3  }
0x3e: {  	[sflag:s13] =	ssyncadd.s32 $0xFFFFF800;
	p0 =	sne.s32 s3, s7  }
.Ltmp3:
0x3f: {  	[bflag:$0x0] =	sbarrier.arrive $0xFFFF;
	(pc) =	sbr.rel @p0 .LBB2_1-.Ltmp3, $4  }
0x40: {  	[hbm:s6], [sflag:s15] =	dma.local [spmem:s16], $0x500  }
0x41: {  	_ =	swait.ge [sflag:s13], $0x500  }
0x42: {  	[sflag:s13] =	ssyncset.done $0x0  }
0x43: {  	[sflag:s13] =	ssyncadd.s32 $0xFFFFFB00  }
0x44: {  	_ =	sfence.sel $0x180000  }
0x45: {  	[bflag:$0x0] =	sbarrier.arrive $0xFFFF  }
0x46: {  	p0 =	sne.s32 s2, $0x0;
	_ =	strace $0x90000047  }
0x47: {  	s0 =	sadd.s32 @!p0 $0x100000, s0;
	[bflag:$0x2] =	sbarrier.arrive $0xFFFF  }
0x48: {  	[sflag:s0] =	ssyncadd.tile.s32 @!p0 $0x1;
	_ =	shalt  }
.Lfunc_end2:
_tile_overlayer_lowered:
.L_overlay_start_2:
0x49: {  	(tag) =	ssettag $0x2  }
0x4a: {  	s0 =	rddreg [dreg:$0x0];
	s2 =	stileid.u32  }
0x4b: {  	s1 =	rddreg [dreg:$0x1];
	p0 =	sne.s32 s2, $0x0  }
0x4c: {  	s3 =	rddreg [dreg:$0x2];
	[bflag:$0x3] =	sbarrier.arrive $0xFFFF;
	s2 =	simm.s32 @!p0 $0x1C01  }
0x4d: {  	[timem:s3], [sflag:s2] =	dma.local @!p0 [hbm:s0], s1  }
0x4e: {  	s0 =	simm.s32 @!p0 $0x1  }
0x4f: {  	_ =	swait.ge @!p0 [sflag:s0], s1  }
0x50: {  	s1 =	ssub.s32 @!p0 $0x0, s1;
	[sflag:s0] =	ssyncset.done @!p0 $0x0  }
0x51: {  	[sflag:s0] =	ssyncadd.s32 @!p0 s1  }
0x52: {  	[bflag:$0x3] =	sbarrier.arrive $0xFFFF  }
0x53: {  	_ =	shalt  }

// kernel: kernel.13.cloned.1.call-start
scs
__scs_entry_jumppad:
0x0: {  	(pc) =	sbr.rel $0x88, $3  }
0x1: {  	(tag) =	ssettag $0x0;
	lr =	simm.s32 $0x1  }
0x2: {  	[smem:$0x3F96] =	sst lr;
	_ =	strace $0xD0000000  }
0x3: {  	_ = 	snop  }
0x4: {  	_ = 	snop  }
0x5: {  	_ = 	snop  }
0x6: {  	_ = 	snop  }
0x7: {  	_ = 	snop  }
__scs_overlays_trampoline_lowered:
0x8: {  	[smem:$0x3FA5] =	sst s0  }
0x9: {  	[smem:$0x3FA6] =	sst s1  }
0xa: {  	[smem:$0x3FA7] =	sst s2  }
0xb: {  	[smem:$0x3FA8] =	sst s3  }
0xc: {  	[smem:$0x3FA9] =	sst s4  }
0xd: {  	[smem:$0x3FAA] =	sst s5  }
0xe: {  	[smem:$0x3FAB] =	sst s6  }
0xf: {  	[smem:$0x3FAC] =	sst s7  }
0x10: {  	[smem:$0x3FAD] =	sst s8  }
0x11: {  	[smem:$0x3FAE] =	sst s9;
	s0 =	simm.s32 @!p0 $0x0  }
0x12: {  	s1 =	sld [smem:$0x3F94];
	s0 =	simm.s32 @p0 $0x1  }
0x13: {  	[smem:$0x3FAF] =	sst s0;
	s0 =	simm.s32 @!p1 $0x0  }
0x14: {  	s2 =	sld [smem:$0x3F93];
	s0 =	simm.s32 @p1 $0x1  }
0x15: {  	[smem:$0x3FB0] =	sst s0;
	s0 =	simm.s32 @!p2 $0x0  }
0x16: {  	s3 =	sld [smem:$0x3FDB];
	s0 =	simm.s32 @p2 $0x1  }
0x17: {  	s4 =	simm.s32 $0x1BF5;
	[smem:$0x3FB2] =	sst s0  }
0x18: {  	s0 =	sld [smem:$0x3F95];
	_ =	swait.ge [sflag:s4], $0x0  }
0x19: {  	s7 =	sld [smem:$0x3F96]  }
0x1a: {  	s8 =	sadd.s32 $0xFFFFE003, lr  }
0x1b: {  	s9 =	sadd.s32 $0xFFFFFEF7, lr;
	s5 =	simm.s32 $0xFFFFFFFF;
	p2 =	slt.u32 s8, $0xFFFFF086  }
0x1c: {  	p1 =	slt.u32 s9, $0xF7A;
	s5 =	simm.s32 @!p2 $0x0  }
0x1d: {  	s5 =	simm.s32 @p1 $0x1;
	p0 =	seq.s32 s7, s2  }
0x1e: {  	s7 =	smul.u32 @!p0 $0xF7A, s2;
	p2 =	seq.s32 @!p0 s5, $0x0  }
0x1f: {  	s9 =	smul.u32 $0xF7A, s1;
	s8 =	simm.s32 @!p0 $0x1BF5;
	p2 =	por !p2, p0  }
0x20: {  	[sflag:s8] =	ssyncset.s32 @!p0 $0xFFFFF086;
	s6 =	sadd.s32 @!p0 s3, s7;
	s7 =	simm.s32 @!p0 $0x108  }
0x21: {  	s3 =	sadd.s32 s3, s9;
	s6 =	sadd.s32 @!p0 $0x88, s6;
	s7 =	simm.s32 @p2 $0x1082  }
0x22: {  	[simem:s7], [sflag:s8] =	dma.local @!p0 [hbm:s6], $0xF7A  }
0x23: {  	s9 =	sor.u32 $0xD0000000, s2;
	s6 =	simm.s32 $0x108;
	_ =	swait.ge @!p0 [sflag:s8], $0x0  }
0x24: {  	s3 =	sadd.s32 $0x88, s3;
	s6 =	simm.s32 @!p1 $0x1082;
	[sflag:s4] =	ssyncset.s32 $0xFFFFF086  }
0x25: {  	[simem:s6], [sflag:s4] =	dma.local [hbm:s3], $0xF7A  }
0x26: {  	[smem:$0x3F96] =	sst s1;
	(tag) =	ssettag s2;
	_ =	strace s9  }
0x27: {  	s1 =	sld [smem:$0x3FA6]  }
0x28: {  	s2 =	sld [smem:$0x3FA7]  }
0x29: {  	s4 =	sld [smem:$0x3FA9]  }
0x2a: {  	p0 =	seq.s32 s5, $0x0;
	s5 =	sld [smem:$0x3FAA]  }
0x2b: {  	s6 =	sld [smem:$0x3FAB]  }
0x2c: {  	s7 =	sld [smem:$0x3FAC]  }
0x2d: {  	s3 =	simm.s32 $0x108;
	s8 =	sld [smem:$0x3FAD]  }
0x2e: {  	s3 =	simm.s32 @!p0 $0x1082;
	s9 =	sld [smem:$0x3FAE]  }
0x2f: {  	lr =	sadd.s32 s0, s3;
	s0 =	sld [smem:$0x3FA5]  }
0x30: {  	s3 =	sld [smem:$0x3FA8]  }
0x31: {  	[smem:$0x3FB1] =	sst s10  }
0x32: {  	s10 =	sld [smem:$0x3FAF];
	_ =	sdelay $0x3  }
0x33: {  	p0 =	seq.s32 s10, $0x1;
	s10 =	sld [smem:$0x3FB1];
	_ =	sdelay $0x3  }
0x34: {  	[smem:$0x3FB1] =	sst s10  }
0x35: {  	s10 =	sld [smem:$0x3FB0];
	_ =	sdelay $0x3  }
0x36: {  	p1 =	seq.s32 s10, $0x1;
	s10 =	sld [smem:$0x3FB1];
	_ =	sdelay $0x3  }
0x37: {  	[smem:$0x3FB1] =	sst s10  }
0x38: {  	s10 =	sld [smem:$0x3FB2]  }
0x39: {  	_ = 	snop;
	(pc) =	sbr.ind lr, $3  }
0x3a: {  	_ = 	snop  }
0x3b: {  	_ = 	snop  }
0x3c: {  	p2 =	seq.s32 s10, $0x1;
	s10 =	sld [smem:$0x3FB1]  }
0x3d: {  	_ =	shalt  }
0x3e: {  	_ =	shalt  }
0x3f: {  	_ =	shalt  }
0x40: {  	_ =	shalt  }
0x41: {  	_ =	shalt  }
0x42: {  	_ =	shalt  }
0x43: {  	_ =	shalt  }
0x44: {  	_ =	shalt  }
0x45: {  	_ =	shalt  }
0x46: {  	_ =	shalt  }
0x47: {  	_ =	shalt  }
0x48: {  	_ =	shalt  }
0x49: {  	_ =	shalt  }
0x4a: {  	_ =	shalt  }
0x4b: {  	_ =	shalt  }
0x4c: {  	_ =	shalt  }
0x4d: {  	_ =	shalt  }
0x4e: {  	_ =	shalt  }
0x4f: {  	_ =	shalt  }
0x50: {  	_ =	shalt  }
0x51: {  	_ =	shalt  }
0x52: {  	_ =	shalt  }
0x53: {  	_ =	shalt  }
0x54: {  	_ =	shalt  }
0x55: {  	_ =	shalt  }
0x56: {  	_ =	shalt  }
0x57: {  	_ =	shalt  }
0x58: {  	_ =	shalt  }
0x59: {  	_ =	shalt  }
0x5a: {  	_ =	shalt  }
0x5b: {  	_ =	shalt  }
0x5c: {  	_ =	shalt  }
0x5d: {  	_ =	shalt  }
0x5e: {  	_ =	shalt  }
0x5f: {  	_ =	shalt  }
0x60: {  	_ =	shalt  }
0x61: {  	_ =	shalt  }
0x62: {  	_ =	shalt  }
0x63: {  	_ =	shalt  }
0x64: {  	_ =	shalt  }
0x65: {  	_ =	shalt  }
0x66: {  	_ =	shalt  }
0x67: {  	_ =	shalt  }
0x68: {  	_ =	shalt  }
0x69: {  	_ =	shalt  }
0x6a: {  	_ =	shalt  }
0x6b: {  	_ =	shalt  }
0x6c: {  	_ =	shalt  }
0x6d: {  	_ =	shalt  }
0x6e: {  	_ =	shalt  }
0x6f: {  	_ =	shalt  }
0x70: {  	_ =	shalt  }
0x71: {  	_ =	shalt  }
0x72: {  	_ =	shalt  }
0x73: {  	_ =	shalt  }
0x74: {  	_ =	shalt  }
0x75: {  	_ =	shalt  }
0x76: {  	_ =	shalt  }
0x77: {  	_ =	shalt  }
0x78: {  	_ =	shalt  }
0x79: {  	_ =	shalt  }
0x7a: {  	_ =	shalt  }
0x7b: {  	_ =	shalt  }
0x7c: {  	_ =	shalt  }
0x7d: {  	_ =	shalt  }
0x7e: {  	_ =	shalt  }
0x7f: {  	_ =	shalt  }
0x80: {  	_ =	shalt  }
0x81: {  	_ =	shalt  }
0x82: {  	_ =	shalt  }
0x83: {  	_ =	shalt  }
0x84: {  	_ =	shalt  }
0x85: {  	_ =	shalt  }
0x86: {  	_ =	shalt  }
0x87: {  	_ =	shalt  }
.Lfunc_end0:
.L_simem_size_0:
called_computation.1_lowered:
.L_overlay_start_0:
0x88: {  	s2 =	sld [smem:$0x3FD9]  }
0x89: {  	s3 =	sld [smem:$0x3FFE];
	_ =	sdelay $0x1  }
0x8a: {  	s1 =	srdreg.scid  }
0x8b: {  	s0 =	sand.u32 $0x1, s1  }
0x8c: {  	s16 =	sshll.u32 s0, $0xA;
	s2 =	sadd.s32 s3, s2  }
0x8d: {  	s2 =	sadd.s32 s2, s16  }
0x8e: {  	[smem:$0x3FBD] =	sst s2  }
0x8f: {  	_ = 	snop  }
0x90: {  	(tm) =	ssettm $0x1  }
0x91: {  	s17 =	sld [smem:$0x3FFB];
	_ =	sdelay $0x3  }
0x92: {  	_ =	strace s17  }
0x93: {  	s2 =	sld [smem:$0x3FFC];
	_ =	sdelay $0x3  }
0x94: {  	_ =	strace s2  }
0x95: {  	s2 =	sld [smem:$0x3FFD];
	_ =	sdelay $0x3  }
0x96: {  	_ =	strace s2  }
0x97: {  	_ =	strace $0x8FFFFFFF  }
0x98: {  	s18 =	sld [smem:$0x3FDB];
	_ =	sdelay $0x1  }
0x99: {  	s19 =	simm.s32 $_scs_section_size  }
0x9a: {  	s4 =	simm.s32 $_size__tile_overlayer_lowered;
	s5 =	simm.s32 $_tile_overlayer_lowered  }
0x9b: {  	s22 =	simm.s32 $0x1BFF;
	s21 =	sshll.u32 s5, $0x1;
	s2 =	sadd.s32 s19, s18  }
0x9c: {  	s6 =	simm.s32 $0x0;
	s20 =	sshll.u32 s4, $0x1;
	s4 =	sadd.s32 s21, s2  }
0x9d: {  	[timem:s6], [sflag:s22] =	dma.local [hbm:s4], s20  }
0x9e: {  	_ =	swait.ge [sflag:s22], s20  }
0x9f: {  	s3 =	ssub.s32 $0x0, s20;
	[sflag:s22] =	ssyncset.done $0x0  }
0xa0: {  	[sflag:s22] =	ssyncadd.s32 s3;
	_ =	sdelay $0x1  }
0xa1: {  	s23 =	simm.s32 $0x1B8B  }
0xa2: {  	_ =	swait.ge [sflag:s23], $0x1  }
0xa3: {  	[sflag:s23] =	ssyncset.done $0x0  }
0xa4: {  	s25 =	simm.s32 $0x1B8E;
	s24 =	sld [smem:$0x3FFE];
	[sflag:s23] =	ssyncadd.s32 $0xFFFFFFFF  }
0xa5: {  	s26 =	simm.s32 $execute0_lowered;
	[smem:$0x3FD2] =	sst s25  }
0xa6: {  	s4 =	sshll.u32 s26, $0x1;
	_ =	strace $0x80000049;
	[dreg:$0x1] =	wrdreg $0xFFFFFFFF  }
0xa7: {  	s28 =	simm.s32 $_size_execute0_lowered;
	s2 =	sadd.s32 s2, s4;
	[dreg:$0x0] =	wrdreg $0x0  }
0xa8: {  	s4 =	sshll.u32 s28, $0x1;
	[dreg:$0x2] =	wrdreg s2  }
0xa9: {  	[dreg:$0x3] =	wrdreg s4  }
0xaa: {  	[dreg:$0x4] =	wrdreg $0xC0  }
0xab: {  	_ =	task [dreg:s6], $0x5FFFF  }
0xac: {  	[dreg:$0x1] =	wrdreg $0xFFFFFFFF  }
0xad: {  	[dreg:$0x0] =	wrdreg $0x60  }
0xae: {  	[dreg:$0x2] =	wrdreg s24  }
0xaf: {  	[dreg:$0x3] =	wrdreg $0xA0000  }
0xb0: {  	[dreg:$0x4] =	wrdreg $0x9  }
0xb1: {  	_ =	task.clear_ibuf [dreg:s6], $0x5FFFF;
	_ =	strace $0x90000049  }
0xb2: {  	s29 =	simm.s32 $0x9;
	_ =	strace $0x8000004B  }
0xb3: {  	_ =	swait.ge [sflag:s29], $0x1  }
0xb4: {  	[sflag:s29] =	ssyncadd.s32 $0xFFFFFFFF  }
0xb5: {  	_ =	strace $0x9000004B  }
0xb6: {  	_ =	sfence  }
0xb7: {  	s30 =	sld [smem:$0x0];
	_ =	sdelay $0x2  }
0xb8: {  	s31 =	sshll.u32 s1, $0xD;
	s1 =	sshrl.u32 s1, $0x2  }
0xb9: {  	s3 =	sand.u32 $0x4000, s31;
	s1 =	sadd.s32 s1, s30  }
0xba: {  	s0 =	sor.u32 s3, s0;
	s1 =	sshll.u32 s1, $0x11  }
0xbb: {  	s0 =	sor.u32 s1, s0  }
0xbc: {  	s0 =	sadd.s32 $0x8F2B, s0  }
0xbd: {  	[sflag:s0] =	ssyncadd.remote.s32 $0x1  }
0xbe: {  	_ =	sfence.sel $0xFFFF  }
0xbf: {  	[dreg:$0x0] =	wrdreg $0xFFFFFFFF;
	(pc) =	sbr.abs _section_cstart, $3  }
0xc0: {  	[dreg:$0x1] =	wrdreg $0xFFFFFFFF  }
0xc1: {  	_ =	task.clear_ibuf [dreg:s6], $0x2FFFF;
	_ =	strace $0x9FFFFFFF  }
0xc2: {  	(tm) =	ssettm $0x7FFFFFFF  }
0xc3: {  	_ =	shalt  }
tec
execute0_lowered:
.L_overlay_start_1:
0x0: {  	(tag) =	ssettag $0x1  }
0x1: {  	s0 =	srdreg.scid  }
0x2: {  	s3 =	rddreg [dreg:$0x0];
	s23 =	simm.s32 $0x0;
	s16 =	simm.s32 $0x2000  }
0x3: {  	s17 =	simm.s32 $0x4;
	s19 =	simm.s32 $0x80;
	s20 =	simm.s32 $0x6000  }
0x4: {  	s21 =	simm.s32 $0x1;
	s1 =	sand.u32 $0x1, s0;
	s0 =	stileid.u32  }
0x5: {  	s22 =	simm.s32 $0x2;
	[smem:$0x7FF] =	sst s23;
	s6 =	smul.u32 $0x14000, s0  }
0x6: {  	s2 =	sshll.u32 s1, $0x4;
	s7 =	smul.u32 $0x140000, s1;
	s25 =	ssub.s32 $0x2, s1  }
0x7: {  	s10 =	smul.u32 $0x50000, s0;
	p0 =	seq.s32 s1, $0x1;
	s4 =	sor.u32 s0, s2  }
0x8: {  	s2 =	rddreg [dreg:$0x1];
	_ =	strace $0x8000004A;
	s8 =	sshrl.u32 s25, $0x1  }
0x9: {  	s5 =	smul.u32 $0x500, s4;
	s4 =	sadd.s32 $0x71E00, s3;
	s24 =	sadd.s32 s6, s7  }
0xa: {  	s11 =	ssub.s32 s25, s8;
	s26 =	sshrl.u32 s6, $0x3;
	s28 =	sshrl.u32 s10, $0x2  }
0xb: {  	s25 =	simm.s32 $0x1780;
	s1 =	sadd.s32 s4, s26;
	s7 =	sadd.s32 s28, s2  }
0xc: {  	s11 =	smax.u32 s11, $0x1;
	s26 =	simm.s32 $0x0;
	s9 =	sadd.s32 s5, s3  }
0xd: {  	s5 =	sshrl.u32 s24, $0x3;
	[dreg:$0x3] =	wrdreg s1;
	s29 =	sadd.s32 $0x4000, s7  }
0xe: {  	s30 =	sadd.s32 $0x8000, s7;
	s31 =	sadd.s32 $0xC000, s7;
	s15 =	sadd.s32 $0x10000, s7  }
0xf: {  	s24 =	simm.s32 $0x1700;
	s3 =	sadd.s32 s5, s3;
	[dreg:$0x4] =	wrdreg s29  }
0x10: {  	s5 =	sadd.s32 s6, s2;
	s8 =	sadd.s32 $0x17E00, s9;
	[dreg:$0x5] =	wrdreg s30  }
0x11: {  	v0 =	vimm.f32 $0.0e+00;
	s9 =	sadd.s32 $0x3E00, s9;
	[dreg:$0x6] =	wrdreg s31;
	s10 =	sadd.s32 $0x99E00, s3  }
.LBB2_1:
.Ltmp0:
0x12: {  	(pc) =	sbr.rel @!p0 .LBB2_2-.Ltmp0, $1  }
0x13: {  	_ =	sdelay $0x3  }
0x14: {  	s3 =	simm.s32 $0x0  }
0x15: {  	s1 =	sshra.s32 s3, $0x2;
	s3 =	sadd.s32 $0x200, s3  }
.LBB2_4:
0x16: {  	p1 =	seq.s32 s3, $0xFE00;
	[tilespmem:s1+$0x2070] =	vst v0  }
0x17: {  	[tilespmem:s1+$0x2000] =	vst v0  }
0x18: {  	[tilespmem:s1+$0x2010] =	vst v0  }
.Ltmp1:
0x19: {  	[tilespmem:s1+$0x2020] =	vst v0;
	(pc) =	sbr.rel @!p1 .LBB2_4-.Ltmp1, $4  }
0x1a: {  	[tilespmem:s1+$0x2030] =	vst v0  }
0x1b: {  	[tilespmem:s1+$0x2040] =	vst v0  }
0x1c: {  	[tilespmem:s1+$0x2050] =	vst v0  }
0x1d: {  	[tilespmem:s1+$0x2060] =	vst v0;
	s1 =	sshra.s32 s3, $0x2;
	s3 =	sadd.s32 $0x200, s3  }
0x1e: {  	[tilespmem:s1+$0x2070] =	vst v0  }
0x1f: {  	[tilespmem:s1+$0x2000] =	vst v0  }
0x20: {  	[tilespmem:s1+$0x2010] =	vst v0  }
0x21: {  	[tilespmem:s1+$0x2020] =	vst v0  }
0x22: {  	[tilespmem:s1+$0x2030] =	vst v0  }
0x23: {  	[tilespmem:s1+$0x2040] =	vst v0  }
0x24: {  	[tilespmem:s1+$0x2050] =	vst v0  }
0x25: {  	[tilespmem:s1+$0x2060] =	vst v0  }
0x26: {  	[spmem:s7] =	stream.linear.scatter [tilespmem:s16], [sflag:$0x4], $0x4000, $0x38;
	[tilespmem:$0x1E000] =	vst v63  }
0x27: {  	_ =	swait.ge [sflag:s17], $0x4000  }
0x28: {  	[sflag:s17] =	ssyncset.done $0x0  }
0x29: {  	s29 =	rddreg [dreg:$0x4];
	[sflag:s17] =	ssyncadd.s32 $0xFFFFC000  }
0x2a: {  	[spmem:s29] =	stream.linear.scatter [tilespmem:s16], [sflag:$0x4], $0x4000, $0x38;
	[tilespmem:$0x1E000] =	vst v63  }
0x2b: {  	_ =	swait.ge [sflag:s17], $0x4000  }
0x2c: {  	[sflag:s17] =	ssyncset.done $0x0  }
0x2d: {  	s30 =	rddreg [dreg:$0x5];
	[sflag:s17] =	ssyncadd.s32 $0xFFFFC000  }
0x2e: {  	[spmem:s30] =	stream.linear.scatter [tilespmem:s16], [sflag:$0x4], $0x4000, $0x38;
	[tilespmem:$0x1E000] =	vst v63  }
0x2f: {  	_ =	swait.ge [sflag:s17], $0x4000  }
0x30: {  	[sflag:s17] =	ssyncset.done $0x0  }
0x31: {  	s31 =	rddreg [dreg:$0x6];
	[sflag:s17] =	ssyncadd.s32 $0xFFFFC000  }
0x32: {  	[spmem:s31] =	stream.linear.scatter [tilespmem:s16], [sflag:$0x4], $0x4000, $0x38;
	[tilespmem:$0x1E000] =	vst v63  }
0x33: {  	_ =	swait.ge [sflag:s17], $0x4000  }
0x34: {  	[sflag:s17] =	ssyncset.done $0x0  }
.Ltmp2:
0x35: {  	[sflag:s17] =	ssyncadd.s32 $0xFFFFC000;
	(pc) =	sbr.rel .LBB2_6-.Ltmp2, $4  }
0x36: {  	[spmem:s15] =	stream.linear.scatter [tilespmem:s16], [sflag:$0x4], $0x4000, $0x38;
	[tilespmem:$0x1E000] =	vst v63  }
0x37: {  	_ =	swait.ge [sflag:s17], $0x4000  }
0x38: {  	[sflag:s17] =	ssyncset.done $0x0  }
0x39: {  	[sflag:s17] =	ssyncadd.s32 $0xFFFFC000  }
.LBB2_2:
0x3a: {  	s1 =	sshll.u32 s0, $0x6  }
0x3b: {  	s3 =	sshrl.u32 s5, $0x3;
	s6 =	rddreg [dreg:$0x3];
	s1 =	sor.u32 $0x1C04, s1  }
0x3c: {  	[spmem:s3], [sflag:s1] =	dma.local [hbm:s6], $0x2800  }
0x3d: {  	_ =	swait.ge [sflag:s17], $0x2800  }
0x3e: {  	[sflag:s17] =	ssyncset.done $0x0  }
0x3f: {  	[sflag:s17] =	ssyncadd.s32 $0xFFFFD800  }
.LBB2_6:
0x40: {  	[bflag:$0x0] =	sbarrier.arrive $0xFFFF;
	s1 =	simm.s32 $0x0  }
0x41: {  	[tilespmem:s1], [sflag:$0x4] =	stream.linear.gather [hbm4b:s8+s1], $0x800, $0x38;
	[tilespmem:$0x1E000] =	vst v63  }
0x42: {  	_ =	swait.ge [sflag:s17], $0x800  }
0x43: {  	[sflag:s17] =	ssyncset.done $0x0  }
0x44: {  	s3 =	simm.s32 $0x1000;
	[sflag:s17] =	ssyncadd.s32 $0xFFFFF800  }
0x45: {  	[tilespmem:s3], [sflag:$0x4] =	stream.linear.gather [hbm4b:s9+s1], $0x800, $0x38;
	[tilespmem:$0x1E000] =	vst v63  }
0x46: {  	_ =	swait.ge [sflag:s17], $0x800  }
0x47: {  	p1 =	por $0x0, $0x0;
	[sflag:s17] =	ssyncset.done $0x0  }
0x48: {  	p2 =	por @!p1 $0x0, $0x0;
	[sflag:s17] =	ssyncadd.s32 $0xFFFFF800  }
0x49: {  	[tilespmem:s16], [sflag:$0x1] =	stream.indirect.gather [hbm4b:s4+s19], $0x80, s1, s19, $0xb8;
	[tilespmem:$0x1E000] =	vst v63  }
0x4a: {  	s12 =	simm.s32 $0x1;
	p1 =	por p2, p1;
	s1 =	simm.s32 $0x0  }
0x4b: {  	s12 =	sand.u32 $0x1, s12;
	s18 =	sadd.s32 @!p1 $0x100, s8;
	s6 =	sand.u32 $0x2000, s1  }
0x4c: {  	s28 =	simm.s32 @!p1 $0x0;
	s13 =	ssub.s32 s6, s1;
	s6 =	sshll.u32 @!p1 s12, $0xB  }
0x4d: {  	[tilespmem:s6], [sflag:$0x3] =	stream.linear.gather @!p1 [hbm4b:s18+s28], $0x800, $0x38;
	[tilespmem:$0x1E000] =	vst v63  }
0x4e: {  	s23 =	sshra.s32 s13, $0x2  }
0x4f: {  	s18 =	sadd.s32 @!p1 $0x100, s9;
	s3 =	sor.u32 @!p1 $0x1000, s6;
	s14 =	sadd.s32 $0x0, s23  }
0x50: {  	[tilespmem:s3], [sflag:$0x3] =	stream.linear.gather @!p1 [hbm4b:s18+s28], $0x800, $0x38;
	[tilespmem:$0x1E000] =	vst v63  }
0x51: {  	s3 =	sadd.s32 $0x80, s14  }
0x52: {  	[tilespmem:s20], [sflag:$0x2] =	stream.indirect.gather [hbm4b:s4+s19], $0x80, s3, s19, $0xb8;
	[tilespmem:$0x1E000] =	vst v63  }
0x53: {  	_ =	swait.ge [sflag:s21], $0x4000  }
0x54: {  	s18 =	sadd.s32 $0x1000, s23;
	[sflag:s21] =	ssyncset.done $0x0  }
0x55: {  	s3 =	sadd.s32 $0x0, s18;
	[sflag:s21] =	ssyncadd.s32 $0xFFFFC000  }
0x56: {  	[spmem:s2] =	stream.indirect.scatter.add.f32 [tilespmem:s16], [sflag:$0x4], $0x80, s3, s19, $0xb8;
	[tilespmem:$0x1E000] =	vst v63  }
0x57: {  	s1 =	sor.u32 $0x1C00, s1;
	_ =	swait.ge [sflag:s17], $0x4000  }
0x58: {  	p1 =	sne.s32 s1, $0x0;
	[sflag:s17] =	ssyncset.done $0x0  }
0x59: {  	s1 =	simm.s32 @!p1 $0x3;
	[sflag:s17] =	ssyncadd.s32 $0xFFFFC000  }
0x5a: {  	s29 =	simm.s32 $0x800;
	_ =	swait.ge @!p1 [sflag:s1], $0x800  }
0x5b: {  	s30 =	simm.s32 $0x2;
	s31 =	simm.s32 $0x1;
	[sflag:s1] =	ssyncset.done @!p1 $0x0  }
0x5c: {  	p2 =	por $0x0, $0x0;
	s28 =	simm.s32 $0x400;
	[sflag:s1] =	ssyncadd.s32 @!p1 $0xFFFFF800  }
0x5d: {  	s6 =	sadd.s32 @p1 $0x0, s23;
	s12 =	sshll.u32 @!p1 s12, $0xB;
	_ =	swait.ge @!p1 [sflag:s1], $0x800  }
0x5e: {  	s6 =	sadd.s32 @p1 $0x100, s6;
	s18 =	simm.s32 $0x1;
	[sflag:s1] =	ssyncset.done @!p1 $0x0  }
0x5f: {  	s12 =	smov.u32 @p1 s6;
	s6 =	simm.s32 $0x0;
	[sflag:s1] =	ssyncadd.s32 @!p1 $0xFFFFF800  }
0x60: {  	[tilespmem:s16], [sflag:$0x1] =	stream.indirect.gather [hbm4b:s4+s19], $0x80, s12, s19, $0xb8;
	[tilespmem:$0x1E000] =	vst v63  }
0x61: {  	s3 =	sadd.s32 $0x80, s3;
	p1 =	por @!p2 $0x1, $0x1;
	_ =	swait.ge [sflag:s22], $0x4000  }
0x62: {  	s1 =	sor.u32 $0x1C00, s6;
	p2 =	por p1, p2;
	[sflag:s22] =	ssyncset.done $0x0  }
.LBB2_7:
0x63: {  	s12 =	sand.u32 $0x2000, s6;
	s23 =	sshll.u32 @!p2 s18, $0x8  }
0x64: {  	[sflag:s22] =	ssyncadd.s32 $0xFFFFC000;
	s13 =	smov.u32 s28;
	s28 =	smov.u32 s29  }
0x65: {  	[spmem:s2] =	stream.indirect.scatter.add.f32 [tilespmem:s20], [sflag:$0x4], $0x80, s3, s19, $0xb8;
	[tilespmem:$0x1E000] =	vst v63  }
0x66: {  	s3 =	sadd.s32 @!p2 s8, s23;
	s23 =	sadd.s32 @!p2 s9, s23;
	_ =	swait.ge [sflag:s17], $0x4000  }
0x67: {  	s6 =	ssub.s32 s12, s6;
	s12 =	sand.u32 $0x1, s18;
	[sflag:s17] =	ssyncset.done $0x0  }
0x68: {  	s14 =	simm.s32 @!p2 $0x0;
	s18 =	sshll.u32 @!p2 s12, $0xB;
	[sflag:s17] =	ssyncadd.s32 $0xFFFFC000  }
0x69: {  	[tilespmem:s18], [sflag:$0x3] =	stream.linear.gather @!p2 [hbm4b:s3+s14], $0x800, $0x38;
	[tilespmem:$0x1E000] =	vst v63  }
0x6a: {  	s6 =	sshra.s32 s6, $0x2;
	s3 =	sor.u32 @!p2 $0x1000, s18;
	s18 =	sshra.s32 s13, $0x2  }
0x6b: {  	[tilespmem:s3], [sflag:$0x3] =	stream.linear.gather @!p2 [hbm4b:s23+s14], $0x800, $0x38;
	[tilespmem:$0x1E000] =	vst v63  }
0x6c: {  	s29 =	sadd.s32 $0x400, s29;
	s3 =	sadd.s32 $0x1000, s6;
	s14 =	sadd.s32 s18, s6  }
0x6d: {  	p1 =	sne.s32 s29, $0x9C00;
	s14 =	sadd.s32 $0x80, s14  }
0x6e: {  	[tilespmem:s20], [sflag:$0x2] =	stream.indirect.gather [hbm4b:s4+s19], $0x80, s14, s19, $0xb8;
	[tilespmem:$0x1E000] =	vst v63  }
0x6f: {  	_ =	swait.ge [sflag:s21], $0x4000  }
0x70: {  	[sflag:s21] =	ssyncset.done $0x0  }
0x71: {  	s3 =	sadd.s32 s18, s3;
	[sflag:s21] =	ssyncadd.s32 $0xFFFFC000  }
0x72: {  	[spmem:s2] =	stream.indirect.scatter.add.f32 [tilespmem:s16], [sflag:$0x4], $0x80, s3, s19, $0xb8;
	[tilespmem:$0x1E000] =	vst v63  }
0x73: {  	p2 =	sne.s32 s1, s13;
	s3 =	sadd.s32 $0x80, s3;
	_ =	swait.ge [sflag:s17], $0x4000  }
0x74: {  	s1 =	simm.s32 @!p2 $0x3;
	[sflag:s17] =	ssyncset.done $0x0  }
0x75: {  	[sflag:s17] =	ssyncadd.s32 $0xFFFFC000  }
0x76: {  	s30 =	sadd.s32 $0x2, s30;
	s31 =	sadd.s32 $0x1, s31;
	_ =	swait.ge @!p2 [sflag:s1], $0x800  }
0x77: {  	p3 =	sgt.u32 s31, $0x1F;
	s13 =	sshra.s32 @p2 s13, $0x2;
	[sflag:s1] =	ssyncset.done @!p2 $0x0  }
0x78: {  	s12 =	sshll.u32 @!p2 s12, $0xB;
	s6 =	sadd.s32 @p2 s13, s6;
	[sflag:s1] =	ssyncadd.s32 @!p2 $0xFFFFF800  }
0x79: {  	s13 =	sshrl.u32 s31, $0x3;
	s6 =	sadd.s32 @p2 $0x100, s6;
	_ =	swait.ge @!p2 [sflag:s1], $0x800  }
.Ltmp3:
0x7a: {  	s12 =	smov.u32 @p2 s6;
	[sflag:s1] =	ssyncset.done @!p2 $0x0;
	(pc) =	sbr.rel @p1 .LBB2_7-.Ltmp3, $4  }
0x7b: {  	s14 =	sshll.u32 s13, $0x4;
	s6 =	sshll.u32 s13, $0xD;
	[sflag:s1] =	ssyncadd.s32 @!p2 $0xFFFFF800  }
0x7c: {  	[tilespmem:s16], [sflag:$0x1] =	stream.indirect.gather [hbm4b:s4+s19], $0x80, s12, s19, $0xb8;
	[tilespmem:$0x1E000] =	vst v63  }
0x7d: {  	s1 =	sor.u32 $0x1C00, s6;
	p2 =	sne.s32 @!p3 s30, s14;
	_ =	swait.ge [sflag:s22], $0x4000  }
0x7e: {  	s18 =	sadd.s32 $0x1, s13;
	p2 =	por p2, p3;
	[sflag:s22] =	ssyncset.done $0x0  }
0x7f: {  	s12 =	sand.u32 $0x2000, s6;
	s13 =	sshll.u32 @!p2 s18, $0x8;
	[sflag:s22] =	ssyncadd.s32 $0xFFFFC000  }
0x80: {  	[spmem:s2] =	stream.indirect.scatter.add.f32 [tilespmem:s20], [sflag:$0x4], $0x80, s3, s19, $0xb8;
	[tilespmem:$0x1E000] =	vst v63  }
0x81: {  	s31 =	sshra.s32 s28, $0x2;
	s3 =	sadd.s32 @!p2 s8, s13;
	_ =	swait.ge [sflag:s17], $0x4000  }
0x82: {  	s6 =	ssub.s32 s12, s6;
	s12 =	sand.u32 $0x1, s18;
	[sflag:s17] =	ssyncset.done $0x0  }
0x83: {  	s18 =	simm.s32 @!p2 $0x0;
	s14 =	sshll.u32 @!p2 s12, $0xB;
	[sflag:s17] =	ssyncadd.s32 $0xFFFFC000  }
0x84: {  	[tilespmem:s14], [sflag:$0x3] =	stream.linear.gather @!p2 [hbm4b:s3+s18], $0x800, $0x38;
	[tilespmem:$0x1E000] =	vst v63  }
0x85: {  	s13 =	sadd.s32 @!p2 s9, s13;
	s3 =	sshra.s32 s6, $0x2;
	s6 =	sor.u32 @!p2 $0x1000, s14  }
0x86: {  	[tilespmem:s6], [sflag:$0x3] =	stream.linear.gather @!p2 [hbm4b:s13+s18], $0x800, $0x38;
	[tilespmem:$0x1E000] =	vst v63  }
0x87: {  	s18 =	sadd.s32 s31, s3  }
0x88: {  	s6 =	sadd.s32 $0x80, s18  }
0x89: {  	[tilespmem:s20], [sflag:$0x2] =	stream.indirect.gather [hbm4b:s4+s19], $0x80, s6, s19, $0xb8;
	[tilespmem:$0x1E000] =	vst v63  }
0x8a: {  	_ =	swait.ge [sflag:s21], $0x4000  }
0x8b: {  	s23 =	sadd.s32 $0x1000, s3;
	[sflag:s21] =	ssyncset.done $0x0  }
0x8c: {  	s6 =	sadd.s32 s31, s23;
	[sflag:s21] =	ssyncadd.s32 $0xFFFFC000  }
0x8d: {  	[spmem:s2] =	stream.indirect.scatter.add.f32 [tilespmem:s16], [sflag:$0x4], $0x80, s6, s19, $0xb8;
	[tilespmem:$0x1E000] =	vst v63  }
0x8e: {  	_ =	swait.ge [sflag:s17], $0x4000  }
0x8f: {  	p1 =	sne.s32 s1, s28;
	[sflag:s17] =	ssyncset.done $0x0  }
0x90: {  	s1 =	simm.s32 @!p1 $0x3;
	[sflag:s17] =	ssyncadd.s32 $0xFFFFC000  }
0x91: {  	_ =	swait.ge @!p1 [sflag:s1], $0x800  }
0x92: {  	[sflag:s1] =	ssyncset.done @!p1 $0x0  }
0x93: {  	s13 =	sshra.s32 @p1 s28, $0x2;
	[sflag:s1] =	ssyncadd.s32 @!p1 $0xFFFFF800  }
0x94: {  	s3 =	sadd.s32 @p1 s13, s3;
	_ =	swait.ge @!p1 [sflag:s1], $0x800  }
0x95: {  	s12 =	sshll.u32 @!p1 s12, $0xB;
	s3 =	sadd.s32 @p1 $0x100, s3;
	[sflag:s1] =	ssyncset.done @!p1 $0x0  }
0x96: {  	s12 =	smov.u32 @p1 s3;
	[sflag:s1] =	ssyncadd.s32 @!p1 $0xFFFFF800  }
0x97: {  	[tilespmem:s16], [sflag:$0x1] =	stream.indirect.gather [hbm4b:s4+s19], $0x80, s12, s19, $0xb8;
	[tilespmem:$0x1E000] =	vst v63  }
0x98: {  	_ =	swait.ge [sflag:s22], $0x4000  }
0x99: {  	[sflag:s22] =	ssyncset.done $0x0  }
0x9a: {  	s28 =	sadd.s32 $0x80, s6;
	[sflag:s22] =	ssyncadd.s32 $0xFFFFC000  }
0x9b: {  	[spmem:s2] =	stream.indirect.scatter.add.f32 [tilespmem:s20], [sflag:$0x4], $0x80, s28, s19, $0xb8;
	[tilespmem:$0x1E000] =	vst v63  }
0x9c: {  	_ =	swait.ge [sflag:s17], $0x4000  }
0x9d: {  	[sflag:s17] =	ssyncset.done $0x0  }
0x9e: {  	s29 =	simm.s32 $0x780;
	[sflag:s17] =	ssyncadd.s32 $0xFFFFC000  }
0x9f: {  	[tilespmem:s20], [sflag:$0x2] =	stream.indirect.gather [hbm4b:s4+s19], $0x80, s29, s19, $0xb8;
	[tilespmem:$0x1E000] =	vst v63  }
0xa0: {  	_ =	swait.ge [sflag:s21], $0x4000  }
0xa1: {  	[sflag:s21] =	ssyncset.done $0x0  }
0xa2: {  	[sflag:s21] =	ssyncadd.s32 $0xFFFFC000  }
0xa3: {  	[spmem:s2] =	stream.indirect.scatter.add.f32 [tilespmem:s16], [sflag:$0x4], $0x80, s24, s19, $0xb8;
	[tilespmem:$0x1E000] =	vst v63  }
0xa4: {  	_ =	swait.ge [sflag:s17], $0x4000  }
0xa5: {  	[sflag:s17] =	ssyncset.done $0x0  }
0xa6: {  	[sflag:s17] =	ssyncadd.s32 $0xFFFFC000  }
0xa7: {  	_ =	swait.ge [sflag:s22], $0x4000  }
0xa8: {  	[sflag:s22] =	ssyncset.done $0x0  }
0xa9: {  	[sflag:s22] =	ssyncadd.s32 $0xFFFFC000  }
0xaa: {  	[spmem:s2] =	stream.indirect.scatter.add.f32 [tilespmem:s20], [sflag:$0x4], $0x80, s25, s19, $0xb8;
	[tilespmem:$0x1E000] =	vst v63  }
0xab: {  	_ =	swait.ge [sflag:s17], $0x4000  }
0xac: {  	s30 =	sshll.u32 s0, $0x6;
	s26 =	sadd.s32 $0x1, s26;
	[sflag:s17] =	ssyncset.done $0x0  }
0xad: {  	s31 =	sshrl.u32 s5, $0x3;
	p1 =	sne.s32 s26, s11;
	[sflag:s17] =	ssyncadd.s32 $0xFFFFC000  }
.Ltmp4:
0xae: {  	s1 =	sor.u32 $0x1C04, s30;
	[bflag:$0x0] =	sbarrier.arrive $0xFFFF;
	(pc) =	sbr.rel @p1 .LBB2_1-.Ltmp4, $4  }
0xaf: {  	[hbm:s10], [sflag:s1] =	dma.local [spmem:s31], $0x2800  }
0xb0: {  	_ =	swait.ge [sflag:s17], $0x2800  }
0xb1: {  	[sflag:s17] =	ssyncset.done $0x0  }
0xb2: {  	[sflag:s17] =	ssyncadd.s32 $0xFFFFD800  }
0xb3: {  	_ =	sfence.sel $0x180000  }
0xb4: {  	[bflag:$0x0] =	sbarrier.arrive $0xFFFF  }
0xb5: {  	_ =	strace $0x9000004A  }
0xb6: {  	[bflag:$0x2] =	sbarrier.arrive $0xFFFF  }
0xb7: {  	p0 =	sne.s32 s0, $0x0;
	s0 =	rddreg [dreg:$0x2]  }
0xb8: {  	s0 =	sadd.s32 @!p0 $0x100000, s0  }
0xb9: {  	[sflag:s0] =	ssyncadd.tile.s32 @!p0 $0x1;
	_ =	shalt  }
.Lfunc_end2:
_tile_overlayer_lowered:
.L_overlay_start_2:
0xba: {  	(tag) =	ssettag $0x2  }
0xbb: {  	s0 =	rddreg [dreg:$0x0];
	s2 =	stileid.u32  }
0xbc: {  	s1 =	rddreg [dreg:$0x1];
	p0 =	sne.s32 s2, $0x0  }
0xbd: {  	s3 =	rddreg [dreg:$0x2];
	[bflag:$0x3] =	sbarrier.arrive $0xFFFF;
	s2 =	simm.s32 @!p0 $0x1C04  }
0xbe: {  	[timem:s3], [sflag:s2] =	dma.local @!p0 [hbm:s0], s1  }
0xbf: {  	s0 =	simm.s32 @!p0 $0x4  }
0xc0: {  	_ =	swait.ge @!p0 [sflag:s0], s1  }
0xc1: {  	s1 =	ssub.s32 @!p0 $0x0, s1;
	[sflag:s0] =	ssyncset.done @!p0 $0x0  }
0xc2: {  	[sflag:s0] =	ssyncadd.s32 @!p0 s1  }
0xc3: {  	[bflag:$0x3] =	sbarrier.arrive $0xFFFF  }
0xc4: {  	_ =	shalt  }

// kernel: kernel.16.cloned.1.call-start
scs
__scs_entry_jumppad:
0x0: {  	(pc) =	sbr.rel $0x88, $3  }
0x1: {  	(tag) =	ssettag $0x0;
	lr =	simm.s32 $0x1  }
0x2: {  	[smem:$0x3F96] =	sst lr;
	_ =	strace $0xD0000000  }
0x3: {  	_ = 	snop  }
0x4: {  	_ = 	snop  }
0x5: {  	_ = 	snop  }
0x6: {  	_ = 	snop  }
0x7: {  	_ = 	snop  }
__scs_overlays_trampoline_lowered:
0x8: {  	[smem:$0x3FA5] =	sst s0  }
0x9: {  	[smem:$0x3FA6] =	sst s1  }
0xa: {  	[smem:$0x3FA7] =	sst s2  }
0xb: {  	[smem:$0x3FA8] =	sst s3  }
0xc: {  	[smem:$0x3FA9] =	sst s4  }
0xd: {  	[smem:$0x3FAA] =	sst s5  }
0xe: {  	[smem:$0x3FAB] =	sst s6  }
0xf: {  	[smem:$0x3FAC] =	sst s7  }
0x10: {  	[smem:$0x3FAD] =	sst s8  }
0x11: {  	[smem:$0x3FAE] =	sst s9;
	s0 =	simm.s32 @!p0 $0x0  }
0x12: {  	s1 =	sld [smem:$0x3F94];
	s0 =	simm.s32 @p0 $0x1  }
0x13: {  	[smem:$0x3FAF] =	sst s0;
	s0 =	simm.s32 @!p1 $0x0  }
0x14: {  	s2 =	sld [smem:$0x3F93];
	s0 =	simm.s32 @p1 $0x1  }
0x15: {  	[smem:$0x3FB0] =	sst s0;
	s0 =	simm.s32 @!p2 $0x0  }
0x16: {  	s3 =	sld [smem:$0x3FDB];
	s0 =	simm.s32 @p2 $0x1  }
0x17: {  	s4 =	simm.s32 $0x1BF5;
	[smem:$0x3FB2] =	sst s0  }
0x18: {  	s0 =	sld [smem:$0x3F95];
	_ =	swait.ge [sflag:s4], $0x0  }
0x19: {  	s7 =	sld [smem:$0x3F96]  }
0x1a: {  	s8 =	sadd.s32 $0xFFFFE003, lr  }
0x1b: {  	s9 =	sadd.s32 $0xFFFFFEF7, lr;
	s5 =	simm.s32 $0xFFFFFFFF;
	p2 =	slt.u32 s8, $0xFFFFF086  }
0x1c: {  	p1 =	slt.u32 s9, $0xF7A;
	s5 =	simm.s32 @!p2 $0x0  }
0x1d: {  	s5 =	simm.s32 @p1 $0x1;
	p0 =	seq.s32 s7, s2  }
0x1e: {  	s7 =	smul.u32 @!p0 $0xF7A, s2;
	p2 =	seq.s32 @!p0 s5, $0x0  }
0x1f: {  	s9 =	smul.u32 $0xF7A, s1;
	s8 =	simm.s32 @!p0 $0x1BF5;
	p2 =	por !p2, p0  }
0x20: {  	[sflag:s8] =	ssyncset.s32 @!p0 $0xFFFFF086;
	s6 =	sadd.s32 @!p0 s3, s7;
	s7 =	simm.s32 @!p0 $0x108  }
0x21: {  	s3 =	sadd.s32 s3, s9;
	s6 =	sadd.s32 @!p0 $0x88, s6;
	s7 =	simm.s32 @p2 $0x1082  }
0x22: {  	[simem:s7], [sflag:s8] =	dma.local @!p0 [hbm:s6], $0xF7A  }
0x23: {  	s9 =	sor.u32 $0xD0000000, s2;
	s6 =	simm.s32 $0x108;
	_ =	swait.ge @!p0 [sflag:s8], $0x0  }
0x24: {  	s3 =	sadd.s32 $0x88, s3;
	s6 =	simm.s32 @!p1 $0x1082;
	[sflag:s4] =	ssyncset.s32 $0xFFFFF086  }
0x25: {  	[simem:s6], [sflag:s4] =	dma.local [hbm:s3], $0xF7A  }
0x26: {  	[smem:$0x3F96] =	sst s1;
	(tag) =	ssettag s2;
	_ =	strace s9  }
0x27: {  	s1 =	sld [smem:$0x3FA6]  }
0x28: {  	s2 =	sld [smem:$0x3FA7]  }
0x29: {  	s4 =	sld [smem:$0x3FA9]  }
0x2a: {  	p0 =	seq.s32 s5, $0x0;
	s5 =	sld [smem:$0x3FAA]  }
0x2b: {  	s6 =	sld [smem:$0x3FAB]  }
0x2c: {  	s7 =	sld [smem:$0x3FAC]  }
0x2d: {  	s3 =	simm.s32 $0x108;
	s8 =	sld [smem:$0x3FAD]  }
0x2e: {  	s3 =	simm.s32 @!p0 $0x1082;
	s9 =	sld [smem:$0x3FAE]  }
0x2f: {  	lr =	sadd.s32 s0, s3;
	s0 =	sld [smem:$0x3FA5]  }
0x30: {  	s3 =	sld [smem:$0x3FA8]  }
0x31: {  	[smem:$0x3FB1] =	sst s10  }
0x32: {  	s10 =	sld [smem:$0x3FAF];
	_ =	sdelay $0x3  }
0x33: {  	p0 =	seq.s32 s10, $0x1;
	s10 =	sld [smem:$0x3FB1];
	_ =	sdelay $0x3  }
0x34: {  	[smem:$0x3FB1] =	sst s10  }
0x35: {  	s10 =	sld [smem:$0x3FB0];
	_ =	sdelay $0x3  }
0x36: {  	p1 =	seq.s32 s10, $0x1;
	s10 =	sld [smem:$0x3FB1];
	_ =	sdelay $0x3  }
0x37: {  	[smem:$0x3FB1] =	sst s10  }
0x38: {  	s10 =	sld [smem:$0x3FB2]  }
0x39: {  	_ = 	snop;
	(pc) =	sbr.ind lr, $3  }
0x3a: {  	_ = 	snop  }
0x3b: {  	_ = 	snop  }
0x3c: {  	p2 =	seq.s32 s10, $0x1;
	s10 =	sld [smem:$0x3FB1]  }
0x3d: {  	_ =	shalt  }
0x3e: {  	_ =	shalt  }
0x3f: {  	_ =	shalt  }
0x40: {  	_ =	shalt  }
0x41: {  	_ =	shalt  }
0x42: {  	_ =	shalt  }
0x43: {  	_ =	shalt  }
0x44: {  	_ =	shalt  }
0x45: {  	_ =	shalt  }
0x46: {  	_ =	shalt  }
0x47: {  	_ =	shalt  }
0x48: {  	_ =	shalt  }
0x49: {  	_ =	shalt  }
0x4a: {  	_ =	shalt  }
0x4b: {  	_ =	shalt  }
0x4c: {  	_ =	shalt  }
0x4d: {  	_ =	shalt  }
0x4e: {  	_ =	shalt  }
0x4f: {  	_ =	shalt  }
0x50: {  	_ =	shalt  }
0x51: {  	_ =	shalt  }
0x52: {  	_ =	shalt  }
0x53: {  	_ =	shalt  }
0x54: {  	_ =	shalt  }
0x55: {  	_ =	shalt  }
0x56: {  	_ =	shalt  }
0x57: {  	_ =	shalt  }
0x58: {  	_ =	shalt  }
0x59: {  	_ =	shalt  }
0x5a: {  	_ =	shalt  }
0x5b: {  	_ =	shalt  }
0x5c: {  	_ =	shalt  }
0x5d: {  	_ =	shalt  }
0x5e: {  	_ =	shalt  }
0x5f: {  	_ =	shalt  }
0x60: {  	_ =	shalt  }
0x61: {  	_ =	shalt  }
0x62: {  	_ =	shalt  }
0x63: {  	_ =	shalt  }
0x64: {  	_ =	shalt  }
0x65: {  	_ =	shalt  }
0x66: {  	_ =	shalt  }
0x67: {  	_ =	shalt  }
0x68: {  	_ =	shalt  }
0x69: {  	_ =	shalt  }
0x6a: {  	_ =	shalt  }
0x6b: {  	_ =	shalt  }
0x6c: {  	_ =	shalt  }
0x6d: {  	_ =	shalt  }
0x6e: {  	_ =	shalt  }
0x6f: {  	_ =	shalt  }
0x70: {  	_ =	shalt  }
0x71: {  	_ =	shalt  }
0x72: {  	_ =	shalt  }
0x73: {  	_ =	shalt  }
0x74: {  	_ =	shalt  }
0x75: {  	_ =	shalt  }
0x76: {  	_ =	shalt  }
0x77: {  	_ =	shalt  }
0x78: {  	_ =	shalt  }
0x79: {  	_ =	shalt  }
0x7a: {  	_ =	shalt  }
0x7b: {  	_ =	shalt  }
0x7c: {  	_ =	shalt  }
0x7d: {  	_ =	shalt  }
0x7e: {  	_ =	shalt  }
0x7f: {  	_ =	shalt  }
0x80: {  	_ =	shalt  }
0x81: {  	_ =	shalt  }
0x82: {  	_ =	shalt  }
0x83: {  	_ =	shalt  }
0x84: {  	_ =	shalt  }
0x85: {  	_ =	shalt  }
0x86: {  	_ =	shalt  }
0x87: {  	_ =	shalt  }
.Lfunc_end0:
.L_simem_size_0:
called_computation.2_lowered:
.L_overlay_start_0:
0x88: {  	s2 =	sld [smem:$0x3FD9]  }
0x89: {  	s3 =	sld [smem:$0x3FFE];
	_ =	sdelay $0x1  }
0x8a: {  	s1 =	srdreg.scid  }
0x8b: {  	s0 =	sand.u32 $0x1, s1  }
0x8c: {  	s16 =	sshll.u32 s0, $0xA;
	s2 =	sadd.s32 s3, s2  }
0x8d: {  	s2 =	sadd.s32 s2, s16  }
0x8e: {  	[smem:$0x3FBD] =	sst s2  }
0x8f: {  	_ = 	snop  }
0x90: {  	(tm) =	ssettm $0x1  }
0x91: {  	s17 =	sld [smem:$0x3FFB];
	_ =	sdelay $0x3  }
0x92: {  	_ =	strace s17  }
0x93: {  	s2 =	sld [smem:$0x3FFC];
	_ =	sdelay $0x3  }
0x94: {  	_ =	strace s2  }
0x95: {  	s2 =	sld [smem:$0x3FFD];
	_ =	sdelay $0x3  }
0x96: {  	_ =	strace s2  }
0x97: {  	_ =	strace $0x8FFFFFFF  }
0x98: {  	s18 =	sld [smem:$0x3FDB];
	_ =	sdelay $0x1  }
0x99: {  	s19 =	simm.s32 $_scs_section_size  }
0x9a: {  	s4 =	simm.s32 $_size__tile_overlayer_lowered;
	s5 =	simm.s32 $_tile_overlayer_lowered  }
0x9b: {  	s22 =	simm.s32 $0x1BFF;
	s21 =	sshll.u32 s5, $0x1;
	s2 =	sadd.s32 s19, s18  }
0x9c: {  	s6 =	simm.s32 $0x0;
	s20 =	sshll.u32 s4, $0x1;
	s4 =	sadd.s32 s21, s2  }
0x9d: {  	[timem:s6], [sflag:s22] =	dma.local [hbm:s4], s20  }
0x9e: {  	_ =	swait.ge [sflag:s22], s20  }
0x9f: {  	s3 =	ssub.s32 $0x0, s20;
	[sflag:s22] =	ssyncset.done $0x0  }
0xa0: {  	[sflag:s22] =	ssyncadd.s32 s3;
	_ =	sdelay $0x1  }
0xa1: {  	s23 =	simm.s32 $0x1B8B  }
0xa2: {  	_ =	swait.ge [sflag:s23], $0x1  }
0xa3: {  	[sflag:s23] =	ssyncset.done $0x0  }
0xa4: {  	s25 =	simm.s32 $0x1B8E;
	s24 =	sld [smem:$0x3FFE];
	[sflag:s23] =	ssyncadd.s32 $0xFFFFFFFF  }
0xa5: {  	s26 =	simm.s32 $execute0_lowered;
	[smem:$0x3FD2] =	sst s25  }
0xa6: {  	s4 =	sshll.u32 s26, $0x1;
	_ =	strace $0x8000004C;
	[dreg:$0x1] =	wrdreg $0xFFFFFFFF  }
0xa7: {  	s28 =	simm.s32 $_size_execute0_lowered;
	s2 =	sadd.s32 s2, s4;
	[dreg:$0x0] =	wrdreg $0x0  }
0xa8: {  	s4 =	sshll.u32 s28, $0x1;
	[dreg:$0x2] =	wrdreg s2  }
0xa9: {  	[dreg:$0x3] =	wrdreg s4  }
0xaa: {  	[dreg:$0x4] =	wrdreg $0xC0  }
0xab: {  	_ =	task [dreg:s6], $0x5FFFF  }
0xac: {  	[dreg:$0x1] =	wrdreg $0xFFFFFFFF  }
0xad: {  	[dreg:$0x0] =	wrdreg $0x60  }
0xae: {  	[dreg:$0x2] =	wrdreg s24  }
0xaf: {  	[dreg:$0x3] =	wrdreg $0xA0000  }
0xb0: {  	[dreg:$0x4] =	wrdreg $0x9  }
0xb1: {  	_ =	task.clear_ibuf [dreg:s6], $0x5FFFF;
	_ =	strace $0x9000004C  }
0xb2: {  	s29 =	simm.s32 $0x9;
	_ =	strace $0x8000004E  }
0xb3: {  	_ =	swait.ge [sflag:s29], $0x1  }
0xb4: {  	[sflag:s29] =	ssyncadd.s32 $0xFFFFFFFF  }
0xb5: {  	_ =	strace $0x9000004E  }
0xb6: {  	_ =	sfence  }
0xb7: {  	s30 =	sld [smem:$0x0];
	_ =	sdelay $0x2  }
0xb8: {  	s31 =	sshll.u32 s1, $0xD;
	s1 =	sshrl.u32 s1, $0x2  }
0xb9: {  	s3 =	sand.u32 $0x4000, s31;
	s1 =	sadd.s32 s1, s30  }
0xba: {  	s0 =	sor.u32 s3, s0;
	s1 =	sshll.u32 s1, $0x11  }
0xbb: {  	s0 =	sor.u32 s1, s0  }
0xbc: {  	s0 =	sadd.s32 $0x8F2B, s0  }
0xbd: {  	[sflag:s0] =	ssyncadd.remote.s32 $0x1  }
0xbe: {  	_ =	sfence.sel $0xFFFF  }
0xbf: {  	[dreg:$0x0] =	wrdreg $0xFFFFFFFF;
	(pc) =	sbr.abs _section_cstart, $3  }
0xc0: {  	[dreg:$0x1] =	wrdreg $0xFFFFFFFF  }
0xc1: {  	_ =	task.clear_ibuf [dreg:s6], $0x2FFFF;
	_ =	strace $0x9FFFFFFF  }
0xc2: {  	(tm) =	ssettm $0x7FFFFFFF  }
0xc3: {  	_ =	shalt  }
tec
execute0_lowered:
.L_overlay_start_1:
0x0: {  	(tag) =	ssettag $0x1  }
0x1: {  	s0 =	srdreg.scid;
	s6 =	rddreg [dreg:$0x0]  }
0x2: {  	s28 =	stileid.u32;
	s2 =	rddreg [dreg:$0x1]  }
0x3: {  	s3 =	simm.s32 $0x0;
	s14 =	simm.s32 $0x80;
	s15 =	simm.s32 $0x2000  }
0x4: {  	s16 =	simm.s32 $0x6000;
	s17 =	simm.s32 $0x1;
	s18 =	simm.s32 $0x2  }
0x5: {  	s20 =	simm.s32 $0x1F00;
	s21 =	simm.s32 $0x1F80;
	s9 =	smul.u32 $0x280, s28  }
0x6: {  	s22 =	simm.s32 $0x0;
	s5 =	sand.u32 $0x1, s0;
	s10 =	smul.u32 $0xA00, s28  }
0x7: {  	[smem:$0x7FF] =	sst s3;
	s4 =	sadd.s32 $0x71E00, s6;
	s29 =	smul.u32 $0x50000, s28  }
0x8: {  	s31 =	sshll.u32 s28, $0x6;
	s1 =	sshll.u32 s5, $0x4;
	s8 =	smul.u32 $0x2800, s5  }
0x9: {  	_ =	strace $0x8000004D;
	s5 =	ssub.s32 $0x2, s5;
	s1 =	sor.u32 s28, s1  }
0xa: {  	s10 =	sadd.s32 s10, s6;
	s30 =	sshrl.u32 s5, $0x1;
	s7 =	smul.u32 $0xA00, s1  }
0xb: {  	s8 =	sadd.s32 s9, s8;
	s9 =	sshrl.u32 s29, $0x2;
	s12 =	ssub.s32 s5, s30  }
0xc: {  	s8 =	sshll.u32 s8, $0x4;
	s13 =	sadd.s32 s9, s2;
	s7 =	sadd.s32 s7, s6  }
0xd: {  	s11 =	sadd.s32 s8, s6;
	s5 =	sadd.s32 s4, s8;
	s6 =	sor.u32 $0x1C04, s31  }
0xe: {  	s8 =	sadd.s32 $0x3E00, s10;
	s10 =	smax.u32 s12, $0x1;
	s12 =	simm.s32 $0x4  }
0xf: {  	s7 =	sadd.s32 $0xE9E00, s7;
	s9 =	sadd.s32 $0xFDE00, s11;
	s11 =	sshrl.u32 s13, $0x3  }
.LBB2_1:
0x10: {  	[spmem:s11], [sflag:s6] =	dma.local [hbm:s5], $0x2800  }
0x11: {  	_ =	swait.ge [sflag:s12], $0x2800  }
0x12: {  	[sflag:s12] =	ssyncset.done $0x0  }
0x13: {  	[sflag:s12] =	ssyncadd.s32 $0xFFFFD800  }
0x14: {  	[bflag:$0x0] =	sbarrier.arrive $0xFFFF  }
0x15: {  	[tilespmem:s3], [sflag:$0x4] =	stream.linear.gather [hbm4b:s7+s3], $0x800, $0x38;
	[tilespmem:$0x1E000] =	vst v63  }
0x16: {  	_ =	swait.ge [sflag:s12], $0x800  }
0x17: {  	s0 =	simm.s32 $0x1000;
	p0 =	por $0x0, $0x0;
	[sflag:s12] =	ssyncset.done $0x0  }
0x18: {  	s23 =	simm.s32 $0x0;
	s24 =	simm.s32 $0x1;
	[sflag:s12] =	ssyncadd.s32 $0xFFFFF800  }
0x19: {  	[tilespmem:s0], [sflag:$0x4] =	stream.linear.gather [hbm4b:s8+s3], $0x800, $0x38;
	[tilespmem:$0x1E000] =	vst v63  }
0x1a: {  	p1 =	por @!p0 $0x0, $0x0;
	s25 =	sand.u32 $0x2000, s23;
	_ =	swait.ge [sflag:s12], $0x800  }
0x1b: {  	s28 =	sand.u32 $0x1, s24;
	p0 =	por p1, p0;
	[sflag:s12] =	ssyncset.done $0x0  }
0x1c: {  	s13 =	ssub.s32 s25, s23;
	s26 =	sadd.s32 @!p0 $0x100, s7;
	[sflag:s12] =	ssyncadd.s32 $0xFFFFF800  }
0x1d: {  	[tilespmem:s15], [sflag:$0x1] =	stream.indirect.gather [hbm4b:s4+s14], $0x80, s3, s14, $0xb8;
	[tilespmem:$0x1E000] =	vst v63  }
0x1e: {  	s25 =	sshll.u32 @!p0 s28, $0xB;
	s29 =	simm.s32 @!p0 $0x0;
	s30 =	sshra.s32 s13, $0x2  }
0x1f: {  	[tilespmem:s25], [sflag:$0x3] =	stream.linear.gather @!p0 [hbm4b:s26+s29], $0x800, $0x38;
	[tilespmem:$0x1E000] =	vst v63  }
0x20: {  	s24 =	sor.u32 @!p0 $0x1000, s25;
	s19 =	sadd.s32 $0x0, s30;
	s26 =	sadd.s32 @!p0 $0x100, s8  }
0x21: {  	[tilespmem:s24], [sflag:$0x3] =	stream.linear.gather @!p0 [hbm4b:s26+s29], $0x800, $0x38;
	[tilespmem:$0x1E000] =	vst v63  }
0x22: {  	s24 =	sadd.s32 $0x80, s19  }
0x23: {  	[tilespmem:s16], [sflag:$0x2] =	stream.indirect.gather [hbm4b:s4+s14], $0x80, s24, s14, $0xb8;
	[tilespmem:$0x1E000] =	vst v63  }
0x24: {  	_ =	swait.ge [sflag:s17], $0x4000  }
0x25: {  	s25 =	sadd.s32 $0x1000, s30;
	[sflag:s17] =	ssyncset.done $0x0  }
0x26: {  	s26 =	sadd.s32 $0x0, s25;
	[sflag:s17] =	ssyncadd.s32 $0xFFFFC000  }
0x27: {  	[spmem:s2] =	stream.indirect.scatter.add.f32 [tilespmem:s15], [sflag:$0x4], $0x80, s26, s14, $0xb8;
	[tilespmem:$0x1E000] =	vst v63  }
0x28: {  	s23 =	sor.u32 $0x1C00, s23;
	_ =	swait.ge [sflag:s12], $0x4000  }
0x29: {  	p0 =	sne.s32 s23, $0x0;
	[sflag:s12] =	ssyncset.done $0x0  }
0x2a: {  	s31 =	simm.s32 @!p0 $0x3;
	[sflag:s12] =	ssyncadd.s32 $0xFFFFC000  }
0x2b: {  	p1 =	por $0x0, $0x0;
	_ =	swait.ge @!p0 [sflag:s31], $0x800  }
0x2c: {  	s23 =	simm.s32 $0x400;
	s25 =	simm.s32 $0x2;
	[sflag:s31] =	ssyncset.done @!p0 $0x0  }
0x2d: {  	s29 =	sadd.s32 $0x80, s26;
	s30 =	sadd.s32 @p0 $0x0, s30;
	[sflag:s31] =	ssyncadd.s32 @!p0 $0xFFFFF800  }
0x2e: {  	s28 =	sshll.u32 @!p0 s28, $0xB;
	s30 =	sadd.s32 @p0 $0x100, s30;
	_ =	swait.ge @!p0 [sflag:s31], $0x800  }
0x2f: {  	s24 =	simm.s32 $0x800;
	s28 =	smov.u32 @p0 s30;
	[sflag:s31] =	ssyncset.done @!p0 $0x0  }
0x30: {  	s30 =	simm.s32 $0x0;
	s26 =	simm.s32 $0x1;
	[sflag:s31] =	ssyncadd.s32 @!p0 $0xFFFFF800  }
0x31: {  	[tilespmem:s15], [sflag:$0x1] =	stream.indirect.gather [hbm4b:s4+s14], $0x80, s28, s14, $0xb8;
	[tilespmem:$0x1E000] =	vst v63  }
0x32: {  	p0 =	por @!p1 $0x1, $0x1;
	s31 =	simm.s32 $0x1;
	_ =	swait.ge [sflag:s18], $0x4000  }
0x33: {  	s28 =	sor.u32 $0x1C00, s30;
	p1 =	por p0, p1;
	[sflag:s18] =	ssyncset.done $0x0  }
.LBB2_2:
0x34: {  	s1 =	sand.u32 $0x2000, s30;
	s0 =	sshll.u32 @!p1 s31, $0x8  }
0x35: {  	[sflag:s18] =	ssyncadd.s32 $0xFFFFC000;
	s13 =	smov.u32 s23;
	s23 =	smov.u32 s24  }
0x36: {  	[spmem:s2] =	stream.indirect.scatter.add.f32 [tilespmem:s16], [sflag:$0x4], $0x80, s29, s14, $0xb8;
	[tilespmem:$0x1E000] =	vst v63  }
0x37: {  	s29 =	sadd.s32 @!p1 s7, s0;
	s0 =	sadd.s32 @!p1 s8, s0;
	_ =	swait.ge [sflag:s12], $0x4000  }
0x38: {  	s1 =	ssub.s32 s1, s30;
	s30 =	sand.u32 $0x1, s31;
	[sflag:s12] =	ssyncset.done $0x0  }
0x39: {  	s19 =	simm.s32 @!p1 $0x0;
	s31 =	sshll.u32 @!p1 s30, $0xB;
	[sflag:s12] =	ssyncadd.s32 $0xFFFFC000  }
0x3a: {  	[tilespmem:s31], [sflag:$0x3] =	stream.linear.gather @!p1 [hbm4b:s29+s19], $0x800, $0x38;
	[tilespmem:$0x1E000] =	vst v63  }
0x3b: {  	s1 =	sshra.s32 s1, $0x2;
	s29 =	sor.u32 @!p1 $0x1000, s31;
	s31 =	sshra.s32 s13, $0x2  }
0x3c: {  	[tilespmem:s29], [sflag:$0x3] =	stream.linear.gather @!p1 [hbm4b:s0+s19], $0x800, $0x38;
	[tilespmem:$0x1E000] =	vst v63  }
0x3d: {  	s24 =	sadd.s32 $0x400, s24;
	s0 =	sadd.s32 $0x1000, s1;
	s19 =	sadd.s32 s31, s1  }
0x3e: {  	p0 =	sne.s32 s24, $0x13C00;
	s19 =	sadd.s32 $0x80, s19  }
0x3f: {  	[tilespmem:s16], [sflag:$0x2] =	stream.indirect.gather [hbm4b:s4+s14], $0x80, s19, s14, $0xb8;
	[tilespmem:$0x1E000] =	vst v63  }
0x40: {  	_ =	swait.ge [sflag:s17], $0x4000  }
0x41: {  	[sflag:s17] =	ssyncset.done $0x0  }
0x42: {  	s0 =	sadd.s32 s31, s0;
	[sflag:s17] =	ssyncadd.s32 $0xFFFFC000  }
0x43: {  	[spmem:s2] =	stream.indirect.scatter.add.f32 [tilespmem:s15], [sflag:$0x4], $0x80, s0, s14, $0xb8;
	[tilespmem:$0x1E000] =	vst v63  }
0x44: {  	p1 =	sne.s32 s28, s13;
	s29 =	sadd.s32 $0x80, s0;
	_ =	swait.ge [sflag:s12], $0x4000  }
0x45: {  	s0 =	simm.s32 @!p1 $0x3;
	[sflag:s12] =	ssyncset.done $0x0  }
0x46: {  	[sflag:s12] =	ssyncadd.s32 $0xFFFFC000  }
0x47: {  	s25 =	sadd.s32 $0x2, s25;
	s26 =	sadd.s32 $0x1, s26;
	_ =	swait.ge @!p1 [sflag:s0], $0x800  }
0x48: {  	p2 =	sgt.u32 s26, $0x47;
	s13 =	sshra.s32 @p1 s13, $0x2;
	[sflag:s0] =	ssyncset.done @!p1 $0x0  }
0x49: {  	s1 =	sadd.s32 @p1 s13, s1;
	s13 =	sshll.u32 @!p1 s30, $0xB;
	[sflag:s0] =	ssyncadd.s32 @!p1 $0xFFFFF800  }
0x4a: {  	s1 =	sadd.s32 @p1 $0x100, s1;
	s19 =	sshrl.u32 s26, $0x3;
	_ =	swait.ge @!p1 [sflag:s0], $0x800  }
.Ltmp0:
0x4b: {  	s13 =	smov.u32 @p1 s1;
	[sflag:s0] =	ssyncset.done @!p1 $0x0;
	(pc) =	sbr.rel @p0 .LBB2_2-.Ltmp0, $4  }
0x4c: {  	s30 =	sshll.u32 s19, $0xD;
	s1 =	sshll.u32 s19, $0x4;
	[sflag:s0] =	ssyncadd.s32 @!p1 $0xFFFFF800  }
0x4d: {  	[tilespmem:s15], [sflag:$0x1] =	stream.indirect.gather [hbm4b:s4+s14], $0x80, s13, s14, $0xb8;
	[tilespmem:$0x1E000] =	vst v63  }
0x4e: {  	s28 =	sor.u32 $0x1C00, s30;
	p1 =	sne.s32 @!p2 s25, s1;
	_ =	swait.ge [sflag:s18], $0x4000  }
0x4f: {  	s31 =	sadd.s32 $0x1, s19;
	p1 =	por p1, p2;
	[sflag:s18] =	ssyncset.done $0x0  }
0x50: {  	s0 =	sand.u32 $0x2000, s30  }
0x51: {  	s1 =	sshll.u32 @!p1 s31, $0x8;
	[sflag:s18] =	ssyncadd.s32 $0xFFFFC000;
	s19 =	sand.u32 $0x1, s31  }
0x52: {  	[spmem:s2] =	stream.indirect.scatter.add.f32 [tilespmem:s16], [sflag:$0x4], $0x80, s29, s14, $0xb8;
	[tilespmem:$0x1E000] =	vst v63  }
0x53: {  	s25 =	simm.s32 @!p1 $0x0;
	s31 =	sshra.s32 s23, $0x2;
	_ =	swait.ge [sflag:s12], $0x4000  }
0x54: {  	s13 =	sadd.s32 @!p1 s7, s1;
	s0 =	ssub.s32 s0, s30;
	[sflag:s12] =	ssyncset.done $0x0  }
0x55: {  	s24 =	sshll.u32 @!p1 s19, $0xB;
	s0 =	sshra.s32 s0, $0x2;
	[sflag:s12] =	ssyncadd.s32 $0xFFFFC000  }
0x56: {  	[tilespmem:s24], [sflag:$0x3] =	stream.linear.gather @!p1 [hbm4b:s13+s25], $0x800, $0x38;
	[tilespmem:$0x1E000] =	vst v63  }
0x57: {  	s1 =	sadd.s32 @!p1 s8, s1;
	s26 =	sadd.s32 s31, s0;
	s13 =	sor.u32 @!p1 $0x1000, s24  }
0x58: {  	[tilespmem:s13], [sflag:$0x3] =	stream.linear.gather @!p1 [hbm4b:s1+s25], $0x800, $0x38;
	[tilespmem:$0x1E000] =	vst v63  }
0x59: {  	s1 =	sadd.s32 $0x80, s26  }
0x5a: {  	[tilespmem:s16], [sflag:$0x2] =	stream.indirect.gather [hbm4b:s4+s14], $0x80, s1, s14, $0xb8;
	[tilespmem:$0x1E000] =	vst v63  }
0x5b: {  	_ =	swait.ge [sflag:s17], $0x4000  }
0x5c: {  	s29 =	sadd.s32 $0x1000, s0;
	[sflag:s17] =	ssyncset.done $0x0  }
0x5d: {  	s1 =	sadd.s32 s31, s29;
	[sflag:s17] =	ssyncadd.s32 $0xFFFFC000  }
0x5e: {  	[spmem:s2] =	stream.indirect.scatter.add.f32 [tilespmem:s15], [sflag:$0x4], $0x80, s1, s14, $0xb8;
	[tilespmem:$0x1E000] =	vst v63  }
0x5f: {  	_ =	swait.ge [sflag:s12], $0x4000  }
0x60: {  	p0 =	sne.s32 s28, s23;
	[sflag:s12] =	ssyncset.done $0x0  }
0x61: {  	s13 =	simm.s32 @!p0 $0x3;
	[sflag:s12] =	ssyncadd.s32 $0xFFFFC000  }
0x62: {  	_ =	swait.ge @!p0 [sflag:s13], $0x800  }
0x63: {  	[sflag:s13] =	ssyncset.done @!p0 $0x0  }
0x64: {  	s23 =	sshra.s32 @p0 s23, $0x2;
	[sflag:s13] =	ssyncadd.s32 @!p0 $0xFFFFF800  }
0x65: {  	s0 =	sadd.s32 @p0 s23, s0;
	_ =	swait.ge @!p0 [sflag:s13], $0x800  }
0x66: {  	s19 =	sshll.u32 @!p0 s19, $0xB;
	s0 =	sadd.s32 @p0 $0x100, s0;
	[sflag:s13] =	ssyncset.done @!p0 $0x0  }
0x67: {  	s19 =	smov.u32 @p0 s0;
	[sflag:s13] =	ssyncadd.s32 @!p0 $0xFFFFF800  }
0x68: {  	[tilespmem:s15], [sflag:$0x1] =	stream.indirect.gather [hbm4b:s4+s14], $0x80, s19, s14, $0xb8;
	[tilespmem:$0x1E000] =	vst v63  }
0x69: {  	_ =	swait.ge [sflag:s18], $0x4000  }
0x6a: {  	[sflag:s18] =	ssyncset.done $0x0  }
0x6b: {  	s30 =	sadd.s32 $0x80, s1;
	[sflag:s18] =	ssyncadd.s32 $0xFFFFC000  }
0x6c: {  	[spmem:s2] =	stream.indirect.scatter.add.f32 [tilespmem:s16], [sflag:$0x4], $0x80, s30, s14, $0xb8;
	[tilespmem:$0x1E000] =	vst v63  }
0x6d: {  	_ =	swait.ge [sflag:s12], $0x4000  }
0x6e: {  	[sflag:s12] =	ssyncset.done $0x0  }
0x6f: {  	s31 =	simm.s32 $0xF80;
	[sflag:s12] =	ssyncadd.s32 $0xFFFFC000  }
0x70: {  	[tilespmem:s16], [sflag:$0x2] =	stream.indirect.gather [hbm4b:s4+s14], $0x80, s31, s14, $0xb8;
	[tilespmem:$0x1E000] =	vst v63  }
0x71: {  	_ =	swait.ge [sflag:s17], $0x4000  }
0x72: {  	[sflag:s17] =	ssyncset.done $0x0  }
0x73: {  	[sflag:s17] =	ssyncadd.s32 $0xFFFFC000  }
0x74: {  	[spmem:s2] =	stream.indirect.scatter.add.f32 [tilespmem:s15], [sflag:$0x4], $0x80, s20, s14, $0xb8;
	[tilespmem:$0x1E000] =	vst v63  }
0x75: {  	_ =	swait.ge [sflag:s12], $0x4000  }
0x76: {  	[sflag:s12] =	ssyncset.done $0x0  }
0x77: {  	[sflag:s12] =	ssyncadd.s32 $0xFFFFC000  }
0x78: {  	_ =	swait.ge [sflag:s18], $0x4000  }
0x79: {  	[sflag:s18] =	ssyncset.done $0x0  }
0x7a: {  	[sflag:s18] =	ssyncadd.s32 $0xFFFFC000  }
0x7b: {  	[spmem:s2] =	stream.indirect.scatter.add.f32 [tilespmem:s16], [sflag:$0x4], $0x80, s21, s14, $0xb8;
	[tilespmem:$0x1E000] =	vst v63  }
0x7c: {  	_ =	swait.ge [sflag:s12], $0x4000  }
0x7d: {  	s22 =	sadd.s32 $0x1, s22;
	[sflag:s12] =	ssyncset.done $0x0  }
0x7e: {  	p0 =	sne.s32 s22, s10;
	[sflag:s12] =	ssyncadd.s32 $0xFFFFC000  }
.Ltmp1:
0x7f: {  	[bflag:$0x0] =	sbarrier.arrive $0xFFFF;
	(pc) =	sbr.rel @p0 .LBB2_1-.Ltmp1, $4  }
0x80: {  	[hbm:s9], [sflag:s6] =	dma.local [spmem:s11], $0x2800  }
0x81: {  	_ =	swait.ge [sflag:s12], $0x2800  }
0x82: {  	[sflag:s12] =	ssyncset.done $0x0  }
0x83: {  	[sflag:s12] =	ssyncadd.s32 $0xFFFFD800  }
0x84: {  	_ =	sfence.sel $0x180000  }
0x85: {  	[bflag:$0x0] =	sbarrier.arrive $0xFFFF  }
0x86: {  	_ =	strace $0x9000004D  }
0x87: {  	s0 =	stileid.u32;
	[bflag:$0x2] =	sbarrier.arrive $0xFFFF  }
0x88: {  	p0 =	sne.s32 s0, $0x0;
	s0 =	rddreg [dreg:$0x2]  }
0x89: {  	s0 =	sadd.s32 @!p0 $0x100000, s0  }
0x8a: {  	[sflag:s0] =	ssyncadd.tile.s32 @!p0 $0x1;
	_ =	shalt  }
.Lfunc_end2:
_tile_overlayer_lowered:
.L_overlay_start_2:
0x8b: {  	(tag) =	ssettag $0x2  }
0x8c: {  	s0 =	rddreg [dreg:$0x0];
	s2 =	stileid.u32  }
0x8d: {  	s1 =	rddreg [dreg:$0x1];
	p0 =	sne.s32 s2, $0x0  }
0x8e: {  	s3 =	rddreg [dreg:$0x2];
	[bflag:$0x3] =	sbarrier.arrive $0xFFFF;
	s2 =	simm.s32 @!p0 $0x1C04  }
0x8f: {  	[timem:s3], [sflag:s2] =	dma.local @!p0 [hbm:s0], s1  }
0x90: {  	s0 =	simm.s32 @!p0 $0x4  }
0x91: {  	_ =	swait.ge @!p0 [sflag:s0], s1  }
0x92: {  	s1 =	ssub.s32 @!p0 $0x0, s1;
	[sflag:s0] =	ssyncset.done @!p0 $0x0  }
0x93: {  	[sflag:s0] =	ssyncadd.s32 @!p0 s1  }
0x94: {  	[bflag:$0x3] =	sbarrier.arrive $0xFFFF  }
0x95: {  	_ =	shalt  }

// kernel: kernel.19.cloned.1.call-start
scs
__scs_entry_jumppad:
0x0: {  	(pc) =	sbr.rel $0x88, $3  }
0x1: {  	(tag) =	ssettag $0x0;
	lr =	simm.s32 $0x1  }
0x2: {  	[smem:$0x3F96] =	sst lr;
	_ =	strace $0xD0000000  }
0x3: {  	_ = 	snop  }
0x4: {  	_ = 	snop  }
0x5: {  	_ = 	snop  }
0x6: {  	_ = 	snop  }
0x7: {  	_ = 	snop  }
__scs_overlays_trampoline_lowered:
0x8: {  	[smem:$0x3FA5] =	sst s0  }
0x9: {  	[smem:$0x3FA6] =	sst s1  }
0xa: {  	[smem:$0x3FA7] =	sst s2  }
0xb: {  	[smem:$0x3FA8] =	sst s3  }
0xc: {  	[smem:$0x3FA9] =	sst s4  }
0xd: {  	[smem:$0x3FAA] =	sst s5  }
0xe: {  	[smem:$0x3FAB] =	sst s6  }
0xf: {  	[smem:$0x3FAC] =	sst s7  }
0x10: {  	[smem:$0x3FAD] =	sst s8  }
0x11: {  	[smem:$0x3FAE] =	sst s9;
	s0 =	simm.s32 @!p0 $0x0  }
0x12: {  	s1 =	sld [smem:$0x3F94];
	s0 =	simm.s32 @p0 $0x1  }
0x13: {  	[smem:$0x3FAF] =	sst s0;
	s0 =	simm.s32 @!p1 $0x0  }
0x14: {  	s2 =	sld [smem:$0x3F93];
	s0 =	simm.s32 @p1 $0x1  }
0x15: {  	[smem:$0x3FB0] =	sst s0;
	s0 =	simm.s32 @!p2 $0x0  }
0x16: {  	s3 =	sld [smem:$0x3FDB];
	s0 =	simm.s32 @p2 $0x1  }
0x17: {  	s4 =	simm.s32 $0x1BF5;
	[smem:$0x3FB2] =	sst s0  }
0x18: {  	s0 =	sld [smem:$0x3F95];
	_ =	swait.ge [sflag:s4], $0x0  }
0x19: {  	s7 =	sld [smem:$0x3F96]  }
0x1a: {  	s8 =	sadd.s32 $0xFFFFE003, lr  }
0x1b: {  	s9 =	sadd.s32 $0xFFFFFEF7, lr;
	s5 =	simm.s32 $0xFFFFFFFF;
	p2 =	slt.u32 s8, $0xFFFFF086  }
0x1c: {  	p1 =	slt.u32 s9, $0xF7A;
	s5 =	simm.s32 @!p2 $0x0  }
0x1d: {  	s5 =	simm.s32 @p1 $0x1;
	p0 =	seq.s32 s7, s2  }
0x1e: {  	s7 =	smul.u32 @!p0 $0xF7A, s2;
	p2 =	seq.s32 @!p0 s5, $0x0  }
0x1f: {  	s9 =	smul.u32 $0xF7A, s1;
	s8 =	simm.s32 @!p0 $0x1BF5;
	p2 =	por !p2, p0  }
0x20: {  	[sflag:s8] =	ssyncset.s32 @!p0 $0xFFFFF086;
	s6 =	sadd.s32 @!p0 s3, s7;
	s7 =	simm.s32 @!p0 $0x108  }
0x21: {  	s3 =	sadd.s32 s3, s9;
	s6 =	sadd.s32 @!p0 $0x88, s6;
	s7 =	simm.s32 @p2 $0x1082  }
0x22: {  	[simem:s7], [sflag:s8] =	dma.local @!p0 [hbm:s6], $0xF7A  }
0x23: {  	s9 =	sor.u32 $0xD0000000, s2;
	s6 =	simm.s32 $0x108;
	_ =	swait.ge @!p0 [sflag:s8], $0x0  }
0x24: {  	s3 =	sadd.s32 $0x88, s3;
	s6 =	simm.s32 @!p1 $0x1082;
	[sflag:s4] =	ssyncset.s32 $0xFFFFF086  }
0x25: {  	[simem:s6], [sflag:s4] =	dma.local [hbm:s3], $0xF7A  }
0x26: {  	[smem:$0x3F96] =	sst s1;
	(tag) =	ssettag s2;
	_ =	strace s9  }
0x27: {  	s1 =	sld [smem:$0x3FA6]  }
0x28: {  	s2 =	sld [smem:$0x3FA7]  }
0x29: {  	s4 =	sld [smem:$0x3FA9]  }
0x2a: {  	p0 =	seq.s32 s5, $0x0;
	s5 =	sld [smem:$0x3FAA]  }
0x2b: {  	s6 =	sld [smem:$0x3FAB]  }
0x2c: {  	s7 =	sld [smem:$0x3FAC]  }
0x2d: {  	s3 =	simm.s32 $0x108;
	s8 =	sld [smem:$0x3FAD]  }
0x2e: {  	s3 =	simm.s32 @!p0 $0x1082;
	s9 =	sld [smem:$0x3FAE]  }
0x2f: {  	lr =	sadd.s32 s0, s3;
	s0 =	sld [smem:$0x3FA5]  }
0x30: {  	s3 =	sld [smem:$0x3FA8]  }
0x31: {  	[smem:$0x3FB1] =	sst s10  }
0x32: {  	s10 =	sld [smem:$0x3FAF];
	_ =	sdelay $0x3  }
0x33: {  	p0 =	seq.s32 s10, $0x1;
	s10 =	sld [smem:$0x3FB1];
	_ =	sdelay $0x3  }
0x34: {  	[smem:$0x3FB1] =	sst s10  }
0x35: {  	s10 =	sld [smem:$0x3FB0];
	_ =	sdelay $0x3  }
0x36: {  	p1 =	seq.s32 s10, $0x1;
	s10 =	sld [smem:$0x3FB1];
	_ =	sdelay $0x3  }
0x37: {  	[smem:$0x3FB1] =	sst s10  }
0x38: {  	s10 =	sld [smem:$0x3FB2]  }
0x39: {  	_ = 	snop;
	(pc) =	sbr.ind lr, $3  }
0x3a: {  	_ = 	snop  }
0x3b: {  	_ = 	snop  }
0x3c: {  	p2 =	seq.s32 s10, $0x1;
	s10 =	sld [smem:$0x3FB1]  }
0x3d: {  	_ =	shalt  }
0x3e: {  	_ =	shalt  }
0x3f: {  	_ =	shalt  }
0x40: {  	_ =	shalt  }
0x41: {  	_ =	shalt  }
0x42: {  	_ =	shalt  }
0x43: {  	_ =	shalt  }
0x44: {  	_ =	shalt  }
0x45: {  	_ =	shalt  }
0x46: {  	_ =	shalt  }
0x47: {  	_ =	shalt  }
0x48: {  	_ =	shalt  }
0x49: {  	_ =	shalt  }
0x4a: {  	_ =	shalt  }
0x4b: {  	_ =	shalt  }
0x4c: {  	_ =	shalt  }
0x4d: {  	_ =	shalt  }
0x4e: {  	_ =	shalt  }
0x4f: {  	_ =	shalt  }
0x50: {  	_ =	shalt  }
0x51: {  	_ =	shalt  }
0x52: {  	_ =	shalt  }
0x53: {  	_ =	shalt  }
0x54: {  	_ =	shalt  }
0x55: {  	_ =	shalt  }
0x56: {  	_ =	shalt  }
0x57: {  	_ =	shalt  }
0x58: {  	_ =	shalt  }
0x59: {  	_ =	shalt  }
0x5a: {  	_ =	shalt  }
0x5b: {  	_ =	shalt  }
0x5c: {  	_ =	shalt  }
0x5d: {  	_ =	shalt  }
0x5e: {  	_ =	shalt  }
0x5f: {  	_ =	shalt  }
0x60: {  	_ =	shalt  }
0x61: {  	_ =	shalt  }
0x62: {  	_ =	shalt  }
0x63: {  	_ =	shalt  }
0x64: {  	_ =	shalt  }
0x65: {  	_ =	shalt  }
0x66: {  	_ =	shalt  }
0x67: {  	_ =	shalt  }
0x68: {  	_ =	shalt  }
0x69: {  	_ =	shalt  }
0x6a: {  	_ =	shalt  }
0x6b: {  	_ =	shalt  }
0x6c: {  	_ =	shalt  }
0x6d: {  	_ =	shalt  }
0x6e: {  	_ =	shalt  }
0x6f: {  	_ =	shalt  }
0x70: {  	_ =	shalt  }
0x71: {  	_ =	shalt  }
0x72: {  	_ =	shalt  }
0x73: {  	_ =	shalt  }
0x74: {  	_ =	shalt  }
0x75: {  	_ =	shalt  }
0x76: {  	_ =	shalt  }
0x77: {  	_ =	shalt  }
0x78: {  	_ =	shalt  }
0x79: {  	_ =	shalt  }
0x7a: {  	_ =	shalt  }
0x7b: {  	_ =	shalt  }
0x7c: {  	_ =	shalt  }
0x7d: {  	_ =	shalt  }
0x7e: {  	_ =	shalt  }
0x7f: {  	_ =	shalt  }
0x80: {  	_ =	shalt  }
0x81: {  	_ =	shalt  }
0x82: {  	_ =	shalt  }
0x83: {  	_ =	shalt  }
0x84: {  	_ =	shalt  }
0x85: {  	_ =	shalt  }
0x86: {  	_ =	shalt  }
0x87: {  	_ =	shalt  }
.Lfunc_end0:
.L_simem_size_0:
called_computation.3_lowered:
.L_overlay_start_0:
0x88: {  	s2 =	sld [smem:$0x3FD9]  }
0x89: {  	s3 =	sld [smem:$0x3FFE];
	_ =	sdelay $0x1  }
0x8a: {  	s1 =	srdreg.scid  }
0x8b: {  	s0 =	sand.u32 $0x1, s1  }
0x8c: {  	s16 =	sshll.u32 s0, $0xA;
	s2 =	sadd.s32 s3, s2  }
0x8d: {  	s2 =	sadd.s32 s2, s16  }
0x8e: {  	[smem:$0x3FBD] =	sst s2  }
0x8f: {  	_ = 	snop  }
0x90: {  	(tm) =	ssettm $0x1  }
0x91: {  	s17 =	sld [smem:$0x3FFB];
	_ =	sdelay $0x3  }
0x92: {  	_ =	strace s17  }
0x93: {  	s2 =	sld [smem:$0x3FFC];
	_ =	sdelay $0x3  }
0x94: {  	_ =	strace s2  }
0x95: {  	s2 =	sld [smem:$0x3FFD];
	_ =	sdelay $0x3  }
0x96: {  	_ =	strace s2  }
0x97: {  	_ =	strace $0x8FFFFFFF  }
0x98: {  	s18 =	sld [smem:$0x3FDB];
	_ =	sdelay $0x1  }
0x99: {  	s19 =	simm.s32 $_scs_section_size  }
0x9a: {  	s4 =	simm.s32 $_size__tile_overlayer_lowered;
	s5 =	simm.s32 $_tile_overlayer_lowered  }
0x9b: {  	s22 =	simm.s32 $0x1BFF;
	s21 =	sshll.u32 s5, $0x1;
	s2 =	sadd.s32 s19, s18  }
0x9c: {  	s6 =	simm.s32 $0x0;
	s20 =	sshll.u32 s4, $0x1;
	s4 =	sadd.s32 s21, s2  }
0x9d: {  	[timem:s6], [sflag:s22] =	dma.local [hbm:s4], s20  }
0x9e: {  	_ =	swait.ge [sflag:s22], s20  }
0x9f: {  	s3 =	ssub.s32 $0x0, s20;
	[sflag:s22] =	ssyncset.done $0x0  }
0xa0: {  	[sflag:s22] =	ssyncadd.s32 s3;
	_ =	sdelay $0x1  }
0xa1: {  	s23 =	simm.s32 $0x1B8B  }
0xa2: {  	_ =	swait.ge [sflag:s23], $0x1  }
0xa3: {  	[sflag:s23] =	ssyncset.done $0x0  }
0xa4: {  	s25 =	simm.s32 $0x1B8E;
	s24 =	sld [smem:$0x3FFE];
	[sflag:s23] =	ssyncadd.s32 $0xFFFFFFFF  }
0xa5: {  	s26 =	simm.s32 $execute0_lowered;
	[smem:$0x3FD2] =	sst s25  }
0xa6: {  	s4 =	sshll.u32 s26, $0x1;
	_ =	strace $0x8000004F;
	[dreg:$0x1] =	wrdreg $0xFFFFFFFF  }
0xa7: {  	s28 =	simm.s32 $_size_execute0_lowered;
	s2 =	sadd.s32 s2, s4;
	[dreg:$0x0] =	wrdreg $0x0  }
0xa8: {  	s4 =	sshll.u32 s28, $0x1;
	[dreg:$0x2] =	wrdreg s2  }
0xa9: {  	[dreg:$0x3] =	wrdreg s4  }
0xaa: {  	[dreg:$0x4] =	wrdreg $0xC0  }
0xab: {  	_ =	task [dreg:s6], $0x5FFFF  }
0xac: {  	[dreg:$0x1] =	wrdreg $0xFFFFFFFF  }
0xad: {  	[dreg:$0x0] =	wrdreg $0x60  }
0xae: {  	[dreg:$0x2] =	wrdreg s24  }
0xaf: {  	[dreg:$0x3] =	wrdreg $0xA0000  }
0xb0: {  	[dreg:$0x4] =	wrdreg $0x9  }
0xb1: {  	_ =	task.clear_ibuf [dreg:s6], $0x5FFFF;
	_ =	strace $0x9000004F  }
0xb2: {  	s29 =	simm.s32 $0x9;
	_ =	strace $0x80000051  }
0xb3: {  	_ =	swait.ge [sflag:s29], $0x1  }
0xb4: {  	[sflag:s29] =	ssyncadd.s32 $0xFFFFFFFF  }
0xb5: {  	_ =	strace $0x90000051  }
0xb6: {  	_ =	sfence  }
0xb7: {  	s30 =	sld [smem:$0x0];
	_ =	sdelay $0x2  }
0xb8: {  	s31 =	sshll.u32 s1, $0xD;
	s1 =	sshrl.u32 s1, $0x2  }
0xb9: {  	s3 =	sand.u32 $0x4000, s31;
	s1 =	sadd.s32 s1, s30  }
0xba: {  	s0 =	sor.u32 s3, s0;
	s1 =	sshll.u32 s1, $0x11  }
0xbb: {  	s0 =	sor.u32 s1, s0  }
0xbc: {  	s0 =	sadd.s32 $0x8F2B, s0  }
0xbd: {  	[sflag:s0] =	ssyncadd.remote.s32 $0x1  }
0xbe: {  	_ =	sfence.sel $0xFFFF  }
0xbf: {  	[dreg:$0x0] =	wrdreg $0xFFFFFFFF;
	(pc) =	sbr.abs _section_cstart, $3  }
0xc0: {  	[dreg:$0x1] =	wrdreg $0xFFFFFFFF  }
0xc1: {  	_ =	task.clear_ibuf [dreg:s6], $0x2FFFF;
	_ =	strace $0x9FFFFFFF  }
0xc2: {  	(tm) =	ssettm $0x7FFFFFFF  }
0xc3: {  	_ =	shalt  }
tec
execute0_lowered:
.L_overlay_start_1:
0x0: {  	(tag) =	ssettag $0x1  }
0x1: {  	s0 =	srdreg.scid;
	s6 =	rddreg [dreg:$0x0]  }
0x2: {  	s28 =	stileid.u32;
	s2 =	rddreg [dreg:$0x1]  }
0x3: {  	s3 =	simm.s32 $0x0;
	s14 =	simm.s32 $0x80;
	s15 =	simm.s32 $0x2000  }
0x4: {  	s16 =	simm.s32 $0x6000;
	s17 =	simm.s32 $0x1;
	s18 =	simm.s32 $0x2  }
0x5: {  	s20 =	simm.s32 $0x1F00;
	s21 =	simm.s32 $0x1F80;
	s9 =	smul.u32 $0x280, s28  }
0x6: {  	s22 =	simm.s32 $0x0;
	s5 =	sand.u32 $0x1, s0;
	s10 =	smul.u32 $0xA00, s28  }
0x7: {  	[smem:$0x7FF] =	sst s3;
	s4 =	sadd.s32 $0x71E00, s6;
	s29 =	smul.u32 $0x50000, s28  }
0x8: {  	s31 =	sshll.u32 s28, $0x6;
	s1 =	sshll.u32 s5, $0x4;
	s8 =	smul.u32 $0x2800, s5  }
0x9: {  	_ =	strace $0x80000050;
	s5 =	ssub.s32 $0x2, s5;
	s1 =	sor.u32 s28, s1  }
0xa: {  	s10 =	sadd.s32 s10, s6;
	s30 =	sshrl.u32 s5, $0x1;
	s7 =	smul.u32 $0xA00, s1  }
0xb: {  	s8 =	sadd.s32 s9, s8;
	s9 =	sshrl.u32 s29, $0x2;
	s12 =	ssub.s32 s5, s30  }
0xc: {  	s8 =	sshll.u32 s8, $0x4;
	s13 =	sadd.s32 s9, s2;
	s7 =	sadd.s32 s7, s6  }
0xd: {  	s11 =	sadd.s32 s8, s6;
	s5 =	sadd.s32 s4, s8;
	s6 =	sor.u32 $0x1C04, s31  }
0xe: {  	s8 =	sadd.s32 $0x3E00, s10;
	s10 =	smax.u32 s12, $0x1;
	s12 =	simm.s32 $0x4  }
0xf: {  	s7 =	sadd.s32 $0xE9E00, s7;
	s9 =	sadd.s32 $0xFDE00, s11;
	s11 =	sshrl.u32 s13, $0x3  }
.LBB2_1:
0x10: {  	[spmem:s11], [sflag:s6] =	dma.local [hbm:s5], $0x2800  }
0x11: {  	_ =	swait.ge [sflag:s12], $0x2800  }
0x12: {  	[sflag:s12] =	ssyncset.done $0x0  }
0x13: {  	[sflag:s12] =	ssyncadd.s32 $0xFFFFD800  }
0x14: {  	[bflag:$0x0] =	sbarrier.arrive $0xFFFF  }
0x15: {  	[tilespmem:s3], [sflag:$0x4] =	stream.linear.gather [hbm4b:s7+s3], $0x800, $0x38;
	[tilespmem:$0x1E000] =	vst v63  }
0x16: {  	_ =	swait.ge [sflag:s12], $0x800  }
0x17: {  	s0 =	simm.s32 $0x1000;
	p0 =	por $0x0, $0x0;
	[sflag:s12] =	ssyncset.done $0x0  }
0x18: {  	s23 =	simm.s32 $0x0;
	s24 =	simm.s32 $0x1;
	[sflag:s12] =	ssyncadd.s32 $0xFFFFF800  }
0x19: {  	[tilespmem:s0], [sflag:$0x4] =	stream.linear.gather [hbm4b:s8+s3], $0x800, $0x38;
	[tilespmem:$0x1E000] =	vst v63  }
0x1a: {  	p1 =	por @!p0 $0x0, $0x0;
	s25 =	sand.u32 $0x2000, s23;
	_ =	swait.ge [sflag:s12], $0x800  }
0x1b: {  	s28 =	sand.u32 $0x1, s24;
	p0 =	por p1, p0;
	[sflag:s12] =	ssyncset.done $0x0  }
0x1c: {  	s13 =	ssub.s32 s25, s23;
	s26 =	sadd.s32 @!p0 $0x100, s7;
	[sflag:s12] =	ssyncadd.s32 $0xFFFFF800  }
0x1d: {  	[tilespmem:s15], [sflag:$0x1] =	stream.indirect.gather [hbm4b:s4+s14], $0x80, s3, s14, $0xb8;
	[tilespmem:$0x1E000] =	vst v63  }
0x1e: {  	s25 =	sshll.u32 @!p0 s28, $0xB;
	s29 =	simm.s32 @!p0 $0x0;
	s30 =	sshra.s32 s13, $0x2  }
0x1f: {  	[tilespmem:s25], [sflag:$0x3] =	stream.linear.gather @!p0 [hbm4b:s26+s29], $0x800, $0x38;
	[tilespmem:$0x1E000] =	vst v63  }
0x20: {  	s24 =	sor.u32 @!p0 $0x1000, s25;
	s19 =	sadd.s32 $0x0, s30;
	s26 =	sadd.s32 @!p0 $0x100, s8  }
0x21: {  	[tilespmem:s24], [sflag:$0x3] =	stream.linear.gather @!p0 [hbm4b:s26+s29], $0x800, $0x38;
	[tilespmem:$0x1E000] =	vst v63  }
0x22: {  	s24 =	sadd.s32 $0x80, s19  }
0x23: {  	[tilespmem:s16], [sflag:$0x2] =	stream.indirect.gather [hbm4b:s4+s14], $0x80, s24, s14, $0xb8;
	[tilespmem:$0x1E000] =	vst v63  }
0x24: {  	_ =	swait.ge [sflag:s17], $0x4000  }
0x25: {  	s25 =	sadd.s32 $0x1000, s30;
	[sflag:s17] =	ssyncset.done $0x0  }
0x26: {  	s26 =	sadd.s32 $0x0, s25;
	[sflag:s17] =	ssyncadd.s32 $0xFFFFC000  }
0x27: {  	[spmem:s2] =	stream.indirect.scatter.add.f32 [tilespmem:s15], [sflag:$0x4], $0x80, s26, s14, $0xb8;
	[tilespmem:$0x1E000] =	vst v63  }
0x28: {  	s23 =	sor.u32 $0x1C00, s23;
	_ =	swait.ge [sflag:s12], $0x4000  }
0x29: {  	p0 =	sne.s32 s23, $0x0;
	[sflag:s12] =	ssyncset.done $0x0  }
0x2a: {  	s31 =	simm.s32 @!p0 $0x3;
	[sflag:s12] =	ssyncadd.s32 $0xFFFFC000  }
0x2b: {  	p1 =	por $0x0, $0x0;
	_ =	swait.ge @!p0 [sflag:s31], $0x800  }
0x2c: {  	s23 =	simm.s32 $0x400;
	s25 =	simm.s32 $0x2;
	[sflag:s31] =	ssyncset.done @!p0 $0x0  }
0x2d: {  	s29 =	sadd.s32 $0x80, s26;
	s30 =	sadd.s32 @p0 $0x0, s30;
	[sflag:s31] =	ssyncadd.s32 @!p0 $0xFFFFF800  }
0x2e: {  	s28 =	sshll.u32 @!p0 s28, $0xB;
	s30 =	sadd.s32 @p0 $0x100, s30;
	_ =	swait.ge @!p0 [sflag:s31], $0x800  }
0x2f: {  	s24 =	simm.s32 $0x800;
	s28 =	smov.u32 @p0 s30;
	[sflag:s31] =	ssyncset.done @!p0 $0x0  }
0x30: {  	s30 =	simm.s32 $0x0;
	s26 =	simm.s32 $0x1;
	[sflag:s31] =	ssyncadd.s32 @!p0 $0xFFFFF800  }
0x31: {  	[tilespmem:s15], [sflag:$0x1] =	stream.indirect.gather [hbm4b:s4+s14], $0x80, s28, s14, $0xb8;
	[tilespmem:$0x1E000] =	vst v63  }
0x32: {  	p0 =	por @!p1 $0x1, $0x1;
	s31 =	simm.s32 $0x1;
	_ =	swait.ge [sflag:s18], $0x4000  }
0x33: {  	s28 =	sor.u32 $0x1C00, s30;
	p1 =	por p0, p1;
	[sflag:s18] =	ssyncset.done $0x0  }
.LBB2_2:
0x34: {  	s1 =	sand.u32 $0x2000, s30;
	s0 =	sshll.u32 @!p1 s31, $0x8  }
0x35: {  	[sflag:s18] =	ssyncadd.s32 $0xFFFFC000;
	s13 =	smov.u32 s23;
	s23 =	smov.u32 s24  }
0x36: {  	[spmem:s2] =	stream.indirect.scatter.add.f32 [tilespmem:s16], [sflag:$0x4], $0x80, s29, s14, $0xb8;
	[tilespmem:$0x1E000] =	vst v63  }
0x37: {  	s29 =	sadd.s32 @!p1 s7, s0;
	s0 =	sadd.s32 @!p1 s8, s0;
	_ =	swait.ge [sflag:s12], $0x4000  }
0x38: {  	s1 =	ssub.s32 s1, s30;
	s30 =	sand.u32 $0x1, s31;
	[sflag:s12] =	ssyncset.done $0x0  }
0x39: {  	s19 =	simm.s32 @!p1 $0x0;
	s31 =	sshll.u32 @!p1 s30, $0xB;
	[sflag:s12] =	ssyncadd.s32 $0xFFFFC000  }
0x3a: {  	[tilespmem:s31], [sflag:$0x3] =	stream.linear.gather @!p1 [hbm4b:s29+s19], $0x800, $0x38;
	[tilespmem:$0x1E000] =	vst v63  }
0x3b: {  	s1 =	sshra.s32 s1, $0x2;
	s29 =	sor.u32 @!p1 $0x1000, s31;
	s31 =	sshra.s32 s13, $0x2  }
0x3c: {  	[tilespmem:s29], [sflag:$0x3] =	stream.linear.gather @!p1 [hbm4b:s0+s19], $0x800, $0x38;
	[tilespmem:$0x1E000] =	vst v63  }
0x3d: {  	s24 =	sadd.s32 $0x400, s24;
	s0 =	sadd.s32 $0x1000, s1;
	s19 =	sadd.s32 s31, s1  }
0x3e: {  	p0 =	sne.s32 s24, $0x13C00;
	s19 =	sadd.s32 $0x80, s19  }
0x3f: {  	[tilespmem:s16], [sflag:$0x2] =	stream.indirect.gather [hbm4b:s4+s14], $0x80, s19, s14, $0xb8;
	[tilespmem:$0x1E000] =	vst v63  }
0x40: {  	_ =	swait.ge [sflag:s17], $0x4000  }
0x41: {  	[sflag:s17] =	ssyncset.done $0x0  }
0x42: {  	s0 =	sadd.s32 s31, s0;
	[sflag:s17] =	ssyncadd.s32 $0xFFFFC000  }
0x43: {  	[spmem:s2] =	stream.indirect.scatter.add.f32 [tilespmem:s15], [sflag:$0x4], $0x80, s0, s14, $0xb8;
	[tilespmem:$0x1E000] =	vst v63  }
0x44: {  	p1 =	sne.s32 s28, s13;
	s29 =	sadd.s32 $0x80, s0;
	_ =	swait.ge [sflag:s12], $0x4000  }
0x45: {  	s0 =	simm.s32 @!p1 $0x3;
	[sflag:s12] =	ssyncset.done $0x0  }
0x46: {  	[sflag:s12] =	ssyncadd.s32 $0xFFFFC000  }
0x47: {  	s25 =	sadd.s32 $0x2, s25;
	s26 =	sadd.s32 $0x1, s26;
	_ =	swait.ge @!p1 [sflag:s0], $0x800  }
0x48: {  	p2 =	sgt.u32 s26, $0x47;
	s13 =	sshra.s32 @p1 s13, $0x2;
	[sflag:s0] =	ssyncset.done @!p1 $0x0  }
0x49: {  	s1 =	sadd.s32 @p1 s13, s1;
	s13 =	sshll.u32 @!p1 s30, $0xB;
	[sflag:s0] =	ssyncadd.s32 @!p1 $0xFFFFF800  }
0x4a: {  	s1 =	sadd.s32 @p1 $0x100, s1;
	s19 =	sshrl.u32 s26, $0x3;
	_ =	swait.ge @!p1 [sflag:s0], $0x800  }
.Ltmp0:
0x4b: {  	s13 =	smov.u32 @p1 s1;
	[sflag:s0] =	ssyncset.done @!p1 $0x0;
	(pc) =	sbr.rel @p0 .LBB2_2-.Ltmp0, $4  }
0x4c: {  	s30 =	sshll.u32 s19, $0xD;
	s1 =	sshll.u32 s19, $0x4;
	[sflag:s0] =	ssyncadd.s32 @!p1 $0xFFFFF800  }
0x4d: {  	[tilespmem:s15], [sflag:$0x1] =	stream.indirect.gather [hbm4b:s4+s14], $0x80, s13, s14, $0xb8;
	[tilespmem:$0x1E000] =	vst v63  }
0x4e: {  	s28 =	sor.u32 $0x1C00, s30;
	p1 =	sne.s32 @!p2 s25, s1;
	_ =	swait.ge [sflag:s18], $0x4000  }
0x4f: {  	s31 =	sadd.s32 $0x1, s19;
	p1 =	por p1, p2;
	[sflag:s18] =	ssyncset.done $0x0  }
0x50: {  	s0 =	sand.u32 $0x2000, s30  }
0x51: {  	s1 =	sshll.u32 @!p1 s31, $0x8;
	[sflag:s18] =	ssyncadd.s32 $0xFFFFC000;
	s19 =	sand.u32 $0x1, s31  }
0x52: {  	[spmem:s2] =	stream.indirect.scatter.add.f32 [tilespmem:s16], [sflag:$0x4], $0x80, s29, s14, $0xb8;
	[tilespmem:$0x1E000] =	vst v63  }
0x53: {  	s25 =	simm.s32 @!p1 $0x0;
	s31 =	sshra.s32 s23, $0x2;
	_ =	swait.ge [sflag:s12], $0x4000  }
0x54: {  	s13 =	sadd.s32 @!p1 s7, s1;
	s0 =	ssub.s32 s0, s30;
	[sflag:s12] =	ssyncset.done $0x0  }
0x55: {  	s24 =	sshll.u32 @!p1 s19, $0xB;
	s0 =	sshra.s32 s0, $0x2;
	[sflag:s12] =	ssyncadd.s32 $0xFFFFC000  }
0x56: {  	[tilespmem:s24], [sflag:$0x3] =	stream.linear.gather @!p1 [hbm4b:s13+s25], $0x800, $0x38;
	[tilespmem:$0x1E000] =	vst v63  }
0x57: {  	s1 =	sadd.s32 @!p1 s8, s1;
	s26 =	sadd.s32 s31, s0;
	s13 =	sor.u32 @!p1 $0x1000, s24  }
0x58: {  	[tilespmem:s13], [sflag:$0x3] =	stream.linear.gather @!p1 [hbm4b:s1+s25], $0x800, $0x38;
	[tilespmem:$0x1E000] =	vst v63  }
0x59: {  	s1 =	sadd.s32 $0x80, s26  }
0x5a: {  	[tilespmem:s16], [sflag:$0x2] =	stream.indirect.gather [hbm4b:s4+s14], $0x80, s1, s14, $0xb8;
	[tilespmem:$0x1E000] =	vst v63  }
0x5b: {  	_ =	swait.ge [sflag:s17], $0x4000  }
0x5c: {  	s29 =	sadd.s32 $0x1000, s0;
	[sflag:s17] =	ssyncset.done $0x0  }
0x5d: {  	s1 =	sadd.s32 s31, s29;
	[sflag:s17] =	ssyncadd.s32 $0xFFFFC000  }
0x5e: {  	[spmem:s2] =	stream.indirect.scatter.add.f32 [tilespmem:s15], [sflag:$0x4], $0x80, s1, s14, $0xb8;
	[tilespmem:$0x1E000] =	vst v63  }
0x5f: {  	_ =	swait.ge [sflag:s12], $0x4000  }
0x60: {  	p0 =	sne.s32 s28, s23;
	[sflag:s12] =	ssyncset.done $0x0  }
0x61: {  	s13 =	simm.s32 @!p0 $0x3;
	[sflag:s12] =	ssyncadd.s32 $0xFFFFC000  }
0x62: {  	_ =	swait.ge @!p0 [sflag:s13], $0x800  }
0x63: {  	[sflag:s13] =	ssyncset.done @!p0 $0x0  }
0x64: {  	s23 =	sshra.s32 @p0 s23, $0x2;
	[sflag:s13] =	ssyncadd.s32 @!p0 $0xFFFFF800  }
0x65: {  	s0 =	sadd.s32 @p0 s23, s0;
	_ =	swait.ge @!p0 [sflag:s13], $0x800  }
0x66: {  	s19 =	sshll.u32 @!p0 s19, $0xB;
	s0 =	sadd.s32 @p0 $0x100, s0;
	[sflag:s13] =	ssyncset.done @!p0 $0x0  }
0x67: {  	s19 =	smov.u32 @p0 s0;
	[sflag:s13] =	ssyncadd.s32 @!p0 $0xFFFFF800  }
0x68: {  	[tilespmem:s15], [sflag:$0x1] =	stream.indirect.gather [hbm4b:s4+s14], $0x80, s19, s14, $0xb8;
	[tilespmem:$0x1E000] =	vst v63  }
0x69: {  	_ =	swait.ge [sflag:s18], $0x4000  }
0x6a: {  	[sflag:s18] =	ssyncset.done $0x0  }
0x6b: {  	s30 =	sadd.s32 $0x80, s1;
	[sflag:s18] =	ssyncadd.s32 $0xFFFFC000  }
0x6c: {  	[spmem:s2] =	stream.indirect.scatter.add.f32 [tilespmem:s16], [sflag:$0x4], $0x80, s30, s14, $0xb8;
	[tilespmem:$0x1E000] =	vst v63  }
0x6d: {  	_ =	swait.ge [sflag:s12], $0x4000  }
0x6e: {  	[sflag:s12] =	ssyncset.done $0x0  }
0x6f: {  	s31 =	simm.s32 $0xF80;
	[sflag:s12] =	ssyncadd.s32 $0xFFFFC000  }
0x70: {  	[tilespmem:s16], [sflag:$0x2] =	stream.indirect.gather [hbm4b:s4+s14], $0x80, s31, s14, $0xb8;
	[tilespmem:$0x1E000] =	vst v63  }
0x71: {  	_ =	swait.ge [sflag:s17], $0x4000  }
0x72: {  	[sflag:s17] =	ssyncset.done $0x0  }
0x73: {  	[sflag:s17] =	ssyncadd.s32 $0xFFFFC000  }
0x74: {  	[spmem:s2] =	stream.indirect.scatter.add.f32 [tilespmem:s15], [sflag:$0x4], $0x80, s20, s14, $0xb8;
	[tilespmem:$0x1E000] =	vst v63  }
0x75: {  	_ =	swait.ge [sflag:s12], $0x4000  }
0x76: {  	[sflag:s12] =	ssyncset.done $0x0  }
0x77: {  	[sflag:s12] =	ssyncadd.s32 $0xFFFFC000  }
0x78: {  	_ =	swait.ge [sflag:s18], $0x4000  }
0x79: {  	[sflag:s18] =	ssyncset.done $0x0  }
0x7a: {  	[sflag:s18] =	ssyncadd.s32 $0xFFFFC000  }
0x7b: {  	[spmem:s2] =	stream.indirect.scatter.add.f32 [tilespmem:s16], [sflag:$0x4], $0x80, s21, s14, $0xb8;
	[tilespmem:$0x1E000] =	vst v63  }
0x7c: {  	_ =	swait.ge [sflag:s12], $0x4000  }
0x7d: {  	s22 =	sadd.s32 $0x1, s22;
	[sflag:s12] =	ssyncset.done $0x0  }
0x7e: {  	p0 =	sne.s32 s22, s10;
	[sflag:s12] =	ssyncadd.s32 $0xFFFFC000  }
.Ltmp1:
0x7f: {  	[bflag:$0x0] =	sbarrier.arrive $0xFFFF;
	(pc) =	sbr.rel @p0 .LBB2_1-.Ltmp1, $4  }
0x80: {  	[hbm:s9], [sflag:s6] =	dma.local [spmem:s11], $0x2800  }
0x81: {  	_ =	swait.ge [sflag:s12], $0x2800  }
0x82: {  	[sflag:s12] =	ssyncset.done $0x0  }
0x83: {  	[sflag:s12] =	ssyncadd.s32 $0xFFFFD800  }
0x84: {  	_ =	sfence.sel $0x180000  }
0x85: {  	[bflag:$0x0] =	sbarrier.arrive $0xFFFF  }
0x86: {  	_ =	strace $0x90000050  }
0x87: {  	s0 =	stileid.u32;
	[bflag:$0x2] =	sbarrier.arrive $0xFFFF  }
0x88: {  	p0 =	sne.s32 s0, $0x0;
	s0 =	rddreg [dreg:$0x2]  }
0x89: {  	s0 =	sadd.s32 @!p0 $0x100000, s0  }
0x8a: {  	[sflag:s0] =	ssyncadd.tile.s32 @!p0 $0x1;
	_ =	shalt  }
.Lfunc_end2:
_tile_overlayer_lowered:
.L_overlay_start_2:
0x8b: {  	(tag) =	ssettag $0x2  }
0x8c: {  	s0 =	rddreg [dreg:$0x0];
	s2 =	stileid.u32  }
0x8d: {  	s1 =	rddreg [dreg:$0x1];
	p0 =	sne.s32 s2, $0x0  }
0x8e: {  	s3 =	rddreg [dreg:$0x2];
	[bflag:$0x3] =	sbarrier.arrive $0xFFFF;
	s2 =	simm.s32 @!p0 $0x1C04  }
0x8f: {  	[timem:s3], [sflag:s2] =	dma.local @!p0 [hbm:s0], s1  }
0x90: {  	s0 =	simm.s32 @!p0 $0x4  }
0x91: {  	_ =	swait.ge @!p0 [sflag:s0], s1  }
0x92: {  	s1 =	ssub.s32 @!p0 $0x0, s1;
	[sflag:s0] =	ssyncset.done @!p0 $0x0  }
0x93: {  	[sflag:s0] =	ssyncadd.s32 @!p0 s1  }
0x94: {  	[bflag:$0x3] =	sbarrier.arrive $0xFFFF  }
0x95: {  	_ =	shalt  }

</sc_bundles>
